<compile_context>
chip_gen: v7x
topology: tpu7x:2x2x1
jax: 0.10.2.dev20260603
libtpu: 0.0.44.dev20260713+nightly
codegen_flags: <defaults>
</compile_context>

<pallas_src>
import functools

import jax
import jax.numpy as jnp
from jax import lax
from jax.experimental import pallas as pl
from jax.experimental.pallas import tpu as pltpu
from jax.experimental.pallas import tpu_sc as plsc

_BATCH = 16384
_DIM = 32
_NUM_WORKERS = 32
_BPW = _BATCH // _NUM_WORKERS
_L = 16
_W = 128
_NSLOT = 8
_NGRP = _BPW // _L
_HALF = _BPW // 2


def _gmf_body(users_hbm, items_hbm, ut_hbm, it_hbm, out_hbm,
              idx_u, idx_i, ring_u, ring_i, buf, *sems):
    sem_u = sems[:_NSLOT]
    sem_i = sems[_NSLOT:]
    wid = lax.axis_index("s") * 2 + lax.axis_index("c")
    base = wid * _BPW
    pltpu.sync_copy(users_hbm.at[pl.ds(base, _BPW)], idx_u)
    pltpu.sync_copy(items_hbm.at[pl.ds(base, _BPW)], idx_i)

    lane = lax.iota(jnp.int32, _L)
    dummy = out_hbm.at[pl.ds(0, _DIM), pl.ds(0, _W)]

    def issue(ou_vec, oi_vec, l):
        slot = l % _NSLOT
        ou = pl.multiple_of(ou_vec[l], _W)
        oi = pl.multiple_of(oi_vec[l], _W)
        pltpu.async_copy(ut_hbm.at[pl.ds(0, _DIM), pl.ds(ou, _W)],
                         ring_u.at[slot], sem_u[slot])
        pltpu.async_copy(it_hbm.at[pl.ds(0, _DIM), pl.ds(oi, _W)],
                         ring_i.at[slot], sem_i[slot])

    def process(ru_vec, ri_vec, l, row):
        slot = l % _NSLOT
        pltpu.make_async_copy(dummy, ring_u.at[slot], sem_u[slot]).wait()
        pltpu.make_async_copy(dummy, ring_i.at[slot], sem_i[slot]).wait()
        slot_splat = jnp.full((_L,), slot, jnp.int32)
        cu = jnp.broadcast_to(ru_vec[l], (_L,))
        ci = jnp.broadcast_to(ri_vec[l], (_L,))
        for h in (0, _L):
            u = plsc.load_gather(ring_u, [slot_splat, lane + h, cu])
            v = plsc.load_gather(ring_i, [slot_splat, lane + h, ci])
            buf[row & (_HALF - 1), pl.ds(h, _L)] = u * v

    def body(g, carry):
        gp = jnp.maximum(g - 1, 0)
        vu = idx_u[pl.ds(g * _L, _L)]
        vi = idx_i[pl.ds(g * _L, _L)]
        pu = idx_u[pl.ds(gp * _L, _L)]
        pi = idx_i[pl.ds(gp * _L, _L)]
        ou_vec = (vu >> 7) << 7
        oi_vec = (vi >> 7) << 7
        ru_vec = vu & (_W - 1)
        ri_vec = vi & (_W - 1)
        rpu_vec = pu & (_W - 1)
        rpi_vec = pi & (_W - 1)

        for l in range(_NSLOT):
            @pl.when(g > 0)
            def _(l=l):
                process(rpu_vec, rpi_vec, _L - _NSLOT + l,
                        gp * _L + _L - _NSLOT + l)
            issue(ou_vec, oi_vec, l)

        @pl.when(g == _NGRP // 2)
        def _():
            pltpu.sync_copy(buf, out_hbm.at[pl.ds(base, _HALF)])

        for l in range(_NSLOT, _L):
            process(ru_vec, ri_vec, l - _NSLOT, g * _L + l - _NSLOT)
            issue(ou_vec, oi_vec, l)
        return carry

    lax.fori_loop(0, _NGRP, body, 0)

    g_last = _NGRP - 1
    vu = idx_u[pl.ds(g_last * _L, _L)] & (_W - 1)
    vi = idx_i[pl.ds(g_last * _L, _L)] & (_W - 1)
    for l in range(_NSLOT):
        process(vu, vi, _L - _NSLOT + l, g_last * _L + _L - _NSLOT + l)

    pltpu.sync_copy(buf, out_hbm.at[pl.ds(base + _HALF, _HALF)])


@jax.jit
def kernel(users, items, user_table, item_table):
    mesh = plsc.VectorSubcoreMesh(core_axis_name="c", subcore_axis_name="s")
    run = functools.partial(
        pl.kernel,
        mesh=mesh,
        compiler_params=pltpu.CompilerParams(needs_layout_passes=False),
        out_type=jax.ShapeDtypeStruct((_BATCH, _DIM), jnp.float32),
        scratch_types=[
            pltpu.VMEM((_BPW,), jnp.int32),
            pltpu.VMEM((_BPW,), jnp.int32),
            pltpu.VMEM((_NSLOT, _DIM, _W), jnp.float32),
            pltpu.VMEM((_NSLOT, _DIM, _W), jnp.float32),
            pltpu.VMEM((_HALF, _DIM), jnp.float32),
        ] + [pltpu.SemaphoreType.DMA] * (2 * _NSLOT),
    )(_gmf_body)
    return run(users.astype(jnp.int32), items.astype(jnp.int32),
               user_table.T, item_table.T)

# --- scband reference (transcript-rebuilt; emitter-appended) ---
"""Pipeline reference for scband-gmf-50500225466752 (READ-ONLY COPY).

The authoritative reference and input builder live on the scoring server;
editing this copy changes nothing except your own understanding.
"""

import jax, jax.numpy as jnp
import numpy as np

NUM_USERS = 1000000
NUM_ITEMS = 1000000
EMBED_DIM = 32
BATCH = 16384

def setup_inputs(seed: int = 0) -> dict:
    key = jax.random.key(seed)
    k1, k2, k3, k4 = jax.random.split(key, 4)
    users = jax.random.randint(k1, (BATCH,), 0, NUM_USERS, dtype=jnp.int64) if jax.config.jax_enable_x64 else jax.random.randint(k1, (BATCH,), 0, NUM_USERS, dtype=jnp.int32)
    items = jax.random.randint(k2, (BATCH,), 0, NUM_ITEMS, dtype=users.dtype)
    user_table = jax.random.normal(k3, (NUM_USERS, EMBED_DIM), dtype=jnp.float32)
    item_table = jax.random.normal(k4, (NUM_ITEMS, EMBED_DIM), dtype=jnp.float32)
    return {"users": users, "items": items, "user_table": user_table, "item_table": item_table}

def reference(users, items, user_table, item_table):
    user_embeds = jnp.take(user_table, users, axis=0)
    item_embeds = jnp.take(item_table, items, axis=0)
    return user_embeds * item_embeds

if __name__ == "__main__":
    import jax
    _d = setup_inputs()
    print(jax.jit(kernel)(*tuple(_d.values())))

</pallas_src>

<mosaic_0001>
#map = affine_map<(d0, d1) -> (0)>
#map1 = affine_map<(d0, d1) -> (0, 0)>
module attributes {stable_mosaic.version = 14 : i64} {
  func.func @_gmf_body(%arg0: i32, %arg1: i32, %arg2: memref<16384xi32, #tpu.memory_space<hbm>>, %arg3: memref<16384xi32, #tpu.memory_space<hbm>>, %arg4: memref<32x1000000xf32, #tpu.memory_space<hbm>>, %arg5: memref<32x1000000xf32, #tpu.memory_space<hbm>>, %arg6: memref<16384x32xf32, #tpu.memory_space<hbm>>, %arg7: memref<512xi32, #tpu.memory_space<vmem>>, %arg8: memref<512xi32, #tpu.memory_space<vmem>>, %arg9: memref<8x32x128xf32, #tpu.memory_space<vmem>>, %arg10: memref<8x32x128xf32, #tpu.memory_space<vmem>>, %arg11: memref<256x32xf32, #tpu.memory_space<vmem>>, %arg12: memref<!tpu.dma_semaphore, #tpu.memory_space<semaphore_mem>>, %arg13: memref<!tpu.dma_semaphore, #tpu.memory_space<semaphore_mem>>, %arg14: memref<!tpu.dma_semaphore, #tpu.memory_space<semaphore_mem>>, %arg15: memref<!tpu.dma_semaphore, #tpu.memory_space<semaphore_mem>>, %arg16: memref<!tpu.dma_semaphore, #tpu.memory_space<semaphore_mem>>, %arg17: memref<!tpu.dma_semaphore, #tpu.memory_space<semaphore_mem>>, %arg18: memref<!tpu.dma_semaphore, #tpu.memory_space<semaphore_mem>>, %arg19: memref<!tpu.dma_semaphore, #tpu.memory_space<semaphore_mem>>, %arg20: memref<!tpu.dma_semaphore, #tpu.memory_space<semaphore_mem>>, %arg21: memref<!tpu.dma_semaphore, #tpu.memory_space<semaphore_mem>>, %arg22: memref<!tpu.dma_semaphore, #tpu.memory_space<semaphore_mem>>, %arg23: memref<!tpu.dma_semaphore, #tpu.memory_space<semaphore_mem>>, %arg24: memref<!tpu.dma_semaphore, #tpu.memory_space<semaphore_mem>>, %arg25: memref<!tpu.dma_semaphore, #tpu.memory_space<semaphore_mem>>, %arg26: memref<!tpu.dma_semaphore, #tpu.memory_space<semaphore_mem>>, %arg27: memref<!tpu.dma_semaphore, #tpu.memory_space<semaphore_mem>>) attributes {dimension_semantics = [#tpu.dimension_semantics<core_parallel>, #tpu.dimension_semantics<subcore_parallel>], iteration_bounds = array<i64: 2, 16>, scalar_prefetch = 0 : i64, scratch_operands = 21 : i64, tpu.core_type = #tpu.core_type<sc_vector_subcore>, window_params = [{transform_indices = #map}, {transform_indices = #map}, {transform_indices = #map1}, {transform_indices = #map1}, {transform_indices = #map1}]} {
    %mul3A = arith.constant 2 : i32
    %mul3A_0 = arith.muli %arg1, %mul3A : i32
    %add3A = arith.addi %mul3A_0, %arg0 : i32
    %mul3A_1 = arith.constant 512 : i32
    %mul3A_2 = arith.muli %add3A, %mul3A_1 : i32
    "tpu.region"() ({
      %run_scoped3A = tpu.sem_alloc : memref<!tpu.dma_semaphore, #tpu.memory_space<semaphore_mem>>
      %dma_start3A = tpu.memref_slice %arg2[%mul3A_2] : memref<16384xi32, #tpu.memory_space<hbm>> -> memref<512xi32, #tpu.memory_space<hbm>>
      %dma_start3A_524 = tpu.memref_slice %arg2[%mul3A_2] : memref<16384xi32, #tpu.memory_space<hbm>> -> memref<512xi32, #tpu.memory_space<hbm>>
      tpu.enqueue_dma source(%dma_start3A_524 : memref<512xi32, #tpu.memory_space<hbm>>) target(%arg7 : memref<512xi32, #tpu.memory_space<vmem>>) target_semaphore(%run_scoped3A : memref<!tpu.dma_semaphore, #tpu.memory_space<semaphore_mem>>)
      %dma_wait3A_525 = tpu.memref_slice %arg2[%mul3A_2] : memref<16384xi32, #tpu.memory_space<hbm>> -> memref<512xi32, #tpu.memory_space<hbm>>
      %dma_wait3A_526 = tpu.memref_slice %arg2[%mul3A_2] : memref<16384xi32, #tpu.memory_space<hbm>> -> memref<512xi32, #tpu.memory_space<hbm>>
      tpu.wait_dma2 semaphore(%run_scoped3A : memref<!tpu.dma_semaphore, #tpu.memory_space<semaphore_mem>>) src(%dma_wait3A_526 : memref<512xi32, #tpu.memory_space<hbm>>) dst(%arg7 : memref<512xi32, #tpu.memory_space<vmem>>)
      tpu.yield
    }) : () -> ()
    "tpu.region"() ({
      %run_scoped3A = tpu.sem_alloc : memref<!tpu.dma_semaphore, #tpu.memory_space<semaphore_mem>>
      %dma_start3A = tpu.memref_slice %arg3[%mul3A_2] : memref<16384xi32, #tpu.memory_space<hbm>> -> memref<512xi32, #tpu.memory_space<hbm>>
      %dma_start3A_524 = tpu.memref_slice %arg3[%mul3A_2] : memref<16384xi32, #tpu.memory_space<hbm>> -> memref<512xi32, #tpu.memory_space<hbm>>
      tpu.enqueue_dma source(%dma_start3A_524 : memref<512xi32, #tpu.memory_space<hbm>>) target(%arg8 : memref<512xi32, #tpu.memory_space<vmem>>) target_semaphore(%run_scoped3A : memref<!tpu.dma_semaphore, #tpu.memory_space<semaphore_mem>>)
      %dma_wait3A_525 = tpu.memref_slice %arg3[%mul3A_2] : memref<16384xi32, #tpu.memory_space<hbm>> -> memref<512xi32, #tpu.memory_space<hbm>>
      %dma_wait3A_526 = tpu.memref_slice %arg3[%mul3A_2] : memref<16384xi32, #tpu.memory_space<hbm>> -> memref<512xi32, #tpu.memory_space<hbm>>
      tpu.wait_dma2 semaphore(%run_scoped3A : memref<!tpu.dma_semaphore, #tpu.memory_space<semaphore_mem>>) src(%dma_wait3A_526 : memref<512xi32, #tpu.memory_space<hbm>>) dst(%arg8 : memref<512xi32, #tpu.memory_space<vmem>>)
      tpu.yield
    }) : () -> ()
    %iota3A = tpu.iota {dimensions = array<i32: 0>} : vector<16xi32>
    %scan3A = arith.constant 0 : i32
    %scan3A_3 = arith.constant 0 : i32
    %scan3A_4 = arith.constant 32 : i32
    %scan3A_5 = arith.addi %scan3A_3, %scan3A_4 : i32
    %scan3A_6 = arith.constant 1 : i32
    scf.for %scan3A_524 = %scan3A_3 to %scan3A_5 step %scan3A_6  : i32 {
      %sub3A = arith.constant 1 : i32
      %sub3A_525 = arith.subi %scan3A_524, %sub3A : i32
      %max3A = arith.constant 0 : i32
      %max3A_526 = arith.maxsi %sub3A_525, %max3A : i32
      %mul3A_527 = arith.constant 16 : i32
      %mul3A_528 = arith.muli %scan3A_524, %mul3A_527 : i32
      %get3A_529 = arith.index_cast %mul3A_528 : i32 to index
      %get3A_530 = tpu.vector_load %arg7[%get3A_529] {strides = array<i32>} : memref<512xi32, #tpu.memory_space<vmem>>, vector<16xi32>,
      %mul3A_531 = arith.constant 16 : i32
      %mul3A_532 = arith.muli %scan3A_524, %mul3A_531 : i32
      %get3A_533 = arith.index_cast %mul3A_532 : i32 to index
      %get3A_534 = tpu.vector_load %arg8[%get3A_533] {strides = array<i32>} : memref<512xi32, #tpu.memory_space<vmem>>, vector<16xi32>,
      %mul3A_535 = arith.constant 16 : i32
      %mul3A_536 = arith.muli %max3A_526, %mul3A_535 : i32
      %get3A_537 = arith.index_cast %mul3A_536 : i32 to index
      %get3A_538 = tpu.vector_load %arg7[%get3A_537] {strides = array<i32>} : memref<512xi32, #tpu.memory_space<vmem>>, vector<16xi32>,
      %mul3A_539 = arith.constant 16 : i32
      %mul3A_540 = arith.muli %max3A_526, %mul3A_539 : i32
      %get3A_541 = arith.index_cast %mul3A_540 : i32 to index
      %get3A_542 = tpu.vector_load %arg8[%get3A_541] {strides = array<i32>} : memref<512xi32, #tpu.memory_space<vmem>>, vector<16xi32>,
      %shift_right_arithmetic3A = arith.constant 7 : i32
      %shift_right_arithmetic3A_543 = vector.broadcast %shift_right_arithmetic3A : i32 to vector<16xi32>
      %shift_right_arithmetic3A_544 = arith.shrsi %get3A_530, %shift_right_arithmetic3A_543 : vector<16xi32>
      %shift_left3A = arith.constant 7 : i32
      %shift_left3A_545 = vector.broadcast %shift_left3A : i32 to vector<16xi32>
      %shift_left3A_546 = arith.shli %shift_right_arithmetic3A_544, %shift_left3A_545 : vector<16xi32>
      %shift_right_arithmetic3A_547 = arith.constant 7 : i32
      %shift_right_arithmetic3A_548 = vector.broadcast %shift_right_arithmetic3A_547 : i32 to vector<16xi32>
      %shift_right_arithmetic3A_549 = arith.shrsi %get3A_534, %shift_right_arithmetic3A_548 : vector<16xi32>
      %shift_left3A_550 = arith.constant 7 : i32
      %shift_left3A_551 = vector.broadcast %shift_left3A_550 : i32 to vector<16xi32>
      %shift_left3A_552 = arith.shli %shift_right_arithmetic3A_549, %shift_left3A_551 : vector<16xi32>
      %and3A_553 = arith.constant 127 : i32
      %and3A_554 = vector.broadcast %and3A_553 : i32 to vector<16xi32>
      %and3A_555 = arith.andi %get3A_530, %and3A_554 : vector<16xi32>
      %and3A_556 = arith.constant 127 : i32
      %and3A_557 = vector.broadcast %and3A_556 : i32 to vector<16xi32>
      %and3A_558 = arith.andi %get3A_534, %and3A_557 : vector<16xi32>
      %and3A_559 = arith.constant 127 : i32
      %and3A_560 = vector.broadcast %and3A_559 : i32 to vector<16xi32>
      %and3A_561 = arith.andi %get3A_538, %and3A_560 : vector<16xi32>
      %and3A_562 = arith.constant 127 : i32
      %and3A_563 = vector.broadcast %and3A_562 : i32 to vector<16xi32>
      %and3A_564 = arith.andi %get3A_542, %and3A_563 : vector<16xi32>
      %gt3A = arith.constant 0 : i32
      %gt3A_565 = arith.cmpi sgt, %scan3A_524, %gt3A : i32
      %convert_element_type3A = arith.extui %gt3A_565 : i1 to i32
      %cond3A = arith.constant 0 : i32
      %cond3A_566 = arith.cmpi ne, %convert_element_type3A, %cond3A : i32
      scf.if %cond3A_566 {
        %mul3A_1692 = arith.constant 16 : i32
        %mul3A_1693 = arith.muli %max3A_526, %mul3A_1692 : i32
        %add3A_1694 = arith.constant 16 : i32
        %add3A_1695 = arith.addi %mul3A_1693, %add3A_1694 : i32
        %sub3A_1696 = arith.constant 8 : i32
        %sub3A_1697 = arith.subi %add3A_1695, %sub3A_1696 : i32
        %add3A_1698 = arith.constant 0 : i32
        %add3A_1699 = arith.addi %sub3A_1697, %add3A_1698 : i32
        %dma_wait3A_1700 = arith.constant 0 : i32
        %dma_wait3A_1701 = arith.constant 0 : i32
        %dma_wait3A_1702 = arith.constant 0 : i32
        %dma_wait3A_1703 = tpu.memref_slice %arg9[%dma_wait3A_1700, %dma_wait3A_1701, %dma_wait3A_1702] : memref<8x32x128xf32, #tpu.memory_space<vmem>> -> memref<1x32x128xf32, #tpu.memory_space<vmem>>
        %dma_wait3A_1704 = tpu.memref_squeeze %dma_wait3A_1703 : memref<1x32x128xf32, #tpu.memory_space<vmem>> -> memref<32x128xf32, #tpu.memory_space<vmem>>
        %dma_wait3A_1705 = arith.constant 0 : i32
        %dma_wait3A_1706 = arith.constant 0 : i32
        %dma_wait3A_1707 = tpu.memref_slice %arg6[%dma_wait3A_1705, %dma_wait3A_1706] : memref<16384x32xf32, #tpu.memory_space<hbm>> -> memref<32x128xf32, #tpu.memory_space<hbm>>
        %dma_wait3A_1708 = arith.constant 0 : i32
        %dma_wait3A_1709 = arith.constant 0 : i32
        %dma_wait3A_1710 = tpu.memref_slice %arg9[%dma_wait3A_1700, %dma_wait3A_1708, %dma_wait3A_1709] : memref<8x32x128xf32, #tpu.memory_space<vmem>> -> memref<1x32x128xf32, #tpu.memory_space<vmem>>
        %dma_wait3A_1711 = tpu.memref_squeeze %dma_wait3A_1710 : memref<1x32x128xf32, #tpu.memory_space<vmem>> -> memref<32x128xf32, #tpu.memory_space<vmem>>
        %dma_wait3A_1712 = arith.constant 0 : i32
        %dma_wait3A_1713 = arith.constant 0 : i32
        %dma_wait3A_1714 = tpu.memref_slice %arg6[%dma_wait3A_1712, %dma_wait3A_1713] : memref<16384x32xf32, #tpu.memory_space<hbm>> -> memref<32x128xf32, #tpu.memory_space<hbm>>
        tpu.wait_dma2 semaphore(%arg12 : memref<!tpu.dma_semaphore, #tpu.memory_space<semaphore_mem>>) src(%dma_wait3A_1714 : memref<32x128xf32, #tpu.memory_space<hbm>>) dst(%dma_wait3A_1711 : memref<32x128xf32, #tpu.memory_space<vmem>>)
        %dma_wait3A_1715 = arith.constant 0 : i32
        %dma_wait3A_1716 = arith.constant 0 : i32
        %dma_wait3A_1717 = arith.constant 0 : i32
        %dma_wait3A_1718 = tpu.memref_slice %arg10[%dma_wait3A_1715, %dma_wait3A_1716, %dma_wait3A_1717] : memref<8x32x128xf32, #tpu.memory_space<vmem>> -> memref<1x32x128xf32, #tpu.memory_space<vmem>>
        %dma_wait3A_1719 = tpu.memref_squeeze %dma_wait3A_1718 : memref<1x32x128xf32, #tpu.memory_space<vmem>> -> memref<32x128xf32, #tpu.memory_space<vmem>>
        %dma_wait3A_1720 = arith.constant 0 : i32
        %dma_wait3A_1721 = arith.constant 0 : i32
        %dma_wait3A_1722 = tpu.memref_slice %arg6[%dma_wait3A_1720, %dma_wait3A_1721] : memref<16384x32xf32, #tpu.memory_space<hbm>> -> memref<32x128xf32, #tpu.memory_space<hbm>>
        %dma_wait3A_1723 = arith.constant 0 : i32
        %dma_wait3A_1724 = arith.constant 0 : i32
        %dma_wait3A_1725 = tpu.memref_slice %arg10[%dma_wait3A_1715, %dma_wait3A_1723, %dma_wait3A_1724] : memref<8x32x128xf32, #tpu.memory_space<vmem>> -> memref<1x32x128xf32, #tpu.memory_space<vmem>>
        %dma_wait3A_1726 = tpu.memref_squeeze %dma_wait3A_1725 : memref<1x32x128xf32, #tpu.memory_space<vmem>> -> memref<32x128xf32, #tpu.memory_space<vmem>>
        %dma_wait3A_1727 = arith.constant 0 : i32
        %dma_wait3A_1728 = arith.constant 0 : i32
        %dma_wait3A_1729 = tpu.memref_slice %arg6[%dma_wait3A_1727, %dma_wait3A_1728] : memref<16384x32xf32, #tpu.memory_space<hbm>> -> memref<32x128xf32, #tpu.memory_space<hbm>>
        tpu.wait_dma2 semaphore(%arg20 : memref<!tpu.dma_semaphore, #tpu.memory_space<semaphore_mem>>) src(%dma_wait3A_1729 : memref<32x128xf32, #tpu.memory_space<hbm>>) dst(%dma_wait3A_1726 : memref<32x128xf32, #tpu.memory_space<vmem>>)
        %broadcast_in_dim3A_1730 = arith.constant 0 : i32
        %broadcast_in_dim3A_1731 = vector.broadcast %broadcast_in_dim3A_1730 : i32 to vector<16xi32>
        %slice3A_1732 = vector.extract_strided_slice %and3A_561 {offsets = [8], sizes = [1], strides = [1]} : vector<16xi32> to vector<1xi32>
        %squeeze3A_1733 = vector.extract %slice3A_1732[0] : i32 from vector<1xi32>
        %broadcast_in_dim3A_1734 = vector.broadcast %squeeze3A_1733 : i32 to vector<16xi32>
        %slice3A_1735 = vector.extract_strided_slice %and3A_564 {offsets = [8], sizes = [1], strides = [1]} : vector<16xi32> to vector<1xi32>
        %squeeze3A_1736 = vector.extract %slice3A_1735[0] : i32 from vector<1xi32>
        %broadcast_in_dim3A_1737 = vector.broadcast %squeeze3A_1736 : i32 to vector<16xi32>
        %add3A_1738 = arith.constant 0 : i32
        %add3A_1739 = vector.broadcast %add3A_1738 : i32 to vector<16xi32>
        %add3A_1740 = arith.addi %iota3A, %add3A_1739 : vector<16xi32>
        %gather3A_1741 = tpu.vector_load_idx %arg9[%broadcast_in_dim3A_1731, %add3A_1740, %broadcast_in_dim3A_1734] : memref<8x32x128xf32, #tpu.memory_space<vmem>>[vector<16xi32>, vector<16xi32>, vector<16xi32>], vector<16xf32>,
        %add3A_1742 = arith.constant 0 : i32
        %add3A_1743 = vector.broadcast %add3A_1742 : i32 to vector<16xi32>
        %add3A_1744 = arith.addi %iota3A, %add3A_1743 : vector<16xi32>
        %gather3A_1745 = tpu.vector_load_idx %arg10[%broadcast_in_dim3A_1731, %add3A_1744, %broadcast_in_dim3A_1737] : memref<8x32x128xf32, #tpu.memory_space<vmem>>[vector<16xi32>, vector<16xi32>, vector<16xi32>], vector<16xf32>,
        %mul3A_1746 = arith.mulf %gather3A_1741, %gather3A_1745 : vector<16xf32>
        %and3A_1747 = arith.constant 255 : i32
        %and3A_1748 = arith.andi %add3A_1699, %and3A_1747 : i32
        %swap3A_1749 = arith.index_cast %and3A_1748 : i32 to index
        %swap3A_1750 = arith.constant 0 : index
        %swap3A_1751 = tpu.vector_load %arg11[%swap3A_1749, %swap3A_1750] {strides = array<i32>} : memref<256x32xf32, #tpu.memory_space<vmem>>, vector<16xf32>,
        tpu.vector_store %arg11[%swap3A_1749, %swap3A_1750], %mul3A_1746 {strides = array<i32>} : memref<256x32xf32, #tpu.memory_space<vmem>>, vector<16xf32>,
        %add3A_1752 = arith.constant 16 : i32
        %add3A_1753 = vector.broadcast %add3A_1752 : i32 to vector<16xi32>
        %add3A_1754 = arith.addi %iota3A, %add3A_1753 : vector<16xi32>
        %gather3A_1755 = tpu.vector_load_idx %arg9[%broadcast_in_dim3A_1731, %add3A_1754, %broadcast_in_dim3A_1734] : memref<8x32x128xf32, #tpu.memory_space<vmem>>[vector<16xi32>, vector<16xi32>, vector<16xi32>], vector<16xf32>,
        %add3A_1756 = arith.constant 16 : i32
        %add3A_1757 = vector.broadcast %add3A_1756 : i32 to vector<16xi32>
        %add3A_1758 = arith.addi %iota3A, %add3A_1757 : vector<16xi32>
        %gather3A_1759 = tpu.vector_load_idx %arg10[%broadcast_in_dim3A_1731, %add3A_1758, %broadcast_in_dim3A_1737] : memref<8x32x128xf32, #tpu.memory_space<vmem>>[vector<16xi32>, vector<16xi32>, vector<16xi32>], vector<16xf32>,
        %mul3A_1760 = arith.mulf %gather3A_1755, %gather3A_1759 : vector<16xf32>
        %and3A_1761 = arith.constant 255 : i32
        %and3A_1762 = arith.andi %add3A_1699, %and3A_1761 : i32
        %swap3A_1763 = arith.index_cast %and3A_1762 : i32 to index
        %swap3A_1764 = arith.constant 16 : index
        %swap3A_1765 = tpu.vector_load %arg11[%swap3A_1763, %swap3A_1764] {strides = array<i32>} : memref<256x32xf32, #tpu.memory_space<vmem>>, vector<16xf32>,
        tpu.vector_store %arg11[%swap3A_1763, %swap3A_1764], %mul3A_1760 {strides = array<i32>} : memref<256x32xf32, #tpu.memory_space<vmem>>, vector<16xf32>,
      } else {
      }
      %slice3A_567 = vector.extract_strided_slice %shift_left3A_546 {offsets = [0], sizes = [1], strides = [1]} : vector<16xi32> to vector<1xi32>
      %squeeze3A_568 = vector.extract %slice3A_567[0] : i32 from vector<1xi32>
      %multiple_of3A = tpu.assume_multiple %squeeze3A_568, 128 : i32
      %slice3A_569 = vector.extract_strided_slice %shift_left3A_552 {offsets = [0], sizes = [1], strides = [1]} : vector<16xi32> to vector<1xi32>
      %squeeze3A_570 = vector.extract %slice3A_569[0] : i32 from vector<1xi32>
      %multiple_of3A_571 = tpu.assume_multiple %squeeze3A_570, 128 : i32
      %dma_start3A = arith.constant 0 : i32
      %dma_start3A_572 = arith.constant 0 : i32
      %dma_start3A_573 = arith.constant 0 : i32
      %dma_start3A_574 = tpu.memref_slice %arg9[%dma_start3A, %dma_start3A_572, %dma_start3A_573] : memref<8x32x128xf32, #tpu.memory_space<vmem>> -> memref<1x32x128xf32, #tpu.memory_space<vmem>>
      %dma_start3A_575 = tpu.memref_squeeze %dma_start3A_574 : memref<1x32x128xf32, #tpu.memory_space<vmem>> -> memref<32x128xf32, #tpu.memory_space<vmem>>
      %dma_start3A_576 = arith.constant 0 : i32
      %dma_start3A_577 = tpu.memref_slice %arg4[%dma_start3A_576, %multiple_of3A] : memref<32x1000000xf32, #tpu.memory_space<hbm>> -> memref<32x128xf32, #tpu.memory_space<hbm>>
      %dma_start3A_578 = arith.constant 0 : i32
      %dma_start3A_579 = arith.constant 0 : i32
      %dma_start3A_580 = tpu.memref_slice %arg9[%dma_start3A, %dma_start3A_578, %dma_start3A_579] : memref<8x32x128xf32, #tpu.memory_space<vmem>> -> memref<1x32x128xf32, #tpu.memory_space<vmem>>
      %dma_start3A_581 = tpu.memref_squeeze %dma_start3A_580 : memref<1x32x128xf32, #tpu.memory_space<vmem>> -> memref<32x128xf32, #tpu.memory_space<vmem>>
      %dma_start3A_582 = arith.constant 0 : i32
      %dma_start3A_583 = tpu.memref_slice %arg4[%dma_start3A_582, %multiple_of3A] : memref<32x1000000xf32, #tpu.memory_space<hbm>> -> memref<32x128xf32, #tpu.memory_space<hbm>>
      tpu.enqueue_dma source(%dma_start3A_583 : memref<32x128xf32, #tpu.memory_space<hbm>>) target(%dma_start3A_581 : memref<32x128xf32, #tpu.memory_space<vmem>>) target_semaphore(%arg12 : memref<!tpu.dma_semaphore, #tpu.memory_space<semaphore_mem>>)
      %dma_start3A_584 = arith.constant 0 : i32
      %dma_start3A_585 = arith.constant 0 : i32
      %dma_start3A_586 = arith.constant 0 : i32
      %dma_start3A_587 = tpu.memref_slice %arg10[%dma_start3A_584, %dma_start3A_585, %dma_start3A_586] : memref<8x32x128xf32, #tpu.memory_space<vmem>> -> memref<1x32x128xf32, #tpu.memory_space<vmem>>
      %dma_start3A_588 = tpu.memref_squeeze %dma_start3A_587 : memref<1x32x128xf32, #tpu.memory_space<vmem>> -> memref<32x128xf32, #tpu.memory_space<vmem>>
      %dma_start3A_589 = arith.constant 0 : i32
      %dma_start3A_590 = tpu.memref_slice %arg5[%dma_start3A_589, %multiple_of3A_571] : memref<32x1000000xf32, #tpu.memory_space<hbm>> -> memref<32x128xf32, #tpu.memory_space<hbm>>
      %dma_start3A_591 = arith.constant 0 : i32
      %dma_start3A_592 = arith.constant 0 : i32
      %dma_start3A_593 = tpu.memref_slice %arg10[%dma_start3A_584, %dma_start3A_591, %dma_start3A_592] : memref<8x32x128xf32, #tpu.memory_space<vmem>> -> memref<1x32x128xf32, #tpu.memory_space<vmem>>
      %dma_start3A_594 = tpu.memref_squeeze %dma_start3A_593 : memref<1x32x128xf32, #tpu.memory_space<vmem>> -> memref<32x128xf32, #tpu.memory_space<vmem>>
      %dma_start3A_595 = arith.constant 0 : i32
      %dma_start3A_596 = tpu.memref_slice %arg5[%dma_start3A_595, %multiple_of3A_571] : memref<32x1000000xf32, #tpu.memory_space<hbm>> -> memref<32x128xf32, #tpu.memory_space<hbm>>
      tpu.enqueue_dma source(%dma_start3A_596 : memref<32x128xf32, #tpu.memory_space<hbm>>) target(%dma_start3A_594 : memref<32x128xf32, #tpu.memory_space<vmem>>) target_semaphore(%arg20 : memref<!tpu.dma_semaphore, #tpu.memory_space<semaphore_mem>>)
      %gt3A_597 = arith.constant 0 : i32
      %gt3A_598 = arith.cmpi sgt, %scan3A_524, %gt3A_597 : i32
      %convert_element_type3A_599 = arith.extui %gt3A_598 : i1 to i32
      %cond3A_600 = arith.constant 0 : i32
      %cond3A_601 = arith.cmpi ne, %convert_element_type3A_599, %cond3A_600 : i32
      scf.if %cond3A_601 {
        %mul3A_1692 = arith.constant 16 : i32
        %mul3A_1693 = arith.muli %max3A_526, %mul3A_1692 : i32
        %add3A_1694 = arith.constant 16 : i32
        %add3A_1695 = arith.addi %mul3A_1693, %add3A_1694 : i32
        %sub3A_1696 = arith.constant 8 : i32
        %sub3A_1697 = arith.subi %add3A_1695, %sub3A_1696 : i32
        %add3A_1698 = arith.constant 1 : i32
        %add3A_1699 = arith.addi %sub3A_1697, %add3A_1698 : i32
        %dma_wait3A_1700 = arith.constant 1 : i32
        %dma_wait3A_1701 = arith.constant 0 : i32
        %dma_wait3A_1702 = arith.constant 0 : i32
        %dma_wait3A_1703 = tpu.memref_slice %arg9[%dma_wait3A_1700, %dma_wait3A_1701, %dma_wait3A_1702] : memref<8x32x128xf32, #tpu.memory_space<vmem>> -> memref<1x32x128xf32, #tpu.memory_space<vmem>>
        %dma_wait3A_1704 = tpu.memref_squeeze %dma_wait3A_1703 : memref<1x32x128xf32, #tpu.memory_space<vmem>> -> memref<32x128xf32, #tpu.memory_space<vmem>>
        %dma_wait3A_1705 = arith.constant 0 : i32
        %dma_wait3A_1706 = arith.constant 0 : i32
        %dma_wait3A_1707 = tpu.memref_slice %arg6[%dma_wait3A_1705, %dma_wait3A_1706] : memref<16384x32xf32, #tpu.memory_space<hbm>> -> memref<32x128xf32, #tpu.memory_space<hbm>>
        %dma_wait3A_1708 = arith.constant 0 : i32
        %dma_wait3A_1709 = arith.constant 0 : i32
        %dma_wait3A_1710 = tpu.memref_slice %arg9[%dma_wait3A_1700, %dma_wait3A_1708, %dma_wait3A_1709] : memref<8x32x128xf32, #tpu.memory_space<vmem>> -> memref<1x32x128xf32, #tpu.memory_space<vmem>>
        %dma_wait3A_1711 = tpu.memref_squeeze %dma_wait3A_1710 : memref<1x32x128xf32, #tpu.memory_space<vmem>> -> memref<32x128xf32, #tpu.memory_space<vmem>>
        %dma_wait3A_1712 = arith.constant 0 : i32
        %dma_wait3A_1713 = arith.constant 0 : i32
        %dma_wait3A_1714 = tpu.memref_slice %arg6[%dma_wait3A_1712, %dma_wait3A_1713] : memref<16384x32xf32, #tpu.memory_space<hbm>> -> memref<32x128xf32, #tpu.memory_space<hbm>>
        tpu.wait_dma2 semaphore(%arg13 : memref<!tpu.dma_semaphore, #tpu.memory_space<semaphore_mem>>) src(%dma_wait3A_1714 : memref<32x128xf32, #tpu.memory_space<hbm>>) dst(%dma_wait3A_1711 : memref<32x128xf32, #tpu.memory_space<vmem>>)
        %dma_wait3A_1715 = arith.constant 1 : i32
        %dma_wait3A_1716 = arith.constant 0 : i32
        %dma_wait3A_1717 = arith.constant 0 : i32
        %dma_wait3A_1718 = tpu.memref_slice %arg10[%dma_wait3A_1715, %dma_wait3A_1716, %dma_wait3A_1717] : memref<8x32x128xf32, #tpu.memory_space<vmem>> -> memref<1x32x128xf32, #tpu.memory_space<vmem>>
        %dma_wait3A_1719 = tpu.memref_squeeze %dma_wait3A_1718 : memref<1x32x128xf32, #tpu.memory_space<vmem>> -> memref<32x128xf32, #tpu.memory_space<vmem>>
        %dma_wait3A_1720 = arith.constant 0 : i32
        %dma_wait3A_1721 = arith.constant 0 : i32
        %dma_wait3A_1722 = tpu.memref_slice %arg6[%dma_wait3A_1720, %dma_wait3A_1721] : memref<16384x32xf32, #tpu.memory_space<hbm>> -> memref<32x128xf32, #tpu.memory_space<hbm>>
        %dma_wait3A_1723 = arith.constant 0 : i32
        %dma_wait3A_1724 = arith.constant 0 : i32
        %dma_wait3A_1725 = tpu.memref_slice %arg10[%dma_wait3A_1715, %dma_wait3A_1723, %dma_wait3A_1724] : memref<8x32x128xf32, #tpu.memory_space<vmem>> -> memref<1x32x128xf32, #tpu.memory_space<vmem>>
        %dma_wait3A_1726 = tpu.memref_squeeze %dma_wait3A_1725 : memref<1x32x128xf32, #tpu.memory_space<vmem>> -> memref<32x128xf32, #tpu.memory_space<vmem>>
        %dma_wait3A_1727 = arith.constant 0 : i32
        %dma_wait3A_1728 = arith.constant 0 : i32
        %dma_wait3A_1729 = tpu.memref_slice %arg6[%dma_wait3A_1727, %dma_wait3A_1728] : memref<16384x32xf32, #tpu.memory_space<hbm>> -> memref<32x128xf32, #tpu.memory_space<hbm>>
        tpu.wait_dma2 semaphore(%arg21 : memref<!tpu.dma_semaphore, #tpu.memory_space<semaphore_mem>>) src(%dma_wait3A_1729 : memref<32x128xf32, #tpu.memory_space<hbm>>) dst(%dma_wait3A_1726 : memref<32x128xf32, #tpu.memory_space<vmem>>)
        %broadcast_in_dim3A_1730 = arith.constant 1 : i32
        %broadcast_in_dim3A_1731 = vector.broadcast %broadcast_in_dim3A_1730 : i32 to vector<16xi32>
        %slice3A_1732 = vector.extract_strided_slice %and3A_561 {offsets = [9], sizes = [1], strides = [1]} : vector<16xi32> to vector<1xi32>
        %squeeze3A_1733 = vector.extract %slice3A_1732[0] : i32 from vector<1xi32>
        %broadcast_in_dim3A_1734 = vector.broadcast %squeeze3A_1733 : i32 to vector<16xi32>
        %slice3A_1735 = vector.extract_strided_slice %and3A_564 {offsets = [9], sizes = [1], strides = [1]} : vector<16xi32> to vector<1xi32>
        %squeeze3A_1736 = vector.extract %slice3A_1735[0] : i32 from vector<1xi32>
        %broadcast_in_dim3A_1737 = vector.broadcast %squeeze3A_1736 : i32 to vector<16xi32>
        %add3A_1738 = arith.constant 0 : i32
        %add3A_1739 = vector.broadcast %add3A_1738 : i32 to vector<16xi32>
        %add3A_1740 = arith.addi %iota3A, %add3A_1739 : vector<16xi32>
        %gather3A_1741 = tpu.vector_load_idx %arg9[%broadcast_in_dim3A_1731, %add3A_1740, %broadcast_in_dim3A_1734] : memref<8x32x128xf32, #tpu.memory_space<vmem>>[vector<16xi32>, vector<16xi32>, vector<16xi32>], vector<16xf32>,
        %add3A_1742 = arith.constant 0 : i32
        %add3A_1743 = vector.broadcast %add3A_1742 : i32 to vector<16xi32>
        %add3A_1744 = arith.addi %iota3A, %add3A_1743 : vector<16xi32>
        %gather3A_1745 = tpu.vector_load_idx %arg10[%broadcast_in_dim3A_1731, %add3A_1744, %broadcast_in_dim3A_1737] : memref<8x32x128xf32, #tpu.memory_space<vmem>>[vector<16xi32>, vector<16xi32>, vector<16xi32>], vector<16xf32>,
        %mul3A_1746 = arith.mulf %gather3A_1741, %gather3A_1745 : vector<16xf32>
        %and3A_1747 = arith.constant 255 : i32
        %and3A_1748 = arith.andi %add3A_1699, %and3A_1747 : i32
        %swap3A_1749 = arith.index_cast %and3A_1748 : i32 to index
        %swap3A_1750 = arith.constant 0 : index
        %swap3A_1751 = tpu.vector_load %arg11[%swap3A_1749, %swap3A_1750] {strides = array<i32>} : memref<256x32xf32, #tpu.memory_space<vmem>>, vector<16xf32>,
        tpu.vector_store %arg11[%swap3A_1749, %swap3A_1750], %mul3A_1746 {strides = array<i32>} : memref<256x32xf32, #tpu.memory_space<vmem>>, vector<16xf32>,
        %add3A_1752 = arith.constant 16 : i32
        %add3A_1753 = vector.broadcast %add3A_1752 : i32 to vector<16xi32>
        %add3A_1754 = arith.addi %iota3A, %add3A_1753 : vector<16xi32>
        %gather3A_1755 = tpu.vector_load_idx %arg9[%broadcast_in_dim3A_1731, %add3A_1754, %broadcast_in_dim3A_1734] : memref<8x32x128xf32, #tpu.memory_space<vmem>>[vector<16xi32>, vector<16xi32>, vector<16xi32>], vector<16xf32>,
        %add3A_1756 = arith.constant 16 : i32
        %add3A_1757 = vector.broadcast %add3A_1756 : i32 to vector<16xi32>
        %add3A_1758 = arith.addi %iota3A, %add3A_1757 : vector<16xi32>
        %gather3A_1759 = tpu.vector_load_idx %arg10[%broadcast_in_dim3A_1731, %add3A_1758, %broadcast_in_dim3A_1737] : memref<8x32x128xf32, #tpu.memory_space<vmem>>[vector<16xi32>, vector<16xi32>, vector<16xi32>], vector<16xf32>,
        %mul3A_1760 = arith.mulf %gather3A_1755, %gather3A_1759 : vector<16xf32>
        %and3A_1761 = arith.constant 255 : i32
        %and3A_1762 = arith.andi %add3A_1699, %and3A_1761 : i32
        %swap3A_1763 = arith.index_cast %and3A_1762 : i32 to index
        %swap3A_1764 = arith.constant 16 : index
        %swap3A_1765 = tpu.vector_load %arg11[%swap3A_1763, %swap3A_1764] {strides = array<i32>} : memref<256x32xf32, #tpu.memory_space<vmem>>, vector<16xf32>,
        tpu.vector_store %arg11[%swap3A_1763, %swap3A_1764], %mul3A_1760 {strides = array<i32>} : memref<256x32xf32, #tpu.memory_space<vmem>>, vector<16xf32>,
      } else {
      }
      %slice3A_602 = vector.extract_strided_slice %shift_left3A_546 {offsets = [1], sizes = [1], strides = [1]} : vector<16xi32> to vector<1xi32>
      %squeeze3A_603 = vector.extract %slice3A_602[0] : i32 from vector<1xi32>
      %multiple_of3A_604 = tpu.assume_multiple %squeeze3A_603, 128 : i32
      %slice3A_605 = vector.extract_strided_slice %shift_left3A_552 {offsets = [1], sizes = [1], strides = [1]} : vector<16xi32> to vector<1xi32>
      %squeeze3A_606 = vector.extract %slice3A_605[0] : i32 from vector<1xi32>
      %multiple_of3A_607 = tpu.assume_multiple %squeeze3A_606, 128 : i32
      %dma_start3A_608 = arith.constant 1 : i32
      %dma_start3A_609 = arith.constant 0 : i32
      %dma_start3A_610 = arith.constant 0 : i32
      %dma_start3A_611 = tpu.memref_slice %arg9[%dma_start3A_608, %dma_start3A_609, %dma_start3A_610] : memref<8x32x128xf32, #tpu.memory_space<vmem>> -> memref<1x32x128xf32, #tpu.memory_space<vmem>>
      %dma_start3A_612 = tpu.memref_squeeze %dma_start3A_611 : memref<1x32x128xf32, #tpu.memory_space<vmem>> -> memref<32x128xf32, #tpu.memory_space<vmem>>
      %dma_start3A_613 = arith.constant 0 : i32
      %dma_start3A_614 = tpu.memref_slice %arg4[%dma_start3A_613, %multiple_of3A_604] : memref<32x1000000xf32, #tpu.memory_space<hbm>> -> memref<32x128xf32, #tpu.memory_space<hbm>>
      %dma_start3A_615 = arith.constant 0 : i32
      %dma_start3A_616 = arith.constant 0 : i32
      %dma_start3A_617 = tpu.memref_slice %arg9[%dma_start3A_608, %dma_start3A_615, %dma_start3A_616] : memref<8x32x128xf32, #tpu.memory_space<vmem>> -> memref<1x32x128xf32, #tpu.memory_space<vmem>>
      %dma_start3A_618 = tpu.memref_squeeze %dma_start3A_617 : memref<1x32x128xf32, #tpu.memory_space<vmem>> -> memref<32x128xf32, #tpu.memory_space<vmem>>
      %dma_start3A_619 = arith.constant 0 : i32
      %dma_start3A_620 = tpu.memref_slice %arg4[%dma_start3A_619, %multiple_of3A_604] : memref<32x1000000xf32, #tpu.memory_space<hbm>> -> memref<32x128xf32, #tpu.memory_space<hbm>>
      tpu.enqueue_dma source(%dma_start3A_620 : memref<32x128xf32, #tpu.memory_space<hbm>>) target(%dma_start3A_618 : memref<32x128xf32, #tpu.memory_space<vmem>>) target_semaphore(%arg13 : memref<!tpu.dma_semaphore, #tpu.memory_space<semaphore_mem>>)
      %dma_start3A_621 = arith.constant 1 : i32
      %dma_start3A_622 = arith.constant 0 : i32
      %dma_start3A_623 = arith.constant 0 : i32
      %dma_start3A_624 = tpu.memref_slice %arg10[%dma_start3A_621, %dma_start3A_622, %dma_start3A_623] : memref<8x32x128xf32, #tpu.memory_space<vmem>> -> memref<1x32x128xf32, #tpu.memory_space<vmem>>
      %dma_start3A_625 = tpu.memref_squeeze %dma_start3A_624 : memref<1x32x128xf32, #tpu.memory_space<vmem>> -> memref<32x128xf32, #tpu.memory_space<vmem>>
      %dma_start3A_626 = arith.constant 0 : i32
      %dma_start3A_627 = tpu.memref_slice %arg5[%dma_start3A_626, %multiple_of3A_607] : memref<32x1000000xf32, #tpu.memory_space<hbm>> -> memref<32x128xf32, #tpu.memory_space<hbm>>
      %dma_start3A_628 = arith.constant 0 : i32
      %dma_start3A_629 = arith.constant 0 : i32
      %dma_start3A_630 = tpu.memref_slice %arg10[%dma_start3A_621, %dma_start3A_628, %dma_start3A_629] : memref<8x32x128xf32, #tpu.memory_space<vmem>> -> memref<1x32x128xf32, #tpu.memory_space<vmem>>
      %dma_start3A_631 = tpu.memref_squeeze %dma_start3A_630 : memref<1x32x128xf32, #tpu.memory_space<vmem>> -> memref<32x128xf32, #tpu.memory_space<vmem>>
      %dma_start3A_632 = arith.constant 0 : i32
      %dma_start3A_633 = tpu.memref_slice %arg5[%dma_start3A_632, %multiple_of3A_607] : memref<32x1000000xf32, #tpu.memory_space<hbm>> -> memref<32x128xf32, #tpu.memory_space<hbm>>
      tpu.enqueue_dma source(%dma_start3A_633 : memref<32x128xf32, #tpu.memory_space<hbm>>) target(%dma_start3A_631 : memref<32x128xf32, #tpu.memory_space<vmem>>) target_semaphore(%arg21 : memref<!tpu.dma_semaphore, #tpu.memory_space<semaphore_mem>>)
      %gt3A_634 = arith.constant 0 : i32
      %gt3A_635 = arith.cmpi sgt, %scan3A_524, %gt3A_634 : i32
      %convert_element_type3A_636 = arith.extui %gt3A_635 : i1 to i32
      %cond3A_637 = arith.constant 0 : i32
      %cond3A_638 = arith.cmpi ne, %convert_element_type3A_636, %cond3A_637 : i32
      scf.if %cond3A_638 {
        %mul3A_1692 = arith.constant 16 : i32
        %mul3A_1693 = arith.muli %max3A_526, %mul3A_1692 : i32
        %add3A_1694 = arith.constant 16 : i32
        %add3A_1695 = arith.addi %mul3A_1693, %add3A_1694 : i32
        %sub3A_1696 = arith.constant 8 : i32
        %sub3A_1697 = arith.subi %add3A_1695, %sub3A_1696 : i32
        %add3A_1698 = arith.constant 2 : i32
        %add3A_1699 = arith.addi %sub3A_1697, %add3A_1698 : i32
        %dma_wait3A_1700 = arith.constant 2 : i32
        %dma_wait3A_1701 = arith.constant 0 : i32
        %dma_wait3A_1702 = arith.constant 0 : i32
        %dma_wait3A_1703 = tpu.memref_slice %arg9[%dma_wait3A_1700, %dma_wait3A_1701, %dma_wait3A_1702] : memref<8x32x128xf32, #tpu.memory_space<vmem>> -> memref<1x32x128xf32, #tpu.memory_space<vmem>>
        %dma_wait3A_1704 = tpu.memref_squeeze %dma_wait3A_1703 : memref<1x32x128xf32, #tpu.memory_space<vmem>> -> memref<32x128xf32, #tpu.memory_space<vmem>>
        %dma_wait3A_1705 = arith.constant 0 : i32
        %dma_wait3A_1706 = arith.constant 0 : i32
        %dma_wait3A_1707 = tpu.memref_slice %arg6[%dma_wait3A_1705, %dma_wait3A_1706] : memref<16384x32xf32, #tpu.memory_space<hbm>> -> memref<32x128xf32, #tpu.memory_space<hbm>>
        %dma_wait3A_1708 = arith.constant 0 : i32
        %dma_wait3A_1709 = arith.constant 0 : i32
        %dma_wait3A_1710 = tpu.memref_slice %arg9[%dma_wait3A_1700, %dma_wait3A_1708, %dma_wait3A_1709] : memref<8x32x128xf32, #tpu.memory_space<vmem>> -> memref<1x32x128xf32, #tpu.memory_space<vmem>>
        %dma_wait3A_1711 = tpu.memref_squeeze %dma_wait3A_1710 : memref<1x32x128xf32, #tpu.memory_space<vmem>> -> memref<32x128xf32, #tpu.memory_space<vmem>>
        %dma_wait3A_1712 = arith.constant 0 : i32
        %dma_wait3A_1713 = arith.constant 0 : i32
        %dma_wait3A_1714 = tpu.memref_slice %arg6[%dma_wait3A_1712, %dma_wait3A_1713] : memref<16384x32xf32, #tpu.memory_space<hbm>> -> memref<32x128xf32, #tpu.memory_space<hbm>>
        tpu.wait_dma2 semaphore(%arg14 : memref<!tpu.dma_semaphore, #tpu.memory_space<semaphore_mem>>) src(%dma_wait3A_1714 : memref<32x128xf32, #tpu.memory_space<hbm>>) dst(%dma_wait3A_1711 : memref<32x128xf32, #tpu.memory_space<vmem>>)
        %dma_wait3A_1715 = arith.constant 2 : i32
        %dma_wait3A_1716 = arith.constant 0 : i32
        %dma_wait3A_1717 = arith.constant 0 : i32
        %dma_wait3A_1718 = tpu.memref_slice %arg10[%dma_wait3A_1715, %dma_wait3A_1716, %dma_wait3A_1717] : memref<8x32x128xf32, #tpu.memory_space<vmem>> -> memref<1x32x128xf32, #tpu.memory_space<vmem>>
        %dma_wait3A_1719 = tpu.memref_squeeze %dma_wait3A_1718 : memref<1x32x128xf32, #tpu.memory_space<vmem>> -> memref<32x128xf32, #tpu.memory_space<vmem>>
        %dma_wait3A_1720 = arith.constant 0 : i32
        %dma_wait3A_1721 = arith.constant 0 : i32
        %dma_wait3A_1722 = tpu.memref_slice %arg6[%dma_wait3A_1720, %dma_wait3A_1721] : memref<16384x32xf32, #tpu.memory_space<hbm>> -> memref<32x128xf32, #tpu.memory_space<hbm>>
        %dma_wait3A_1723 = arith.constant 0 : i32
        %dma_wait3A_1724 = arith.constant 0 : i32
        %dma_wait3A_1725 = tpu.memref_slice %arg10[%dma_wait3A_1715, %dma_wait3A_1723, %dma_wait3A_1724] : memref<8x32x128xf32, #tpu.memory_space<vmem>> -> memref<1x32x128xf32, #tpu.memory_space<vmem>>
        %dma_wait3A_1726 = tpu.memref_squeeze %dma_wait3A_1725 : memref<1x32x128xf32, #tpu.memory_space<vmem>> -> memref<32x128xf32, #tpu.memory_space<vmem>>
        %dma_wait3A_1727 = arith.constant 0 : i32
        %dma_wait3A_1728 = arith.constant 0 : i32
        %dma_wait3A_1729 = tpu.memref_slice %arg6[%dma_wait3A_1727, %dma_wait3A_1728] : memref<16384x32xf32, #tpu.memory_space<hbm>> -> memref<32x128xf32, #tpu.memory_space<hbm>>
        tpu.wait_dma2 semaphore(%arg22 : memref<!tpu.dma_semaphore, #tpu.memory_space<semaphore_mem>>) src(%dma_wait3A_1729 : memref<32x128xf32, #tpu.memory_space<hbm>>) dst(%dma_wait3A_1726 : memref<32x128xf32, #tpu.memory_space<vmem>>)
        %broadcast_in_dim3A_1730 = arith.constant 2 : i32
        %broadcast_in_dim3A_1731 = vector.broadcast %broadcast_in_dim3A_1730 : i32 to vector<16xi32>
        %slice3A_1732 = vector.extract_strided_slice %and3A_561 {offsets = [10], sizes = [1], strides = [1]} : vector<16xi32> to vector<1xi32>
        %squeeze3A_1733 = vector.extract %slice3A_1732[0] : i32 from vector<1xi32>
        %broadcast_in_dim3A_1734 = vector.broadcast %squeeze3A_1733 : i32 to vector<16xi32>
        %slice3A_1735 = vector.extract_strided_slice %and3A_564 {offsets = [10], sizes = [1], strides = [1]} : vector<16xi32> to vector<1xi32>
        %squeeze3A_1736 = vector.extract %slice3A_1735[0] : i32 from vector<1xi32>
        %broadcast_in_dim3A_1737 = vector.broadcast %squeeze3A_1736 : i32 to vector<16xi32>
        %add3A_1738 = arith.constant 0 : i32
        %add3A_1739 = vector.broadcast %add3A_1738 : i32 to vector<16xi32>
        %add3A_1740 = arith.addi %iota3A, %add3A_1739 : vector<16xi32>
        %gather3A_1741 = tpu.vector_load_idx %arg9[%broadcast_in_dim3A_1731, %add3A_1740, %broadcast_in_dim3A_1734] : memref<8x32x128xf32, #tpu.memory_space<vmem>>[vector<16xi32>, vector<16xi32>, vector<16xi32>], vector<16xf32>,
        %add3A_1742 = arith.constant 0 : i32
        %add3A_1743 = vector.broadcast %add3A_1742 : i32 to vector<16xi32>
        %add3A_1744 = arith.addi %iota3A, %add3A_1743 : vector<16xi32>
        %gather3A_1745 = tpu.vector_load_idx %arg10[%broadcast_in_dim3A_1731, %add3A_1744, %broadcast_in_dim3A_1737] : memref<8x32x128xf32, #tpu.memory_space<vmem>>[vector<16xi32>, vector<16xi32>, vector<16xi32>], vector<16xf32>,
        %mul3A_1746 = arith.mulf %gather3A_1741, %gather3A_1745 : vector<16xf32>
        %and3A_1747 = arith.constant 255 : i32
        %and3A_1748 = arith.andi %add3A_1699, %and3A_1747 : i32
        %swap3A_1749 = arith.index_cast %and3A_1748 : i32 to index
        %swap3A_1750 = arith.constant 0 : index
        %swap3A_1751 = tpu.vector_load %arg11[%swap3A_1749, %swap3A_1750] {strides = array<i32>} : memref<256x32xf32, #tpu.memory_space<vmem>>, vector<16xf32>,
        tpu.vector_store %arg11[%swap3A_1749, %swap3A_1750], %mul3A_1746 {strides = array<i32>} : memref<256x32xf32, #tpu.memory_space<vmem>>, vector<16xf32>,
        %add3A_1752 = arith.constant 16 : i32
        %add3A_1753 = vector.broadcast %add3A_1752 : i32 to vector<16xi32>
        %add3A_1754 = arith.addi %iota3A, %add3A_1753 : vector<16xi32>
        %gather3A_1755 = tpu.vector_load_idx %arg9[%broadcast_in_dim3A_1731, %add3A_1754, %broadcast_in_dim3A_1734] : memref<8x32x128xf32, #tpu.memory_space<vmem>>[vector<16xi32>, vector<16xi32>, vector<16xi32>], vector<16xf32>,
        %add3A_1756 = arith.constant 16 : i32
        %add3A_1757 = vector.broadcast %add3A_1756 : i32 to vector<16xi32>
        %add3A_1758 = arith.addi %iota3A, %add3A_1757 : vector<16xi32>
        %gather3A_1759 = tpu.vector_load_idx %arg10[%broadcast_in_dim3A_1731, %add3A_1758, %broadcast_in_dim3A_1737] : memref<8x32x128xf32, #tpu.memory_space<vmem>>[vector<16xi32>, vector<16xi32>, vector<16xi32>], vector<16xf32>,
        %mul3A_1760 = arith.mulf %gather3A_1755, %gather3A_1759 : vector<16xf32>
        %and3A_1761 = arith.constant 255 : i32
        %and3A_1762 = arith.andi %add3A_1699, %and3A_1761 : i32
        %swap3A_1763 = arith.index_cast %and3A_1762 : i32 to index
        %swap3A_1764 = arith.constant 16 : index
        %swap3A_1765 = tpu.vector_load %arg11[%swap3A_1763, %swap3A_1764] {strides = array<i32>} : memref<256x32xf32, #tpu.memory_space<vmem>>, vector<16xf32>,
        tpu.vector_store %arg11[%swap3A_1763, %swap3A_1764], %mul3A_1760 {strides = array<i32>} : memref<256x32xf32, #tpu.memory_space<vmem>>, vector<16xf32>,
      } else {
      }
      %slice3A_639 = vector.extract_strided_slice %shift_left3A_546 {offsets = [2], sizes = [1], strides = [1]} : vector<16xi32> to vector<1xi32>
      %squeeze3A_640 = vector.extract %slice3A_639[0] : i32 from vector<1xi32>
      %multiple_of3A_641 = tpu.assume_multiple %squeeze3A_640, 128 : i32
      %slice3A_642 = vector.extract_strided_slice %shift_left3A_552 {offsets = [2], sizes = [1], strides = [1]} : vector<16xi32> to vector<1xi32>
      %squeeze3A_643 = vector.extract %slice3A_642[0] : i32 from vector<1xi32>
      %multiple_of3A_644 = tpu.assume_multiple %squeeze3A_643, 128 : i32
      %dma_start3A_645 = arith.constant 2 : i32
      %dma_start3A_646 = arith.constant 0 : i32
      %dma_start3A_647 = arith.constant 0 : i32
      %dma_start3A_648 = tpu.memref_slice %arg9[%dma_start3A_645, %dma_start3A_646, %dma_start3A_647] : memref<8x32x128xf32, #tpu.memory_space<vmem>> -> memref<1x32x128xf32, #tpu.memory_space<vmem>>
      %dma_start3A_649 = tpu.memref_squeeze %dma_start3A_648 : memref<1x32x128xf32, #tpu.memory_space<vmem>> -> memref<32x128xf32, #tpu.memory_space<vmem>>
      %dma_start3A_650 = arith.constant 0 : i32
      %dma_start3A_651 = tpu.memref_slice %arg4[%dma_start3A_650, %multiple_of3A_641] : memref<32x1000000xf32, #tpu.memory_space<hbm>> -> memref<32x128xf32, #tpu.memory_space<hbm>>
      %dma_start3A_652 = arith.constant 0 : i32
      %dma_start3A_653 = arith.constant 0 : i32
      %dma_start3A_654 = tpu.memref_slice %arg9[%dma_start3A_645, %dma_start3A_652, %dma_start3A_653] : memref<8x32x128xf32, #tpu.memory_space<vmem>> -> memref<1x32x128xf32, #tpu.memory_space<vmem>>
      %dma_start3A_655 = tpu.memref_squeeze %dma_start3A_654 : memref<1x32x128xf32, #tpu.memory_space<vmem>> -> memref<32x128xf32, #tpu.memory_space<vmem>>
      %dma_start3A_656 = arith.constant 0 : i32
      %dma_start3A_657 = tpu.memref_slice %arg4[%dma_start3A_656, %multiple_of3A_641] : memref<32x1000000xf32, #tpu.memory_space<hbm>> -> memref<32x128xf32, #tpu.memory_space<hbm>>
      tpu.enqueue_dma source(%dma_start3A_657 : memref<32x128xf32, #tpu.memory_space<hbm>>) target(%dma_start3A_655 : memref<32x128xf32, #tpu.memory_space<vmem>>) target_semaphore(%arg14 : memref<!tpu.dma_semaphore, #tpu.memory_space<semaphore_mem>>)
      %dma_start3A_658 = arith.constant 2 : i32
      %dma_start3A_659 = arith.constant 0 : i32
      %dma_start3A_660 = arith.constant 0 : i32
      %dma_start3A_661 = tpu.memref_slice %arg10[%dma_start3A_658, %dma_start3A_659, %dma_start3A_660] : memref<8x32x128xf32, #tpu.memory_space<vmem>> -> memref<1x32x128xf32, #tpu.memory_space<vmem>>
      %dma_start3A_662 = tpu.memref_squeeze %dma_start3A_661 : memref<1x32x128xf32, #tpu.memory_space<vmem>> -> memref<32x128xf32, #tpu.memory_space<vmem>>
      %dma_start3A_663 = arith.constant 0 : i32
      %dma_start3A_664 = tpu.memref_slice %arg5[%dma_start3A_663, %multiple_of3A_644] : memref<32x1000000xf32, #tpu.memory_space<hbm>> -> memref<32x128xf32, #tpu.memory_space<hbm>>
      %dma_start3A_665 = arith.constant 0 : i32
      %dma_start3A_666 = arith.constant 0 : i32
      %dma_start3A_667 = tpu.memref_slice %arg10[%dma_start3A_658, %dma_start3A_665, %dma_start3A_666] : memref<8x32x128xf32, #tpu.memory_space<vmem>> -> memref<1x32x128xf32, #tpu.memory_space<vmem>>
      %dma_start3A_668 = tpu.memref_squeeze %dma_start3A_667 : memref<1x32x128xf32, #tpu.memory_space<vmem>> -> memref<32x128xf32, #tpu.memory_space<vmem>>
      %dma_start3A_669 = arith.constant 0 : i32
      %dma_start3A_670 = tpu.memref_slice %arg5[%dma_start3A_669, %multiple_of3A_644] : memref<32x1000000xf32, #tpu.memory_space<hbm>> -> memref<32x128xf32, #tpu.memory_space<hbm>>
      tpu.enqueue_dma source(%dma_start3A_670 : memref<32x128xf32, #tpu.memory_space<hbm>>) target(%dma_start3A_668 : memref<32x128xf32, #tpu.memory_space<vmem>>) target_semaphore(%arg22 : memref<!tpu.dma_semaphore, #tpu.memory_space<semaphore_mem>>)
      %gt3A_671 = arith.constant 0 : i32
      %gt3A_672 = arith.cmpi sgt, %scan3A_524, %gt3A_671 : i32
      %convert_element_type3A_673 = arith.extui %gt3A_672 : i1 to i32
      %cond3A_674 = arith.constant 0 : i32
      %cond3A_675 = arith.cmpi ne, %convert_element_type3A_673, %cond3A_674 : i32
      scf.if %cond3A_675 {
        %mul3A_1692 = arith.constant 16 : i32
        %mul3A_1693 = arith.muli %max3A_526, %mul3A_1692 : i32
        %add3A_1694 = arith.constant 16 : i32
        %add3A_1695 = arith.addi %mul3A_1693, %add3A_1694 : i32
        %sub3A_1696 = arith.constant 8 : i32
        %sub3A_1697 = arith.subi %add3A_1695, %sub3A_1696 : i32
        %add3A_1698 = arith.constant 3 : i32
        %add3A_1699 = arith.addi %sub3A_1697, %add3A_1698 : i32
        %dma_wait3A_1700 = arith.constant 3 : i32
        %dma_wait3A_1701 = arith.constant 0 : i32
        %dma_wait3A_1702 = arith.constant 0 : i32
        %dma_wait3A_1703 = tpu.memref_slice %arg9[%dma_wait3A_1700, %dma_wait3A_1701, %dma_wait3A_1702] : memref<8x32x128xf32, #tpu.memory_space<vmem>> -> memref<1x32x128xf32, #tpu.memory_space<vmem>>
        %dma_wait3A_1704 = tpu.memref_squeeze %dma_wait3A_1703 : memref<1x32x128xf32, #tpu.memory_space<vmem>> -> memref<32x128xf32, #tpu.memory_space<vmem>>
        %dma_wait3A_1705 = arith.constant 0 : i32
        %dma_wait3A_1706 = arith.constant 0 : i32
        %dma_wait3A_1707 = tpu.memref_slice %arg6[%dma_wait3A_1705, %dma_wait3A_1706] : memref<16384x32xf32, #tpu.memory_space<hbm>> -> memref<32x128xf32, #tpu.memory_space<hbm>>
        %dma_wait3A_1708 = arith.constant 0 : i32
        %dma_wait3A_1709 = arith.constant 0 : i32
        %dma_wait3A_1710 = tpu.memref_slice %arg9[%dma_wait3A_1700, %dma_wait3A_1708, %dma_wait3A_1709] : memref<8x32x128xf32, #tpu.memory_space<vmem>> -> memref<1x32x128xf32, #tpu.memory_space<vmem>>
        %dma_wait3A_1711 = tpu.memref_squeeze %dma_wait3A_1710 : memref<1x32x128xf32, #tpu.memory_space<vmem>> -> memref<32x128xf32, #tpu.memory_space<vmem>>
        %dma_wait3A_1712 = arith.constant 0 : i32
        %dma_wait3A_1713 = arith.constant 0 : i32
        %dma_wait3A_1714 = tpu.memref_slice %arg6[%dma_wait3A_1712, %dma_wait3A_1713] : memref<16384x32xf32, #tpu.memory_space<hbm>> -> memref<32x128xf32, #tpu.memory_space<hbm>>
        tpu.wait_dma2 semaphore(%arg15 : memref<!tpu.dma_semaphore, #tpu.memory_space<semaphore_mem>>) src(%dma_wait3A_1714 : memref<32x128xf32, #tpu.memory_space<hbm>>) dst(%dma_wait3A_1711 : memref<32x128xf32, #tpu.memory_space<vmem>>)
        %dma_wait3A_1715 = arith.constant 3 : i32
        %dma_wait3A_1716 = arith.constant 0 : i32
        %dma_wait3A_1717 = arith.constant 0 : i32
        %dma_wait3A_1718 = tpu.memref_slice %arg10[%dma_wait3A_1715, %dma_wait3A_1716, %dma_wait3A_1717] : memref<8x32x128xf32, #tpu.memory_space<vmem>> -> memref<1x32x128xf32, #tpu.memory_space<vmem>>
        %dma_wait3A_1719 = tpu.memref_squeeze %dma_wait3A_1718 : memref<1x32x128xf32, #tpu.memory_space<vmem>> -> memref<32x128xf32, #tpu.memory_space<vmem>>
        %dma_wait3A_1720 = arith.constant 0 : i32
        %dma_wait3A_1721 = arith.constant 0 : i32
        %dma_wait3A_1722 = tpu.memref_slice %arg6[%dma_wait3A_1720, %dma_wait3A_1721] : memref<16384x32xf32, #tpu.memory_space<hbm>> -> memref<32x128xf32, #tpu.memory_space<hbm>>
        %dma_wait3A_1723 = arith.constant 0 : i32
        %dma_wait3A_1724 = arith.constant 0 : i32
        %dma_wait3A_1725 = tpu.memref_slice %arg10[%dma_wait3A_1715, %dma_wait3A_1723, %dma_wait3A_1724] : memref<8x32x128xf32, #tpu.memory_space<vmem>> -> memref<1x32x128xf32, #tpu.memory_space<vmem>>
        %dma_wait3A_1726 = tpu.memref_squeeze %dma_wait3A_1725 : memref<1x32x128xf32, #tpu.memory_space<vmem>> -> memref<32x128xf32, #tpu.memory_space<vmem>>
        %dma_wait3A_1727 = arith.constant 0 : i32
        %dma_wait3A_1728 = arith.constant 0 : i32
        %dma_wait3A_1729 = tpu.memref_slice %arg6[%dma_wait3A_1727, %dma_wait3A_1728] : memref<16384x32xf32, #tpu.memory_space<hbm>> -> memref<32x128xf32, #tpu.memory_space<hbm>>
        tpu.wait_dma2 semaphore(%arg23 : memref<!tpu.dma_semaphore, #tpu.memory_space<semaphore_mem>>) src(%dma_wait3A_1729 : memref<32x128xf32, #tpu.memory_space<hbm>>) dst(%dma_wait3A_1726 : memref<32x128xf32, #tpu.memory_space<vmem>>)
        %broadcast_in_dim3A_1730 = arith.constant 3 : i32
        %broadcast_in_dim3A_1731 = vector.broadcast %broadcast_in_dim3A_1730 : i32 to vector<16xi32>
        %slice3A_1732 = vector.extract_strided_slice %and3A_561 {offsets = [11], sizes = [1], strides = [1]} : vector<16xi32> to vector<1xi32>
        %squeeze3A_1733 = vector.extract %slice3A_1732[0] : i32 from vector<1xi32>
        %broadcast_in_dim3A_1734 = vector.broadcast %squeeze3A_1733 : i32 to vector<16xi32>
        %slice3A_1735 = vector.extract_strided_slice %and3A_564 {offsets = [11], sizes = [1], strides = [1]} : vector<16xi32> to vector<1xi32>
        %squeeze3A_1736 = vector.extract %slice3A_1735[0] : i32 from vector<1xi32>
        %broadcast_in_dim3A_1737 = vector.broadcast %squeeze3A_1736 : i32 to vector<16xi32>
        %add3A_1738 = arith.constant 0 : i32
        %add3A_1739 = vector.broadcast %add3A_1738 : i32 to vector<16xi32>
        %add3A_1740 = arith.addi %iota3A, %add3A_1739 : vector<16xi32>
        %gather3A_1741 = tpu.vector_load_idx %arg9[%broadcast_in_dim3A_1731, %add3A_1740, %broadcast_in_dim3A_1734] : memref<8x32x128xf32, #tpu.memory_space<vmem>>[vector<16xi32>, vector<16xi32>, vector<16xi32>], vector<16xf32>,
        %add3A_1742 = arith.constant 0 : i32
        %add3A_1743 = vector.broadcast %add3A_1742 : i32 to vector<16xi32>
        %add3A_1744 = arith.addi %iota3A, %add3A_1743 : vector<16xi32>
        %gather3A_1745 = tpu.vector_load_idx %arg10[%broadcast_in_dim3A_1731, %add3A_1744, %broadcast_in_dim3A_1737] : memref<8x32x128xf32, #tpu.memory_space<vmem>>[vector<16xi32>, vector<16xi32>, vector<16xi32>], vector<16xf32>,
        %mul3A_1746 = arith.mulf %gather3A_1741, %gather3A_1745 : vector<16xf32>
        %and3A_1747 = arith.constant 255 : i32
        %and3A_1748 = arith.andi %add3A_1699, %and3A_1747 : i32
        %swap3A_1749 = arith.index_cast %and3A_1748 : i32 to index
        %swap3A_1750 = arith.constant 0 : index
        %swap3A_1751 = tpu.vector_load %arg11[%swap3A_1749, %swap3A_1750] {strides = array<i32>} : memref<256x32xf32, #tpu.memory_space<vmem>>, vector<16xf32>,
        tpu.vector_store %arg11[%swap3A_1749, %swap3A_1750], %mul3A_1746 {strides = array<i32>} : memref<256x32xf32, #tpu.memory_space<vmem>>, vector<16xf32>,
        %add3A_1752 = arith.constant 16 : i32
        %add3A_1753 = vector.broadcast %add3A_1752 : i32 to vector<16xi32>
        %add3A_1754 = arith.addi %iota3A, %add3A_1753 : vector<16xi32>
        %gather3A_1755 = tpu.vector_load_idx %arg9[%broadcast_in_dim3A_1731, %add3A_1754, %broadcast_in_dim3A_1734] : memref<8x32x128xf32, #tpu.memory_space<vmem>>[vector<16xi32>, vector<16xi32>, vector<16xi32>], vector<16xf32>,
        %add3A_1756 = arith.constant 16 : i32
        %add3A_1757 = vector.broadcast %add3A_1756 : i32 to vector<16xi32>
        %add3A_1758 = arith.addi %iota3A, %add3A_1757 : vector<16xi32>
        %gather3A_1759 = tpu.vector_load_idx %arg10[%broadcast_in_dim3A_1731, %add3A_1758, %broadcast_in_dim3A_1737] : memref<8x32x128xf32, #tpu.memory_space<vmem>>[vector<16xi32>, vector<16xi32>, vector<16xi32>], vector<16xf32>,
        %mul3A_1760 = arith.mulf %gather3A_1755, %gather3A_1759 : vector<16xf32>
        %and3A_1761 = arith.constant 255 : i32
        %and3A_1762 = arith.andi %add3A_1699, %and3A_1761 : i32
        %swap3A_1763 = arith.index_cast %and3A_1762 : i32 to index
        %swap3A_1764 = arith.constant 16 : index
        %swap3A_1765 = tpu.vector_load %arg11[%swap3A_1763, %swap3A_1764] {strides = array<i32>} : memref<256x32xf32, #tpu.memory_space<vmem>>, vector<16xf32>,
        tpu.vector_store %arg11[%swap3A_1763, %swap3A_1764], %mul3A_1760 {strides = array<i32>} : memref<256x32xf32, #tpu.memory_space<vmem>>, vector<16xf32>,
      } else {
      }
      %slice3A_676 = vector.extract_strided_slice %shift_left3A_546 {offsets = [3], sizes = [1], strides = [1]} : vector<16xi32> to vector<1xi32>
      %squeeze3A_677 = vector.extract %slice3A_676[0] : i32 from vector<1xi32>
      %multiple_of3A_678 = tpu.assume_multiple %squeeze3A_677, 128 : i32
      %slice3A_679 = vector.extract_strided_slice %shift_left3A_552 {offsets = [3], sizes = [1], strides = [1]} : vector<16xi32> to vector<1xi32>
      %squeeze3A_680 = vector.extract %slice3A_679[0] : i32 from vector<1xi32>
      %multiple_of3A_681 = tpu.assume_multiple %squeeze3A_680, 128 : i32
      %dma_start3A_682 = arith.constant 3 : i32
      %dma_start3A_683 = arith.constant 0 : i32
      %dma_start3A_684 = arith.constant 0 : i32
      %dma_start3A_685 = tpu.memref_slice %arg9[%dma_start3A_682, %dma_start3A_683, %dma_start3A_684] : memref<8x32x128xf32, #tpu.memory_space<vmem>> -> memref<1x32x128xf32, #tpu.memory_space<vmem>>
      %dma_start3A_686 = tpu.memref_squeeze %dma_start3A_685 : memref<1x32x128xf32, #tpu.memory_space<vmem>> -> memref<32x128xf32, #tpu.memory_space<vmem>>
      %dma_start3A_687 = arith.constant 0 : i32
      %dma_start3A_688 = tpu.memref_slice %arg4[%dma_start3A_687, %multiple_of3A_678] : memref<32x1000000xf32, #tpu.memory_space<hbm>> -> memref<32x128xf32, #tpu.memory_space<hbm>>
      %dma_start3A_689 = arith.constant 0 : i32
      %dma_start3A_690 = arith.constant 0 : i32
      %dma_start3A_691 = tpu.memref_slice %arg9[%dma_start3A_682, %dma_start3A_689, %dma_start3A_690] : memref<8x32x128xf32, #tpu.memory_space<vmem>> -> memref<1x32x128xf32, #tpu.memory_space<vmem>>
      %dma_start3A_692 = tpu.memref_squeeze %dma_start3A_691 : memref<1x32x128xf32, #tpu.memory_space<vmem>> -> memref<32x128xf32, #tpu.memory_space<vmem>>
      %dma_start3A_693 = arith.constant 0 : i32
      %dma_start3A_694 = tpu.memref_slice %arg4[%dma_start3A_693, %multiple_of3A_678] : memref<32x1000000xf32, #tpu.memory_space<hbm>> -> memref<32x128xf32, #tpu.memory_space<hbm>>
      tpu.enqueue_dma source(%dma_start3A_694 : memref<32x128xf32, #tpu.memory_space<hbm>>) target(%dma_start3A_692 : memref<32x128xf32, #tpu.memory_space<vmem>>) target_semaphore(%arg15 : memref<!tpu.dma_semaphore, #tpu.memory_space<semaphore_mem>>)
      %dma_start3A_695 = arith.constant 3 : i32
      %dma_start3A_696 = arith.constant 0 : i32
      %dma_start3A_697 = arith.constant 0 : i32
      %dma_start3A_698 = tpu.memref_slice %arg10[%dma_start3A_695, %dma_start3A_696, %dma_start3A_697] : memref<8x32x128xf32, #tpu.memory_space<vmem>> -> memref<1x32x128xf32, #tpu.memory_space<vmem>>
      %dma_start3A_699 = tpu.memref_squeeze %dma_start3A_698 : memref<1x32x128xf32, #tpu.memory_space<vmem>> -> memref<32x128xf32, #tpu.memory_space<vmem>>
      %dma_start3A_700 = arith.constant 0 : i32
      %dma_start3A_701 = tpu.memref_slice %arg5[%dma_start3A_700, %multiple_of3A_681] : memref<32x1000000xf32, #tpu.memory_space<hbm>> -> memref<32x128xf32, #tpu.memory_space<hbm>>
      %dma_start3A_702 = arith.constant 0 : i32
      %dma_start3A_703 = arith.constant 0 : i32
      %dma_start3A_704 = tpu.memref_slice %arg10[%dma_start3A_695, %dma_start3A_702, %dma_start3A_703] : memref<8x32x128xf32, #tpu.memory_space<vmem>> -> memref<1x32x128xf32, #tpu.memory_space<vmem>>
      %dma_start3A_705 = tpu.memref_squeeze %dma_start3A_704 : memref<1x32x128xf32, #tpu.memory_space<vmem>> -> memref<32x128xf32, #tpu.memory_space<vmem>>
      %dma_start3A_706 = arith.constant 0 : i32
      %dma_start3A_707 = tpu.memref_slice %arg5[%dma_start3A_706, %multiple_of3A_681] : memref<32x1000000xf32, #tpu.memory_space<hbm>> -> memref<32x128xf32, #tpu.memory_space<hbm>>
      tpu.enqueue_dma source(%dma_start3A_707 : memref<32x128xf32, #tpu.memory_space<hbm>>) target(%dma_start3A_705 : memref<32x128xf32, #tpu.memory_space<vmem>>) target_semaphore(%arg23 : memref<!tpu.dma_semaphore, #tpu.memory_space<semaphore_mem>>)
      %gt3A_708 = arith.constant 0 : i32
      %gt3A_709 = arith.cmpi sgt, %scan3A_524, %gt3A_708 : i32
      %convert_element_type3A_710 = arith.extui %gt3A_709 : i1 to i32
      %cond3A_711 = arith.constant 0 : i32
      %cond3A_712 = arith.cmpi ne, %convert_element_type3A_710, %cond3A_711 : i32
      scf.if %cond3A_712 {
        %mul3A_1692 = arith.constant 16 : i32
        %mul3A_1693 = arith.muli %max3A_526, %mul3A_1692 : i32
        %add3A_1694 = arith.constant 16 : i32
        %add3A_1695 = arith.addi %mul3A_1693, %add3A_1694 : i32
        %sub3A_1696 = arith.constant 8 : i32
        %sub3A_1697 = arith.subi %add3A_1695, %sub3A_1696 : i32
        %add3A_1698 = arith.constant 4 : i32
        %add3A_1699 = arith.addi %sub3A_1697, %add3A_1698 : i32
        %dma_wait3A_1700 = arith.constant 4 : i32
        %dma_wait3A_1701 = arith.constant 0 : i32
        %dma_wait3A_1702 = arith.constant 0 : i32
        %dma_wait3A_1703 = tpu.memref_slice %arg9[%dma_wait3A_1700, %dma_wait3A_1701, %dma_wait3A_1702] : memref<8x32x128xf32, #tpu.memory_space<vmem>> -> memref<1x32x128xf32, #tpu.memory_space<vmem>>
        %dma_wait3A_1704 = tpu.memref_squeeze %dma_wait3A_1703 : memref<1x32x128xf32, #tpu.memory_space<vmem>> -> memref<32x128xf32, #tpu.memory_space<vmem>>
        %dma_wait3A_1705 = arith.constant 0 : i32
        %dma_wait3A_1706 = arith.constant 0 : i32
        %dma_wait3A_1707 = tpu.memref_slice %arg6[%dma_wait3A_1705, %dma_wait3A_1706] : memref<16384x32xf32, #tpu.memory_space<hbm>> -> memref<32x128xf32, #tpu.memory_space<hbm>>
        %dma_wait3A_1708 = arith.constant 0 : i32
        %dma_wait3A_1709 = arith.constant 0 : i32
        %dma_wait3A_1710 = tpu.memref_slice %arg9[%dma_wait3A_1700, %dma_wait3A_1708, %dma_wait3A_1709] : memref<8x32x128xf32, #tpu.memory_space<vmem>> -> memref<1x32x128xf32, #tpu.memory_space<vmem>>
        %dma_wait3A_1711 = tpu.memref_squeeze %dma_wait3A_1710 : memref<1x32x128xf32, #tpu.memory_space<vmem>> -> memref<32x128xf32, #tpu.memory_space<vmem>>
        %dma_wait3A_1712 = arith.constant 0 : i32
        %dma_wait3A_1713 = arith.constant 0 : i32
        %dma_wait3A_1714 = tpu.memref_slice %arg6[%dma_wait3A_1712, %dma_wait3A_1713] : memref<16384x32xf32, #tpu.memory_space<hbm>> -> memref<32x128xf32, #tpu.memory_space<hbm>>
        tpu.wait_dma2 semaphore(%arg16 : memref<!tpu.dma_semaphore, #tpu.memory_space<semaphore_mem>>) src(%dma_wait3A_1714 : memref<32x128xf32, #tpu.memory_space<hbm>>) dst(%dma_wait3A_1711 : memref<32x128xf32, #tpu.memory_space<vmem>>)
        %dma_wait3A_1715 = arith.constant 4 : i32
        %dma_wait3A_1716 = arith.constant 0 : i32
        %dma_wait3A_1717 = arith.constant 0 : i32
        %dma_wait3A_1718 = tpu.memref_slice %arg10[%dma_wait3A_1715, %dma_wait3A_1716, %dma_wait3A_1717] : memref<8x32x128xf32, #tpu.memory_space<vmem>> -> memref<1x32x128xf32, #tpu.memory_space<vmem>>
        %dma_wait3A_1719 = tpu.memref_squeeze %dma_wait3A_1718 : memref<1x32x128xf32, #tpu.memory_space<vmem>> -> memref<32x128xf32, #tpu.memory_space<vmem>>
        %dma_wait3A_1720 = arith.constant 0 : i32
        %dma_wait3A_1721 = arith.constant 0 : i32
        %dma_wait3A_1722 = tpu.memref_slice %arg6[%dma_wait3A_1720, %dma_wait3A_1721] : memref<16384x32xf32, #tpu.memory_space<hbm>> -> memref<32x128xf32, #tpu.memory_space<hbm>>
        %dma_wait3A_1723 = arith.constant 0 : i32
        %dma_wait3A_1724 = arith.constant 0 : i32
        %dma_wait3A_1725 = tpu.memref_slice %arg10[%dma_wait3A_1715, %dma_wait3A_1723, %dma_wait3A_1724] : memref<8x32x128xf32, #tpu.memory_space<vmem>> -> memref<1x32x128xf32, #tpu.memory_space<vmem>>
        %dma_wait3A_1726 = tpu.memref_squeeze %dma_wait3A_1725 : memref<1x32x128xf32, #tpu.memory_space<vmem>> -> memref<32x128xf32, #tpu.memory_space<vmem>>
        %dma_wait3A_1727 = arith.constant 0 : i32
        %dma_wait3A_1728 = arith.constant 0 : i32
        %dma_wait3A_1729 = tpu.memref_slice %arg6[%dma_wait3A_1727, %dma_wait3A_1728] : memref<16384x32xf32, #tpu.memory_space<hbm>> -> memref<32x128xf32, #tpu.memory_space<hbm>>
        tpu.wait_dma2 semaphore(%arg24 : memref<!tpu.dma_semaphore, #tpu.memory_space<semaphore_mem>>) src(%dma_wait3A_1729 : memref<32x128xf32, #tpu.memory_space<hbm>>) dst(%dma_wait3A_1726 : memref<32x128xf32, #tpu.memory_space<vmem>>)
        %broadcast_in_dim3A_1730 = arith.constant 4 : i32
        %broadcast_in_dim3A_1731 = vector.broadcast %broadcast_in_dim3A_1730 : i32 to vector<16xi32>
        %slice3A_1732 = vector.extract_strided_slice %and3A_561 {offsets = [12], sizes = [1], strides = [1]} : vector<16xi32> to vector<1xi32>
        %squeeze3A_1733 = vector.extract %slice3A_1732[0] : i32 from vector<1xi32>
        %broadcast_in_dim3A_1734 = vector.broadcast %squeeze3A_1733 : i32 to vector<16xi32>
        %slice3A_1735 = vector.extract_strided_slice %and3A_564 {offsets = [12], sizes = [1], strides = [1]} : vector<16xi32> to vector<1xi32>
        %squeeze3A_1736 = vector.extract %slice3A_1735[0] : i32 from vector<1xi32>
        %broadcast_in_dim3A_1737 = vector.broadcast %squeeze3A_1736 : i32 to vector<16xi32>
        %add3A_1738 = arith.constant 0 : i32
        %add3A_1739 = vector.broadcast %add3A_1738 : i32 to vector<16xi32>
        %add3A_1740 = arith.addi %iota3A, %add3A_1739 : vector<16xi32>
        %gather3A_1741 = tpu.vector_load_idx %arg9[%broadcast_in_dim3A_1731, %add3A_1740, %broadcast_in_dim3A_1734] : memref<8x32x128xf32, #tpu.memory_space<vmem>>[vector<16xi32>, vector<16xi32>, vector<16xi32>], vector<16xf32>,
        %add3A_1742 = arith.constant 0 : i32
        %add3A_1743 = vector.broadcast %add3A_1742 : i32 to vector<16xi32>
        %add3A_1744 = arith.addi %iota3A, %add3A_1743 : vector<16xi32>
        %gather3A_1745 = tpu.vector_load_idx %arg10[%broadcast_in_dim3A_1731, %add3A_1744, %broadcast_in_dim3A_1737] : memref<8x32x128xf32, #tpu.memory_space<vmem>>[vector<16xi32>, vector<16xi32>, vector<16xi32>], vector<16xf32>,
        %mul3A_1746 = arith.mulf %gather3A_1741, %gather3A_1745 : vector<16xf32>
        %and3A_1747 = arith.constant 255 : i32
        %and3A_1748 = arith.andi %add3A_1699, %and3A_1747 : i32
        %swap3A_1749 = arith.index_cast %and3A_1748 : i32 to index
        %swap3A_1750 = arith.constant 0 : index
        %swap3A_1751 = tpu.vector_load %arg11[%swap3A_1749, %swap3A_1750] {strides = array<i32>} : memref<256x32xf32, #tpu.memory_space<vmem>>, vector<16xf32>,
        tpu.vector_store %arg11[%swap3A_1749, %swap3A_1750], %mul3A_1746 {strides = array<i32>} : memref<256x32xf32, #tpu.memory_space<vmem>>, vector<16xf32>,
        %add3A_1752 = arith.constant 16 : i32
        %add3A_1753 = vector.broadcast %add3A_1752 : i32 to vector<16xi32>
        %add3A_1754 = arith.addi %iota3A, %add3A_1753 : vector<16xi32>
        %gather3A_1755 = tpu.vector_load_idx %arg9[%broadcast_in_dim3A_1731, %add3A_1754, %broadcast_in_dim3A_1734] : memref<8x32x128xf32, #tpu.memory_space<vmem>>[vector<16xi32>, vector<16xi32>, vector<16xi32>], vector<16xf32>,
        %add3A_1756 = arith.constant 16 : i32
        %add3A_1757 = vector.broadcast %add3A_1756 : i32 to vector<16xi32>
        %add3A_1758 = arith.addi %iota3A, %add3A_1757 : vector<16xi32>
        %gather3A_1759 = tpu.vector_load_idx %arg10[%broadcast_in_dim3A_1731, %add3A_1758, %broadcast_in_dim3A_1737] : memref<8x32x128xf32, #tpu.memory_space<vmem>>[vector<16xi32>, vector<16xi32>, vector<16xi32>], vector<16xf32>,
        %mul3A_1760 = arith.mulf %gather3A_1755, %gather3A_1759 : vector<16xf32>
        %and3A_1761 = arith.constant 255 : i32
        %and3A_1762 = arith.andi %add3A_1699, %and3A_1761 : i32
        %swap3A_1763 = arith.index_cast %and3A_1762 : i32 to index
        %swap3A_1764 = arith.constant 16 : index
        %swap3A_1765 = tpu.vector_load %arg11[%swap3A_1763, %swap3A_1764] {strides = array<i32>} : memref<256x32xf32, #tpu.memory_space<vmem>>, vector<16xf32>,
        tpu.vector_store %arg11[%swap3A_1763, %swap3A_1764], %mul3A_1760 {strides = array<i32>} : memref<256x32xf32, #tpu.memory_space<vmem>>, vector<16xf32>,
      } else {
      }
      %slice3A_713 = vector.extract_strided_slice %shift_left3A_546 {offsets = [4], sizes = [1], strides = [1]} : vector<16xi32> to vector<1xi32>
      %squeeze3A_714 = vector.extract %slice3A_713[0] : i32 from vector<1xi32>
      %multiple_of3A_715 = tpu.assume_multiple %squeeze3A_714, 128 : i32
      %slice3A_716 = vector.extract_strided_slice %shift_left3A_552 {offsets = [4], sizes = [1], strides = [1]} : vector<16xi32> to vector<1xi32>
      %squeeze3A_717 = vector.extract %slice3A_716[0] : i32 from vector<1xi32>
      %multiple_of3A_718 = tpu.assume_multiple %squeeze3A_717, 128 : i32
      %dma_start3A_719 = arith.constant 4 : i32
      %dma_start3A_720 = arith.constant 0 : i32
      %dma_start3A_721 = arith.constant 0 : i32
      %dma_start3A_722 = tpu.memref_slice %arg9[%dma_start3A_719, %dma_start3A_720, %dma_start3A_721] : memref<8x32x128xf32, #tpu.memory_space<vmem>> -> memref<1x32x128xf32, #tpu.memory_space<vmem>>
      %dma_start3A_723 = tpu.memref_squeeze %dma_start3A_722 : memref<1x32x128xf32, #tpu.memory_space<vmem>> -> memref<32x128xf32, #tpu.memory_space<vmem>>
      %dma_start3A_724 = arith.constant 0 : i32
      %dma_start3A_725 = tpu.memref_slice %arg4[%dma_start3A_724, %multiple_of3A_715] : memref<32x1000000xf32, #tpu.memory_space<hbm>> -> memref<32x128xf32, #tpu.memory_space<hbm>>
      %dma_start3A_726 = arith.constant 0 : i32
      %dma_start3A_727 = arith.constant 0 : i32
      %dma_start3A_728 = tpu.memref_slice %arg9[%dma_start3A_719, %dma_start3A_726, %dma_start3A_727] : memref<8x32x128xf32, #tpu.memory_space<vmem>> -> memref<1x32x128xf32, #tpu.memory_space<vmem>>
      %dma_start3A_729 = tpu.memref_squeeze %dma_start3A_728 : memref<1x32x128xf32, #tpu.memory_space<vmem>> -> memref<32x128xf32, #tpu.memory_space<vmem>>
      %dma_start3A_730 = arith.constant 0 : i32
      %dma_start3A_731 = tpu.memref_slice %arg4[%dma_start3A_730, %multiple_of3A_715] : memref<32x1000000xf32, #tpu.memory_space<hbm>> -> memref<32x128xf32, #tpu.memory_space<hbm>>
      tpu.enqueue_dma source(%dma_start3A_731 : memref<32x128xf32, #tpu.memory_space<hbm>>) target(%dma_start3A_729 : memref<32x128xf32, #tpu.memory_space<vmem>>) target_semaphore(%arg16 : memref<!tpu.dma_semaphore, #tpu.memory_space<semaphore_mem>>)
      %dma_start3A_732 = arith.constant 4 : i32
      %dma_start3A_733 = arith.constant 0 : i32
      %dma_start3A_734 = arith.constant 0 : i32
      %dma_start3A_735 = tpu.memref_slice %arg10[%dma_start3A_732, %dma_start3A_733, %dma_start3A_734] : memref<8x32x128xf32, #tpu.memory_space<vmem>> -> memref<1x32x128xf32, #tpu.memory_space<vmem>>
      %dma_start3A_736 = tpu.memref_squeeze %dma_start3A_735 : memref<1x32x128xf32, #tpu.memory_space<vmem>> -> memref<32x128xf32, #tpu.memory_space<vmem>>
      %dma_start3A_737 = arith.constant 0 : i32
      %dma_start3A_738 = tpu.memref_slice %arg5[%dma_start3A_737, %multiple_of3A_718] : memref<32x1000000xf32, #tpu.memory_space<hbm>> -> memref<32x128xf32, #tpu.memory_space<hbm>>
      %dma_start3A_739 = arith.constant 0 : i32
      %dma_start3A_740 = arith.constant 0 : i32
      %dma_start3A_741 = tpu.memref_slice %arg10[%dma_start3A_732, %dma_start3A_739, %dma_start3A_740] : memref<8x32x128xf32, #tpu.memory_space<vmem>> -> memref<1x32x128xf32, #tpu.memory_space<vmem>>
      %dma_start3A_742 = tpu.memref_squeeze %dma_start3A_741 : memref<1x32x128xf32, #tpu.memory_space<vmem>> -> memref<32x128xf32, #tpu.memory_space<vmem>>
      %dma_start3A_743 = arith.constant 0 : i32
      %dma_start3A_744 = tpu.memref_slice %arg5[%dma_start3A_743, %multiple_of3A_718] : memref<32x1000000xf32, #tpu.memory_space<hbm>> -> memref<32x128xf32, #tpu.memory_space<hbm>>
      tpu.enqueue_dma source(%dma_start3A_744 : memref<32x128xf32, #tpu.memory_space<hbm>>) target(%dma_start3A_742 : memref<32x128xf32, #tpu.memory_space<vmem>>) target_semaphore(%arg24 : memref<!tpu.dma_semaphore, #tpu.memory_space<semaphore_mem>>)
      %gt3A_745 = arith.constant 0 : i32
      %gt3A_746 = arith.cmpi sgt, %scan3A_524, %gt3A_745 : i32
      %convert_element_type3A_747 = arith.extui %gt3A_746 : i1 to i32
      %cond3A_748 = arith.constant 0 : i32
      %cond3A_749 = arith.cmpi ne, %convert_element_type3A_747, %cond3A_748 : i32
      scf.if %cond3A_749 {
        %mul3A_1692 = arith.constant 16 : i32
        %mul3A_1693 = arith.muli %max3A_526, %mul3A_1692 : i32
        %add3A_1694 = arith.constant 16 : i32
        %add3A_1695 = arith.addi %mul3A_1693, %add3A_1694 : i32
        %sub3A_1696 = arith.constant 8 : i32
        %sub3A_1697 = arith.subi %add3A_1695, %sub3A_1696 : i32
        %add3A_1698 = arith.constant 5 : i32
        %add3A_1699 = arith.addi %sub3A_1697, %add3A_1698 : i32
        %dma_wait3A_1700 = arith.constant 5 : i32
        %dma_wait3A_1701 = arith.constant 0 : i32
        %dma_wait3A_1702 = arith.constant 0 : i32
        %dma_wait3A_1703 = tpu.memref_slice %arg9[%dma_wait3A_1700, %dma_wait3A_1701, %dma_wait3A_1702] : memref<8x32x128xf32, #tpu.memory_space<vmem>> -> memref<1x32x128xf32, #tpu.memory_space<vmem>>
        %dma_wait3A_1704 = tpu.memref_squeeze %dma_wait3A_1703 : memref<1x32x128xf32, #tpu.memory_space<vmem>> -> memref<32x128xf32, #tpu.memory_space<vmem>>
        %dma_wait3A_1705 = arith.constant 0 : i32
        %dma_wait3A_1706 = arith.constant 0 : i32
        %dma_wait3A_1707 = tpu.memref_slice %arg6[%dma_wait3A_1705, %dma_wait3A_1706] : memref<16384x32xf32, #tpu.memory_space<hbm>> -> memref<32x128xf32, #tpu.memory_space<hbm>>
        %dma_wait3A_1708 = arith.constant 0 : i32
        %dma_wait3A_1709 = arith.constant 0 : i32
        %dma_wait3A_1710 = tpu.memref_slice %arg9[%dma_wait3A_1700, %dma_wait3A_1708, %dma_wait3A_1709] : memref<8x32x128xf32, #tpu.memory_space<vmem>> -> memref<1x32x128xf32, #tpu.memory_space<vmem>>
        %dma_wait3A_1711 = tpu.memref_squeeze %dma_wait3A_1710 : memref<1x32x128xf32, #tpu.memory_space<vmem>> -> memref<32x128xf32, #tpu.memory_space<vmem>>
        %dma_wait3A_1712 = arith.constant 0 : i32
        %dma_wait3A_1713 = arith.constant 0 : i32
        %dma_wait3A_1714 = tpu.memref_slice %arg6[%dma_wait3A_1712, %dma_wait3A_1713] : memref<16384x32xf32, #tpu.memory_space<hbm>> -> memref<32x128xf32, #tpu.memory_space<hbm>>
        tpu.wait_dma2 semaphore(%arg17 : memref<!tpu.dma_semaphore, #tpu.memory_space<semaphore_mem>>) src(%dma_wait3A_1714 : memref<32x128xf32, #tpu.memory_space<hbm>>) dst(%dma_wait3A_1711 : memref<32x128xf32, #tpu.memory_space<vmem>>)
        %dma_wait3A_1715 = arith.constant 5 : i32
        %dma_wait3A_1716 = arith.constant 0 : i32
        %dma_wait3A_1717 = arith.constant 0 : i32
        %dma_wait3A_1718 = tpu.memref_slice %arg10[%dma_wait3A_1715, %dma_wait3A_1716, %dma_wait3A_1717] : memref<8x32x128xf32, #tpu.memory_space<vmem>> -> memref<1x32x128xf32, #tpu.memory_space<vmem>>
        %dma_wait3A_1719 = tpu.memref_squeeze %dma_wait3A_1718 : memref<1x32x128xf32, #tpu.memory_space<vmem>> -> memref<32x128xf32, #tpu.memory_space<vmem>>
        %dma_wait3A_1720 = arith.constant 0 : i32
        %dma_wait3A_1721 = arith.constant 0 : i32
        %dma_wait3A_1722 = tpu.memref_slice %arg6[%dma_wait3A_1720, %dma_wait3A_1721] : memref<16384x32xf32, #tpu.memory_space<hbm>> -> memref<32x128xf32, #tpu.memory_space<hbm>>
        %dma_wait3A_1723 = arith.constant 0 : i32
        %dma_wait3A_1724 = arith.constant 0 : i32
        %dma_wait3A_1725 = tpu.memref_slice %arg10[%dma_wait3A_1715, %dma_wait3A_1723, %dma_wait3A_1724] : memref<8x32x128xf32, #tpu.memory_space<vmem>> -> memref<1x32x128xf32, #tpu.memory_space<vmem>>
        %dma_wait3A_1726 = tpu.memref_squeeze %dma_wait3A_1725 : memref<1x32x128xf32, #tpu.memory_space<vmem>> -> memref<32x128xf32, #tpu.memory_space<vmem>>
        %dma_wait3A_1727 = arith.constant 0 : i32
        %dma_wait3A_1728 = arith.constant 0 : i32
        %dma_wait3A_1729 = tpu.memref_slice %arg6[%dma_wait3A_1727, %dma_wait3A_1728] : memref<16384x32xf32, #tpu.memory_space<hbm>> -> memref<32x128xf32, #tpu.memory_space<hbm>>
        tpu.wait_dma2 semaphore(%arg25 : memref<!tpu.dma_semaphore, #tpu.memory_space<semaphore_mem>>) src(%dma_wait3A_1729 : memref<32x128xf32, #tpu.memory_space<hbm>>) dst(%dma_wait3A_1726 : memref<32x128xf32, #tpu.memory_space<vmem>>)
        %broadcast_in_dim3A_1730 = arith.constant 5 : i32
        %broadcast_in_dim3A_1731 = vector.broadcast %broadcast_in_dim3A_1730 : i32 to vector<16xi32>
        %slice3A_1732 = vector.extract_strided_slice %and3A_561 {offsets = [13], sizes = [1], strides = [1]} : vector<16xi32> to vector<1xi32>
        %squeeze3A_1733 = vector.extract %slice3A_1732[0] : i32 from vector<1xi32>
        %broadcast_in_dim3A_1734 = vector.broadcast %squeeze3A_1733 : i32 to vector<16xi32>
        %slice3A_1735 = vector.extract_strided_slice %and3A_564 {offsets = [13], sizes = [1], strides = [1]} : vector<16xi32> to vector<1xi32>
        %squeeze3A_1736 = vector.extract %slice3A_1735[0] : i32 from vector<1xi32>
        %broadcast_in_dim3A_1737 = vector.broadcast %squeeze3A_1736 : i32 to vector<16xi32>
        %add3A_1738 = arith.constant 0 : i32
        %add3A_1739 = vector.broadcast %add3A_1738 : i32 to vector<16xi32>
        %add3A_1740 = arith.addi %iota3A, %add3A_1739 : vector<16xi32>
        %gather3A_1741 = tpu.vector_load_idx %arg9[%broadcast_in_dim3A_1731, %add3A_1740, %broadcast_in_dim3A_1734] : memref<8x32x128xf32, #tpu.memory_space<vmem>>[vector<16xi32>, vector<16xi32>, vector<16xi32>], vector<16xf32>,
        %add3A_1742 = arith.constant 0 : i32
        %add3A_1743 = vector.broadcast %add3A_1742 : i32 to vector<16xi32>
        %add3A_1744 = arith.addi %iota3A, %add3A_1743 : vector<16xi32>
        %gather3A_1745 = tpu.vector_load_idx %arg10[%broadcast_in_dim3A_1731, %add3A_1744, %broadcast_in_dim3A_1737] : memref<8x32x128xf32, #tpu.memory_space<vmem>>[vector<16xi32>, vector<16xi32>, vector<16xi32>], vector<16xf32>,
        %mul3A_1746 = arith.mulf %gather3A_1741, %gather3A_1745 : vector<16xf32>
        %and3A_1747 = arith.constant 255 : i32
        %and3A_1748 = arith.andi %add3A_1699, %and3A_1747 : i32
        %swap3A_1749 = arith.index_cast %and3A_1748 : i32 to index
        %swap3A_1750 = arith.constant 0 : index
        %swap3A_1751 = tpu.vector_load %arg11[%swap3A_1749, %swap3A_1750] {strides = array<i32>} : memref<256x32xf32, #tpu.memory_space<vmem>>, vector<16xf32>,
        tpu.vector_store %arg11[%swap3A_1749, %swap3A_1750], %mul3A_1746 {strides = array<i32>} : memref<256x32xf32, #tpu.memory_space<vmem>>, vector<16xf32>,
        %add3A_1752 = arith.constant 16 : i32
        %add3A_1753 = vector.broadcast %add3A_1752 : i32 to vector<16xi32>
        %add3A_1754 = arith.addi %iota3A, %add3A_1753 : vector<16xi32>
        %gather3A_1755 = tpu.vector_load_idx %arg9[%broadcast_in_dim3A_1731, %add3A_1754, %broadcast_in_dim3A_1734] : memref<8x32x128xf32, #tpu.memory_space<vmem>>[vector<16xi32>, vector<16xi32>, vector<16xi32>], vector<16xf32>,
        %add3A_1756 = arith.constant 16 : i32
        %add3A_1757 = vector.broadcast %add3A_1756 : i32 to vector<16xi32>
        %add3A_1758 = arith.addi %iota3A, %add3A_1757 : vector<16xi32>
        %gather3A_1759 = tpu.vector_load_idx %arg10[%broadcast_in_dim3A_1731, %add3A_1758, %broadcast_in_dim3A_1737] : memref<8x32x128xf32, #tpu.memory_space<vmem>>[vector<16xi32>, vector<16xi32>, vector<16xi32>], vector<16xf32>,
        %mul3A_1760 = arith.mulf %gather3A_1755, %gather3A_1759 : vector<16xf32>
        %and3A_1761 = arith.constant 255 : i32
        %and3A_1762 = arith.andi %add3A_1699, %and3A_1761 : i32
        %swap3A_1763 = arith.index_cast %and3A_1762 : i32 to index
        %swap3A_1764 = arith.constant 16 : index
        %swap3A_1765 = tpu.vector_load %arg11[%swap3A_1763, %swap3A_1764] {strides = array<i32>} : memref<256x32xf32, #tpu.memory_space<vmem>>, vector<16xf32>,
        tpu.vector_store %arg11[%swap3A_1763, %swap3A_1764], %mul3A_1760 {strides = array<i32>} : memref<256x32xf32, #tpu.memory_space<vmem>>, vector<16xf32>,
      } else {
      }
      %slice3A_750 = vector.extract_strided_slice %shift_left3A_546 {offsets = [5], sizes = [1], strides = [1]} : vector<16xi32> to vector<1xi32>
      %squeeze3A_751 = vector.extract %slice3A_750[0] : i32 from vector<1xi32>
      %multiple_of3A_752 = tpu.assume_multiple %squeeze3A_751, 128 : i32
      %slice3A_753 = vector.extract_strided_slice %shift_left3A_552 {offsets = [5], sizes = [1], strides = [1]} : vector<16xi32> to vector<1xi32>
      %squeeze3A_754 = vector.extract %slice3A_753[0] : i32 from vector<1xi32>
      %multiple_of3A_755 = tpu.assume_multiple %squeeze3A_754, 128 : i32
      %dma_start3A_756 = arith.constant 5 : i32
      %dma_start3A_757 = arith.constant 0 : i32
      %dma_start3A_758 = arith.constant 0 : i32
      %dma_start3A_759 = tpu.memref_slice %arg9[%dma_start3A_756, %dma_start3A_757, %dma_start3A_758] : memref<8x32x128xf32, #tpu.memory_space<vmem>> -> memref<1x32x128xf32, #tpu.memory_space<vmem>>
      %dma_start3A_760 = tpu.memref_squeeze %dma_start3A_759 : memref<1x32x128xf32, #tpu.memory_space<vmem>> -> memref<32x128xf32, #tpu.memory_space<vmem>>
      %dma_start3A_761 = arith.constant 0 : i32
      %dma_start3A_762 = tpu.memref_slice %arg4[%dma_start3A_761, %multiple_of3A_752] : memref<32x1000000xf32, #tpu.memory_space<hbm>> -> memref<32x128xf32, #tpu.memory_space<hbm>>
      %dma_start3A_763 = arith.constant 0 : i32
      %dma_start3A_764 = arith.constant 0 : i32
      %dma_start3A_765 = tpu.memref_slice %arg9[%dma_start3A_756, %dma_start3A_763, %dma_start3A_764] : memref<8x32x128xf32, #tpu.memory_space<vmem>> -> memref<1x32x128xf32, #tpu.memory_space<vmem>>
      %dma_start3A_766 = tpu.memref_squeeze %dma_start3A_765 : memref<1x32x128xf32, #tpu.memory_space<vmem>> -> memref<32x128xf32, #tpu.memory_space<vmem>>
      %dma_start3A_767 = arith.constant 0 : i32
      %dma_start3A_768 = tpu.memref_slice %arg4[%dma_start3A_767, %multiple_of3A_752] : memref<32x1000000xf32, #tpu.memory_space<hbm>> -> memref<32x128xf32, #tpu.memory_space<hbm>>
      tpu.enqueue_dma source(%dma_start3A_768 : memref<32x128xf32, #tpu.memory_space<hbm>>) target(%dma_start3A_766 : memref<32x128xf32, #tpu.memory_space<vmem>>) target_semaphore(%arg17 : memref<!tpu.dma_semaphore, #tpu.memory_space<semaphore_mem>>)
      %dma_start3A_769 = arith.constant 5 : i32
      %dma_start3A_770 = arith.constant 0 : i32
      %dma_start3A_771 = arith.constant 0 : i32
      %dma_start3A_772 = tpu.memref_slice %arg10[%dma_start3A_769, %dma_start3A_770, %dma_start3A_771] : memref<8x32x128xf32, #tpu.memory_space<vmem>> -> memref<1x32x128xf32, #tpu.memory_space<vmem>>
      %dma_start3A_773 = tpu.memref_squeeze %dma_start3A_772 : memref<1x32x128xf32, #tpu.memory_space<vmem>> -> memref<32x128xf32, #tpu.memory_space<vmem>>
      %dma_start3A_774 = arith.constant 0 : i32
      %dma_start3A_775 = tpu.memref_slice %arg5[%dma_start3A_774, %multiple_of3A_755] : memref<32x1000000xf32, #tpu.memory_space<hbm>> -> memref<32x128xf32, #tpu.memory_space<hbm>>
      %dma_start3A_776 = arith.constant 0 : i32
      %dma_start3A_777 = arith.constant 0 : i32
      %dma_start3A_778 = tpu.memref_slice %arg10[%dma_start3A_769, %dma_start3A_776, %dma_start3A_777] : memref<8x32x128xf32, #tpu.memory_space<vmem>> -> memref<1x32x128xf32, #tpu.memory_space<vmem>>
      %dma_start3A_779 = tpu.memref_squeeze %dma_start3A_778 : memref<1x32x128xf32, #tpu.memory_space<vmem>> -> memref<32x128xf32, #tpu.memory_space<vmem>>
      %dma_start3A_780 = arith.constant 0 : i32
      %dma_start3A_781 = tpu.memref_slice %arg5[%dma_start3A_780, %multiple_of3A_755] : memref<32x1000000xf32, #tpu.memory_space<hbm>> -> memref<32x128xf32, #tpu.memory_space<hbm>>
      tpu.enqueue_dma source(%dma_start3A_781 : memref<32x128xf32, #tpu.memory_space<hbm>>) target(%dma_start3A_779 : memref<32x128xf32, #tpu.memory_space<vmem>>) target_semaphore(%arg25 : memref<!tpu.dma_semaphore, #tpu.memory_space<semaphore_mem>>)
      %gt3A_782 = arith.constant 0 : i32
      %gt3A_783 = arith.cmpi sgt, %scan3A_524, %gt3A_782 : i32
      %convert_element_type3A_784 = arith.extui %gt3A_783 : i1 to i32
      %cond3A_785 = arith.constant 0 : i32
      %cond3A_786 = arith.cmpi ne, %convert_element_type3A_784, %cond3A_785 : i32
      scf.if %cond3A_786 {
        %mul3A_1692 = arith.constant 16 : i32
        %mul3A_1693 = arith.muli %max3A_526, %mul3A_1692 : i32
        %add3A_1694 = arith.constant 16 : i32
        %add3A_1695 = arith.addi %mul3A_1693, %add3A_1694 : i32
        %sub3A_1696 = arith.constant 8 : i32
        %sub3A_1697 = arith.subi %add3A_1695, %sub3A_1696 : i32
        %add3A_1698 = arith.constant 6 : i32
        %add3A_1699 = arith.addi %sub3A_1697, %add3A_1698 : i32
        %dma_wait3A_1700 = arith.constant 6 : i32
        %dma_wait3A_1701 = arith.constant 0 : i32
        %dma_wait3A_1702 = arith.constant 0 : i32
        %dma_wait3A_1703 = tpu.memref_slice %arg9[%dma_wait3A_1700, %dma_wait3A_1701, %dma_wait3A_1702] : memref<8x32x128xf32, #tpu.memory_space<vmem>> -> memref<1x32x128xf32, #tpu.memory_space<vmem>>
        %dma_wait3A_1704 = tpu.memref_squeeze %dma_wait3A_1703 : memref<1x32x128xf32, #tpu.memory_space<vmem>> -> memref<32x128xf32, #tpu.memory_space<vmem>>
        %dma_wait3A_1705 = arith.constant 0 : i32
        %dma_wait3A_1706 = arith.constant 0 : i32
        %dma_wait3A_1707 = tpu.memref_slice %arg6[%dma_wait3A_1705, %dma_wait3A_1706] : memref<16384x32xf32, #tpu.memory_space<hbm>> -> memref<32x128xf32, #tpu.memory_space<hbm>>
        %dma_wait3A_1708 = arith.constant 0 : i32
        %dma_wait3A_1709 = arith.constant 0 : i32
        %dma_wait3A_1710 = tpu.memref_slice %arg9[%dma_wait3A_1700, %dma_wait3A_1708, %dma_wait3A_1709] : memref<8x32x128xf32, #tpu.memory_space<vmem>> -> memref<1x32x128xf32, #tpu.memory_space<vmem>>
        %dma_wait3A_1711 = tpu.memref_squeeze %dma_wait3A_1710 : memref<1x32x128xf32, #tpu.memory_space<vmem>> -> memref<32x128xf32, #tpu.memory_space<vmem>>
        %dma_wait3A_1712 = arith.constant 0 : i32
        %dma_wait3A_1713 = arith.constant 0 : i32
        %dma_wait3A_1714 = tpu.memref_slice %arg6[%dma_wait3A_1712, %dma_wait3A_1713] : memref<16384x32xf32, #tpu.memory_space<hbm>> -> memref<32x128xf32, #tpu.memory_space<hbm>>
        tpu.wait_dma2 semaphore(%arg18 : memref<!tpu.dma_semaphore, #tpu.memory_space<semaphore_mem>>) src(%dma_wait3A_1714 : memref<32x128xf32, #tpu.memory_space<hbm>>) dst(%dma_wait3A_1711 : memref<32x128xf32, #tpu.memory_space<vmem>>)
        %dma_wait3A_1715 = arith.constant 6 : i32
        %dma_wait3A_1716 = arith.constant 0 : i32
        %dma_wait3A_1717 = arith.constant 0 : i32
        %dma_wait3A_1718 = tpu.memref_slice %arg10[%dma_wait3A_1715, %dma_wait3A_1716, %dma_wait3A_1717] : memref<8x32x128xf32, #tpu.memory_space<vmem>> -> memref<1x32x128xf32, #tpu.memory_space<vmem>>
        %dma_wait3A_1719 = tpu.memref_squeeze %dma_wait3A_1718 : memref<1x32x128xf32, #tpu.memory_space<vmem>> -> memref<32x128xf32, #tpu.memory_space<vmem>>
        %dma_wait3A_1720 = arith.constant 0 : i32
        %dma_wait3A_1721 = arith.constant 0 : i32
        %dma_wait3A_1722 = tpu.memref_slice %arg6[%dma_wait3A_1720, %dma_wait3A_1721] : memref<16384x32xf32, #tpu.memory_space<hbm>> -> memref<32x128xf32, #tpu.memory_space<hbm>>
        %dma_wait3A_1723 = arith.constant 0 : i32
        %dma_wait3A_1724 = arith.constant 0 : i32
        %dma_wait3A_1725 = tpu.memref_slice %arg10[%dma_wait3A_1715, %dma_wait3A_1723, %dma_wait3A_1724] : memref<8x32x128xf32, #tpu.memory_space<vmem>> -> memref<1x32x128xf32, #tpu.memory_space<vmem>>
        %dma_wait3A_1726 = tpu.memref_squeeze %dma_wait3A_1725 : memref<1x32x128xf32, #tpu.memory_space<vmem>> -> memref<32x128xf32, #tpu.memory_space<vmem>>
        %dma_wait3A_1727 = arith.constant 0 : i32
        %dma_wait3A_1728 = arith.constant 0 : i32
        %dma_wait3A_1729 = tpu.memref_slice %arg6[%dma_wait3A_1727, %dma_wait3A_1728] : memref<16384x32xf32, #tpu.memory_space<hbm>> -> memref<32x128xf32, #tpu.memory_space<hbm>>
        tpu.wait_dma2 semaphore(%arg26 : memref<!tpu.dma_semaphore, #tpu.memory_space<semaphore_mem>>) src(%dma_wait3A_1729 : memref<32x128xf32, #tpu.memory_space<hbm>>) dst(%dma_wait3A_1726 : memref<32x128xf32, #tpu.memory_space<vmem>>)
        %broadcast_in_dim3A_1730 = arith.constant 6 : i32
        %broadcast_in_dim3A_1731 = vector.broadcast %broadcast_in_dim3A_1730 : i32 to vector<16xi32>
        %slice3A_1732 = vector.extract_strided_slice %and3A_561 {offsets = [14], sizes = [1], strides = [1]} : vector<16xi32> to vector<1xi32>
        %squeeze3A_1733 = vector.extract %slice3A_1732[0] : i32 from vector<1xi32>
        %broadcast_in_dim3A_1734 = vector.broadcast %squeeze3A_1733 : i32 to vector<16xi32>
        %slice3A_1735 = vector.extract_strided_slice %and3A_564 {offsets = [14], sizes = [1], strides = [1]} : vector<16xi32> to vector<1xi32>
        %squeeze3A_1736 = vector.extract %slice3A_1735[0] : i32 from vector<1xi32>
        %broadcast_in_dim3A_1737 = vector.broadcast %squeeze3A_1736 : i32 to vector<16xi32>
        %add3A_1738 = arith.constant 0 : i32
        %add3A_1739 = vector.broadcast %add3A_1738 : i32 to vector<16xi32>
        %add3A_1740 = arith.addi %iota3A, %add3A_1739 : vector<16xi32>
        %gather3A_1741 = tpu.vector_load_idx %arg9[%broadcast_in_dim3A_1731, %add3A_1740, %broadcast_in_dim3A_1734] : memref<8x32x128xf32, #tpu.memory_space<vmem>>[vector<16xi32>, vector<16xi32>, vector<16xi32>], vector<16xf32>,
        %add3A_1742 = arith.constant 0 : i32
        %add3A_1743 = vector.broadcast %add3A_1742 : i32 to vector<16xi32>
        %add3A_1744 = arith.addi %iota3A, %add3A_1743 : vector<16xi32>
        %gather3A_1745 = tpu.vector_load_idx %arg10[%broadcast_in_dim3A_1731, %add3A_1744, %broadcast_in_dim3A_1737] : memref<8x32x128xf32, #tpu.memory_space<vmem>>[vector<16xi32>, vector<16xi32>, vector<16xi32>], vector<16xf32>,
        %mul3A_1746 = arith.mulf %gather3A_1741, %gather3A_1745 : vector<16xf32>
        %and3A_1747 = arith.constant 255 : i32
        %and3A_1748 = arith.andi %add3A_1699, %and3A_1747 : i32
        %swap3A_1749 = arith.index_cast %and3A_1748 : i32 to index
        %swap3A_1750 = arith.constant 0 : index
        %swap3A_1751 = tpu.vector_load %arg11[%swap3A_1749, %swap3A_1750] {strides = array<i32>} : memref<256x32xf32, #tpu.memory_space<vmem>>, vector<16xf32>,
        tpu.vector_store %arg11[%swap3A_1749, %swap3A_1750], %mul3A_1746 {strides = array<i32>} : memref<256x32xf32, #tpu.memory_space<vmem>>, vector<16xf32>,
        %add3A_1752 = arith.constant 16 : i32
        %add3A_1753 = vector.broadcast %add3A_1752 : i32 to vector<16xi32>
        %add3A_1754 = arith.addi %iota3A, %add3A_1753 : vector<16xi32>
        %gather3A_1755 = tpu.vector_load_idx %arg9[%broadcast_in_dim3A_1731, %add3A_1754, %broadcast_in_dim3A_1734] : memref<8x32x128xf32, #tpu.memory_space<vmem>>[vector<16xi32>, vector<16xi32>, vector<16xi32>], vector<16xf32>,
        %add3A_1756 = arith.constant 16 : i32
        %add3A_1757 = vector.broadcast %add3A_1756 : i32 to vector<16xi32>
        %add3A_1758 = arith.addi %iota3A, %add3A_1757 : vector<16xi32>
        %gather3A_1759 = tpu.vector_load_idx %arg10[%broadcast_in_dim3A_1731, %add3A_1758, %broadcast_in_dim3A_1737] : memref<8x32x128xf32, #tpu.memory_space<vmem>>[vector<16xi32>, vector<16xi32>, vector<16xi32>], vector<16xf32>,
        %mul3A_1760 = arith.mulf %gather3A_1755, %gather3A_1759 : vector<16xf32>
        %and3A_1761 = arith.constant 255 : i32
        %and3A_1762 = arith.andi %add3A_1699, %and3A_1761 : i32
        %swap3A_1763 = arith.index_cast %and3A_1762 : i32 to index
        %swap3A_1764 = arith.constant 16 : index
        %swap3A_1765 = tpu.vector_load %arg11[%swap3A_1763, %swap3A_1764] {strides = array<i32>} : memref<256x32xf32, #tpu.memory_space<vmem>>, vector<16xf32>,
        tpu.vector_store %arg11[%swap3A_1763, %swap3A_1764], %mul3A_1760 {strides = array<i32>} : memref<256x32xf32, #tpu.memory_space<vmem>>, vector<16xf32>,
      } else {
      }
      %slice3A_787 = vector.extract_strided_slice %shift_left3A_546 {offsets = [6], sizes = [1], strides = [1]} : vector<16xi32> to vector<1xi32>
      %squeeze3A_788 = vector.extract %slice3A_787[0] : i32 from vector<1xi32>
      %multiple_of3A_789 = tpu.assume_multiple %squeeze3A_788, 128 : i32
      %slice3A_790 = vector.extract_strided_slice %shift_left3A_552 {offsets = [6], sizes = [1], strides = [1]} : vector<16xi32> to vector<1xi32>
      %squeeze3A_791 = vector.extract %slice3A_790[0] : i32 from vector<1xi32>
      %multiple_of3A_792 = tpu.assume_multiple %squeeze3A_791, 128 : i32
      %dma_start3A_793 = arith.constant 6 : i32
      %dma_start3A_794 = arith.constant 0 : i32
      %dma_start3A_795 = arith.constant 0 : i32
      %dma_start3A_796 = tpu.memref_slice %arg9[%dma_start3A_793, %dma_start3A_794, %dma_start3A_795] : memref<8x32x128xf32, #tpu.memory_space<vmem>> -> memref<1x32x128xf32, #tpu.memory_space<vmem>>
      %dma_start3A_797 = tpu.memref_squeeze %dma_start3A_796 : memref<1x32x128xf32, #tpu.memory_space<vmem>> -> memref<32x128xf32, #tpu.memory_space<vmem>>
      %dma_start3A_798 = arith.constant 0 : i32
      %dma_start3A_799 = tpu.memref_slice %arg4[%dma_start3A_798, %multiple_of3A_789] : memref<32x1000000xf32, #tpu.memory_space<hbm>> -> memref<32x128xf32, #tpu.memory_space<hbm>>
      %dma_start3A_800 = arith.constant 0 : i32
      %dma_start3A_801 = arith.constant 0 : i32
      %dma_start3A_802 = tpu.memref_slice %arg9[%dma_start3A_793, %dma_start3A_800, %dma_start3A_801] : memref<8x32x128xf32, #tpu.memory_space<vmem>> -> memref<1x32x128xf32, #tpu.memory_space<vmem>>
      %dma_start3A_803 = tpu.memref_squeeze %dma_start3A_802 : memref<1x32x128xf32, #tpu.memory_space<vmem>> -> memref<32x128xf32, #tpu.memory_space<vmem>>
      %dma_start3A_804 = arith.constant 0 : i32
      %dma_start3A_805 = tpu.memref_slice %arg4[%dma_start3A_804, %multiple_of3A_789] : memref<32x1000000xf32, #tpu.memory_space<hbm>> -> memref<32x128xf32, #tpu.memory_space<hbm>>
      tpu.enqueue_dma source(%dma_start3A_805 : memref<32x128xf32, #tpu.memory_space<hbm>>) target(%dma_start3A_803 : memref<32x128xf32, #tpu.memory_space<vmem>>) target_semaphore(%arg18 : memref<!tpu.dma_semaphore, #tpu.memory_space<semaphore_mem>>)
      %dma_start3A_806 = arith.constant 6 : i32
      %dma_start3A_807 = arith.constant 0 : i32
      %dma_start3A_808 = arith.constant 0 : i32
      %dma_start3A_809 = tpu.memref_slice %arg10[%dma_start3A_806, %dma_start3A_807, %dma_start3A_808] : memref<8x32x128xf32, #tpu.memory_space<vmem>> -> memref<1x32x128xf32, #tpu.memory_space<vmem>>
      %dma_start3A_810 = tpu.memref_squeeze %dma_start3A_809 : memref<1x32x128xf32, #tpu.memory_space<vmem>> -> memref<32x128xf32, #tpu.memory_space<vmem>>
      %dma_start3A_811 = arith.constant 0 : i32
      %dma_start3A_812 = tpu.memref_slice %arg5[%dma_start3A_811, %multiple_of3A_792] : memref<32x1000000xf32, #tpu.memory_space<hbm>> -> memref<32x128xf32, #tpu.memory_space<hbm>>
      %dma_start3A_813 = arith.constant 0 : i32
      %dma_start3A_814 = arith.constant 0 : i32
      %dma_start3A_815 = tpu.memref_slice %arg10[%dma_start3A_806, %dma_start3A_813, %dma_start3A_814] : memref<8x32x128xf32, #tpu.memory_space<vmem>> -> memref<1x32x128xf32, #tpu.memory_space<vmem>>
      %dma_start3A_816 = tpu.memref_squeeze %dma_start3A_815 : memref<1x32x128xf32, #tpu.memory_space<vmem>> -> memref<32x128xf32, #tpu.memory_space<vmem>>
      %dma_start3A_817 = arith.constant 0 : i32
      %dma_start3A_818 = tpu.memref_slice %arg5[%dma_start3A_817, %multiple_of3A_792] : memref<32x1000000xf32, #tpu.memory_space<hbm>> -> memref<32x128xf32, #tpu.memory_space<hbm>>
      tpu.enqueue_dma source(%dma_start3A_818 : memref<32x128xf32, #tpu.memory_space<hbm>>) target(%dma_start3A_816 : memref<32x128xf32, #tpu.memory_space<vmem>>) target_semaphore(%arg26 : memref<!tpu.dma_semaphore, #tpu.memory_space<semaphore_mem>>)
      %gt3A_819 = arith.constant 0 : i32
      %gt3A_820 = arith.cmpi sgt, %scan3A_524, %gt3A_819 : i32
      %convert_element_type3A_821 = arith.extui %gt3A_820 : i1 to i32
      %cond3A_822 = arith.constant 0 : i32
      %cond3A_823 = arith.cmpi ne, %convert_element_type3A_821, %cond3A_822 : i32
      scf.if %cond3A_823 {
        %mul3A_1692 = arith.constant 16 : i32
        %mul3A_1693 = arith.muli %max3A_526, %mul3A_1692 : i32
        %add3A_1694 = arith.constant 16 : i32
        %add3A_1695 = arith.addi %mul3A_1693, %add3A_1694 : i32
        %sub3A_1696 = arith.constant 8 : i32
        %sub3A_1697 = arith.subi %add3A_1695, %sub3A_1696 : i32
        %add3A_1698 = arith.constant 7 : i32
        %add3A_1699 = arith.addi %sub3A_1697, %add3A_1698 : i32
        %dma_wait3A_1700 = arith.constant 7 : i32
        %dma_wait3A_1701 = arith.constant 0 : i32
        %dma_wait3A_1702 = arith.constant 0 : i32
        %dma_wait3A_1703 = tpu.memref_slice %arg9[%dma_wait3A_1700, %dma_wait3A_1701, %dma_wait3A_1702] : memref<8x32x128xf32, #tpu.memory_space<vmem>> -> memref<1x32x128xf32, #tpu.memory_space<vmem>>
        %dma_wait3A_1704 = tpu.memref_squeeze %dma_wait3A_1703 : memref<1x32x128xf32, #tpu.memory_space<vmem>> -> memref<32x128xf32, #tpu.memory_space<vmem>>
        %dma_wait3A_1705 = arith.constant 0 : i32
        %dma_wait3A_1706 = arith.constant 0 : i32
        %dma_wait3A_1707 = tpu.memref_slice %arg6[%dma_wait3A_1705, %dma_wait3A_1706] : memref<16384x32xf32, #tpu.memory_space<hbm>> -> memref<32x128xf32, #tpu.memory_space<hbm>>
        %dma_wait3A_1708 = arith.constant 0 : i32
        %dma_wait3A_1709 = arith.constant 0 : i32
        %dma_wait3A_1710 = tpu.memref_slice %arg9[%dma_wait3A_1700, %dma_wait3A_1708, %dma_wait3A_1709] : memref<8x32x128xf32, #tpu.memory_space<vmem>> -> memref<1x32x128xf32, #tpu.memory_space<vmem>>
        %dma_wait3A_1711 = tpu.memref_squeeze %dma_wait3A_1710 : memref<1x32x128xf32, #tpu.memory_space<vmem>> -> memref<32x128xf32, #tpu.memory_space<vmem>>
        %dma_wait3A_1712 = arith.constant 0 : i32
        %dma_wait3A_1713 = arith.constant 0 : i32
        %dma_wait3A_1714 = tpu.memref_slice %arg6[%dma_wait3A_1712, %dma_wait3A_1713] : memref<16384x32xf32, #tpu.memory_space<hbm>> -> memref<32x128xf32, #tpu.memory_space<hbm>>
        tpu.wait_dma2 semaphore(%arg19 : memref<!tpu.dma_semaphore, #tpu.memory_space<semaphore_mem>>) src(%dma_wait3A_1714 : memref<32x128xf32, #tpu.memory_space<hbm>>) dst(%dma_wait3A_1711 : memref<32x128xf32, #tpu.memory_space<vmem>>)
        %dma_wait3A_1715 = arith.constant 7 : i32
        %dma_wait3A_1716 = arith.constant 0 : i32
        %dma_wait3A_1717 = arith.constant 0 : i32
        %dma_wait3A_1718 = tpu.memref_slice %arg10[%dma_wait3A_1715, %dma_wait3A_1716, %dma_wait3A_1717] : memref<8x32x128xf32, #tpu.memory_space<vmem>> -> memref<1x32x128xf32, #tpu.memory_space<vmem>>
        %dma_wait3A_1719 = tpu.memref_squeeze %dma_wait3A_1718 : memref<1x32x128xf32, #tpu.memory_space<vmem>> -> memref<32x128xf32, #tpu.memory_space<vmem>>
        %dma_wait3A_1720 = arith.constant 0 : i32
        %dma_wait3A_1721 = arith.constant 0 : i32
        %dma_wait3A_1722 = tpu.memref_slice %arg6[%dma_wait3A_1720, %dma_wait3A_1721] : memref<16384x32xf32, #tpu.memory_space<hbm>> -> memref<32x128xf32, #tpu.memory_space<hbm>>
        %dma_wait3A_1723 = arith.constant 0 : i32
        %dma_wait3A_1724 = arith.constant 0 : i32
        %dma_wait3A_1725 = tpu.memref_slice %arg10[%dma_wait3A_1715, %dma_wait3A_1723, %dma_wait3A_1724] : memref<8x32x128xf32, #tpu.memory_space<vmem>> -> memref<1x32x128xf32, #tpu.memory_space<vmem>>
        %dma_wait3A_1726 = tpu.memref_squeeze %dma_wait3A_1725 : memref<1x32x128xf32, #tpu.memory_space<vmem>> -> memref<32x128xf32, #tpu.memory_space<vmem>>
        %dma_wait3A_1727 = arith.constant 0 : i32
        %dma_wait3A_1728 = arith.constant 0 : i32
        %dma_wait3A_1729 = tpu.memref_slice %arg6[%dma_wait3A_1727, %dma_wait3A_1728] : memref<16384x32xf32, #tpu.memory_space<hbm>> -> memref<32x128xf32, #tpu.memory_space<hbm>>
        tpu.wait_dma2 semaphore(%arg27 : memref<!tpu.dma_semaphore, #tpu.memory_space<semaphore_mem>>) src(%dma_wait3A_1729 : memref<32x128xf32, #tpu.memory_space<hbm>>) dst(%dma_wait3A_1726 : memref<32x128xf32, #tpu.memory_space<vmem>>)
        %broadcast_in_dim3A_1730 = arith.constant 7 : i32
        %broadcast_in_dim3A_1731 = vector.broadcast %broadcast_in_dim3A_1730 : i32 to vector<16xi32>
        %slice3A_1732 = vector.extract_strided_slice %and3A_561 {offsets = [15], sizes = [1], strides = [1]} : vector<16xi32> to vector<1xi32>
        %squeeze3A_1733 = vector.extract %slice3A_1732[0] : i32 from vector<1xi32>
        %broadcast_in_dim3A_1734 = vector.broadcast %squeeze3A_1733 : i32 to vector<16xi32>
        %slice3A_1735 = vector.extract_strided_slice %and3A_564 {offsets = [15], sizes = [1], strides = [1]} : vector<16xi32> to vector<1xi32>
        %squeeze3A_1736 = vector.extract %slice3A_1735[0] : i32 from vector<1xi32>
        %broadcast_in_dim3A_1737 = vector.broadcast %squeeze3A_1736 : i32 to vector<16xi32>
        %add3A_1738 = arith.constant 0 : i32
        %add3A_1739 = vector.broadcast %add3A_1738 : i32 to vector<16xi32>
        %add3A_1740 = arith.addi %iota3A, %add3A_1739 : vector<16xi32>
        %gather3A_1741 = tpu.vector_load_idx %arg9[%broadcast_in_dim3A_1731, %add3A_1740, %broadcast_in_dim3A_1734] : memref<8x32x128xf32, #tpu.memory_space<vmem>>[vector<16xi32>, vector<16xi32>, vector<16xi32>], vector<16xf32>,
        %add3A_1742 = arith.constant 0 : i32
        %add3A_1743 = vector.broadcast %add3A_1742 : i32 to vector<16xi32>
        %add3A_1744 = arith.addi %iota3A, %add3A_1743 : vector<16xi32>
        %gather3A_1745 = tpu.vector_load_idx %arg10[%broadcast_in_dim3A_1731, %add3A_1744, %broadcast_in_dim3A_1737] : memref<8x32x128xf32, #tpu.memory_space<vmem>>[vector<16xi32>, vector<16xi32>, vector<16xi32>], vector<16xf32>,
        %mul3A_1746 = arith.mulf %gather3A_1741, %gather3A_1745 : vector<16xf32>
        %and3A_1747 = arith.constant 255 : i32
        %and3A_1748 = arith.andi %add3A_1699, %and3A_1747 : i32
        %swap3A_1749 = arith.index_cast %and3A_1748 : i32 to index
        %swap3A_1750 = arith.constant 0 : index
        %swap3A_1751 = tpu.vector_load %arg11[%swap3A_1749, %swap3A_1750] {strides = array<i32>} : memref<256x32xf32, #tpu.memory_space<vmem>>, vector<16xf32>,
        tpu.vector_store %arg11[%swap3A_1749, %swap3A_1750], %mul3A_1746 {strides = array<i32>} : memref<256x32xf32, #tpu.memory_space<vmem>>, vector<16xf32>,
        %add3A_1752 = arith.constant 16 : i32
        %add3A_1753 = vector.broadcast %add3A_1752 : i32 to vector<16xi32>
        %add3A_1754 = arith.addi %iota3A, %add3A_1753 : vector<16xi32>
        %gather3A_1755 = tpu.vector_load_idx %arg9[%broadcast_in_dim3A_1731, %add3A_1754, %broadcast_in_dim3A_1734] : memref<8x32x128xf32, #tpu.memory_space<vmem>>[vector<16xi32>, vector<16xi32>, vector<16xi32>], vector<16xf32>,
        %add3A_1756 = arith.constant 16 : i32
        %add3A_1757 = vector.broadcast %add3A_1756 : i32 to vector<16xi32>
        %add3A_1758 = arith.addi %iota3A, %add3A_1757 : vector<16xi32>
        %gather3A_1759 = tpu.vector_load_idx %arg10[%broadcast_in_dim3A_1731, %add3A_1758, %broadcast_in_dim3A_1737] : memref<8x32x128xf32, #tpu.memory_space<vmem>>[vector<16xi32>, vector<16xi32>, vector<16xi32>], vector<16xf32>,
        %mul3A_1760 = arith.mulf %gather3A_1755, %gather3A_1759 : vector<16xf32>
        %and3A_1761 = arith.constant 255 : i32
        %and3A_1762 = arith.andi %add3A_1699, %and3A_1761 : i32
        %swap3A_1763 = arith.index_cast %and3A_1762 : i32 to index
        %swap3A_1764 = arith.constant 16 : index
        %swap3A_1765 = tpu.vector_load %arg11[%swap3A_1763, %swap3A_1764] {strides = array<i32>} : memref<256x32xf32, #tpu.memory_space<vmem>>, vector<16xf32>,
        tpu.vector_store %arg11[%swap3A_1763, %swap3A_1764], %mul3A_1760 {strides = array<i32>} : memref<256x32xf32, #tpu.memory_space<vmem>>, vector<16xf32>,
      } else {
      }
      %slice3A_824 = vector.extract_strided_slice %shift_left3A_546 {offsets = [7], sizes = [1], strides = [1]} : vector<16xi32> to vector<1xi32>
      %squeeze3A_825 = vector.extract %slice3A_824[0] : i32 from vector<1xi32>
      %multiple_of3A_826 = tpu.assume_multiple %squeeze3A_825, 128 : i32
      %slice3A_827 = vector.extract_strided_slice %shift_left3A_552 {offsets = [7], sizes = [1], strides = [1]} : vector<16xi32> to vector<1xi32>
      %squeeze3A_828 = vector.extract %slice3A_827[0] : i32 from vector<1xi32>
      %multiple_of3A_829 = tpu.assume_multiple %squeeze3A_828, 128 : i32
      %dma_start3A_830 = arith.constant 7 : i32
      %dma_start3A_831 = arith.constant 0 : i32
      %dma_start3A_832 = arith.constant 0 : i32
      %dma_start3A_833 = tpu.memref_slice %arg9[%dma_start3A_830, %dma_start3A_831, %dma_start3A_832] : memref<8x32x128xf32, #tpu.memory_space<vmem>> -> memref<1x32x128xf32, #tpu.memory_space<vmem>>
      %dma_start3A_834 = tpu.memref_squeeze %dma_start3A_833 : memref<1x32x128xf32, #tpu.memory_space<vmem>> -> memref<32x128xf32, #tpu.memory_space<vmem>>
      %dma_start3A_835 = arith.constant 0 : i32
      %dma_start3A_836 = tpu.memref_slice %arg4[%dma_start3A_835, %multiple_of3A_826] : memref<32x1000000xf32, #tpu.memory_space<hbm>> -> memref<32x128xf32, #tpu.memory_space<hbm>>
      %dma_start3A_837 = arith.constant 0 : i32
      %dma_start3A_838 = arith.constant 0 : i32
      %dma_start3A_839 = tpu.memref_slice %arg9[%dma_start3A_830, %dma_start3A_837, %dma_start3A_838] : memref<8x32x128xf32, #tpu.memory_space<vmem>> -> memref<1x32x128xf32, #tpu.memory_space<vmem>>
      %dma_start3A_840 = tpu.memref_squeeze %dma_start3A_839 : memref<1x32x128xf32, #tpu.memory_space<vmem>> -> memref<32x128xf32, #tpu.memory_space<vmem>>
      %dma_start3A_841 = arith.constant 0 : i32
      %dma_start3A_842 = tpu.memref_slice %arg4[%dma_start3A_841, %multiple_of3A_826] : memref<32x1000000xf32, #tpu.memory_space<hbm>> -> memref<32x128xf32, #tpu.memory_space<hbm>>
      tpu.enqueue_dma source(%dma_start3A_842 : memref<32x128xf32, #tpu.memory_space<hbm>>) target(%dma_start3A_840 : memref<32x128xf32, #tpu.memory_space<vmem>>) target_semaphore(%arg19 : memref<!tpu.dma_semaphore, #tpu.memory_space<semaphore_mem>>)
      %dma_start3A_843 = arith.constant 7 : i32
      %dma_start3A_844 = arith.constant 0 : i32
      %dma_start3A_845 = arith.constant 0 : i32
      %dma_start3A_846 = tpu.memref_slice %arg10[%dma_start3A_843, %dma_start3A_844, %dma_start3A_845] : memref<8x32x128xf32, #tpu.memory_space<vmem>> -> memref<1x32x128xf32, #tpu.memory_space<vmem>>
      %dma_start3A_847 = tpu.memref_squeeze %dma_start3A_846 : memref<1x32x128xf32, #tpu.memory_space<vmem>> -> memref<32x128xf32, #tpu.memory_space<vmem>>
      %dma_start3A_848 = arith.constant 0 : i32
      %dma_start3A_849 = tpu.memref_slice %arg5[%dma_start3A_848, %multiple_of3A_829] : memref<32x1000000xf32, #tpu.memory_space<hbm>> -> memref<32x128xf32, #tpu.memory_space<hbm>>
      %dma_start3A_850 = arith.constant 0 : i32
      %dma_start3A_851 = arith.constant 0 : i32
      %dma_start3A_852 = tpu.memref_slice %arg10[%dma_start3A_843, %dma_start3A_850, %dma_start3A_851] : memref<8x32x128xf32, #tpu.memory_space<vmem>> -> memref<1x32x128xf32, #tpu.memory_space<vmem>>
      %dma_start3A_853 = tpu.memref_squeeze %dma_start3A_852 : memref<1x32x128xf32, #tpu.memory_space<vmem>> -> memref<32x128xf32, #tpu.memory_space<vmem>>
      %dma_start3A_854 = arith.constant 0 : i32
      %dma_start3A_855 = tpu.memref_slice %arg5[%dma_start3A_854, %multiple_of3A_829] : memref<32x1000000xf32, #tpu.memory_space<hbm>> -> memref<32x128xf32, #tpu.memory_space<hbm>>
      tpu.enqueue_dma source(%dma_start3A_855 : memref<32x128xf32, #tpu.memory_space<hbm>>) target(%dma_start3A_853 : memref<32x128xf32, #tpu.memory_space<vmem>>) target_semaphore(%arg27 : memref<!tpu.dma_semaphore, #tpu.memory_space<semaphore_mem>>)
      %eq3A = arith.constant 16 : i32
      %eq3A_856 = arith.cmpi eq, %scan3A_524, %eq3A : i32
      %convert_element_type3A_857 = arith.extui %eq3A_856 : i1 to i32
      %cond3A_858 = arith.constant 0 : i32
      %cond3A_859 = arith.cmpi ne, %convert_element_type3A_857, %cond3A_858 : i32
      scf.if %cond3A_859 {
        "tpu.region"() ({
          %run_scoped3A = tpu.sem_alloc : memref<!tpu.dma_semaphore, #tpu.memory_space<semaphore_mem>>
          %dma_start3A_1692 = arith.constant 0 : i32
          %dma_start3A_1693 = tpu.memref_slice %arg6[%mul3A_2, %dma_start3A_1692] : memref<16384x32xf32, #tpu.memory_space<hbm>> -> memref<256x32xf32, #tpu.memory_space<hbm>>
          %dma_start3A_1694 = arith.constant 0 : i32
          %dma_start3A_1695 = tpu.memref_slice %arg6[%mul3A_2, %dma_start3A_1694] : memref<16384x32xf32, #tpu.memory_space<hbm>> -> memref<256x32xf32, #tpu.memory_space<hbm>>
          tpu.enqueue_dma source(%arg11 : memref<256x32xf32, #tpu.memory_space<vmem>>) target(%dma_start3A_1695 : memref<256x32xf32, #tpu.memory_space<hbm>>) target_semaphore(%run_scoped3A : memref<!tpu.dma_semaphore, #tpu.memory_space<semaphore_mem>>)
          %dma_wait3A_1696 = arith.constant 0 : i32
          %dma_wait3A_1697 = tpu.memref_slice %arg6[%mul3A_2, %dma_wait3A_1696] : memref<16384x32xf32, #tpu.memory_space<hbm>> -> memref<256x32xf32, #tpu.memory_space<hbm>>
          %dma_wait3A_1698 = arith.constant 0 : i32
          %dma_wait3A_1699 = tpu.memref_slice %arg6[%mul3A_2, %dma_wait3A_1698] : memref<16384x32xf32, #tpu.memory_space<hbm>> -> memref<256x32xf32, #tpu.memory_space<hbm>>
          tpu.wait_dma2 semaphore(%run_scoped3A : memref<!tpu.dma_semaphore, #tpu.memory_space<semaphore_mem>>) src(%arg11 : memref<256x32xf32, #tpu.memory_space<vmem>>) dst(%dma_wait3A_1699 : memref<256x32xf32, #tpu.memory_space<hbm>>)
          tpu.yield
        }) : () -> ()
      } else {
      }
      %mul3A_860 = arith.constant 16 : i32
      %mul3A_861 = arith.muli %scan3A_524, %mul3A_860 : i32
      %add3A_862 = arith.constant 8 : i32
      %add3A_863 = arith.addi %mul3A_861, %add3A_862 : i32
      %sub3A_864 = arith.constant 8 : i32
      %sub3A_865 = arith.subi %add3A_863, %sub3A_864 : i32
      %dma_wait3A_866 = arith.constant 0 : i32
      %dma_wait3A_867 = arith.constant 0 : i32
      %dma_wait3A_868 = arith.constant 0 : i32
      %dma_wait3A_869 = tpu.memref_slice %arg9[%dma_wait3A_866, %dma_wait3A_867, %dma_wait3A_868] : memref<8x32x128xf32, #tpu.memory_space<vmem>> -> memref<1x32x128xf32, #tpu.memory_space<vmem>>
      %dma_wait3A_870 = tpu.memref_squeeze %dma_wait3A_869 : memref<1x32x128xf32, #tpu.memory_space<vmem>> -> memref<32x128xf32, #tpu.memory_space<vmem>>
      %dma_wait3A_871 = arith.constant 0 : i32
      %dma_wait3A_872 = arith.constant 0 : i32
      %dma_wait3A_873 = tpu.memref_slice %arg6[%dma_wait3A_871, %dma_wait3A_872] : memref<16384x32xf32, #tpu.memory_space<hbm>> -> memref<32x128xf32, #tpu.memory_space<hbm>>
      %dma_wait3A_874 = arith.constant 0 : i32
      %dma_wait3A_875 = arith.constant 0 : i32
      %dma_wait3A_876 = tpu.memref_slice %arg9[%dma_wait3A_866, %dma_wait3A_874, %dma_wait3A_875] : memref<8x32x128xf32, #tpu.memory_space<vmem>> -> memref<1x32x128xf32, #tpu.memory_space<vmem>>
      %dma_wait3A_877 = tpu.memref_squeeze %dma_wait3A_876 : memref<1x32x128xf32, #tpu.memory_space<vmem>> -> memref<32x128xf32, #tpu.memory_space<vmem>>
      %dma_wait3A_878 = arith.constant 0 : i32
      %dma_wait3A_879 = arith.constant 0 : i32
      %dma_wait3A_880 = tpu.memref_slice %arg6[%dma_wait3A_878, %dma_wait3A_879] : memref<16384x32xf32, #tpu.memory_space<hbm>> -> memref<32x128xf32, #tpu.memory_space<hbm>>
      tpu.wait_dma2 semaphore(%arg12 : memref<!tpu.dma_semaphore, #tpu.memory_space<semaphore_mem>>) src(%dma_wait3A_880 : memref<32x128xf32, #tpu.memory_space<hbm>>) dst(%dma_wait3A_877 : memref<32x128xf32, #tpu.memory_space<vmem>>)
      %dma_wait3A_881 = arith.constant 0 : i32
      %dma_wait3A_882 = arith.constant 0 : i32
      %dma_wait3A_883 = arith.constant 0 : i32
      %dma_wait3A_884 = tpu.memref_slice %arg10[%dma_wait3A_881, %dma_wait3A_882, %dma_wait3A_883] : memref<8x32x128xf32, #tpu.memory_space<vmem>> -> memref<1x32x128xf32, #tpu.memory_space<vmem>>
      %dma_wait3A_885 = tpu.memref_squeeze %dma_wait3A_884 : memref<1x32x128xf32, #tpu.memory_space<vmem>> -> memref<32x128xf32, #tpu.memory_space<vmem>>
      %dma_wait3A_886 = arith.constant 0 : i32
      %dma_wait3A_887 = arith.constant 0 : i32
      %dma_wait3A_888 = tpu.memref_slice %arg6[%dma_wait3A_886, %dma_wait3A_887] : memref<16384x32xf32, #tpu.memory_space<hbm>> -> memref<32x128xf32, #tpu.memory_space<hbm>>
      %dma_wait3A_889 = arith.constant 0 : i32
      %dma_wait3A_890 = arith.constant 0 : i32
      %dma_wait3A_891 = tpu.memref_slice %arg10[%dma_wait3A_881, %dma_wait3A_889, %dma_wait3A_890] : memref<8x32x128xf32, #tpu.memory_space<vmem>> -> memref<1x32x128xf32, #tpu.memory_space<vmem>>
      %dma_wait3A_892 = tpu.memref_squeeze %dma_wait3A_891 : memref<1x32x128xf32, #tpu.memory_space<vmem>> -> memref<32x128xf32, #tpu.memory_space<vmem>>
      %dma_wait3A_893 = arith.constant 0 : i32
      %dma_wait3A_894 = arith.constant 0 : i32
      %dma_wait3A_895 = tpu.memref_slice %arg6[%dma_wait3A_893, %dma_wait3A_894] : memref<16384x32xf32, #tpu.memory_space<hbm>> -> memref<32x128xf32, #tpu.memory_space<hbm>>
      tpu.wait_dma2 semaphore(%arg20 : memref<!tpu.dma_semaphore, #tpu.memory_space<semaphore_mem>>) src(%dma_wait3A_895 : memref<32x128xf32, #tpu.memory_space<hbm>>) dst(%dma_wait3A_892 : memref<32x128xf32, #tpu.memory_space<vmem>>)
      %broadcast_in_dim3A_896 = arith.constant 0 : i32
      %broadcast_in_dim3A_897 = vector.broadcast %broadcast_in_dim3A_896 : i32 to vector<16xi32>
      %slice3A_898 = vector.extract_strided_slice %and3A_555 {offsets = [0], sizes = [1], strides = [1]} : vector<16xi32> to vector<1xi32>
      %squeeze3A_899 = vector.extract %slice3A_898[0] : i32 from vector<1xi32>
      %broadcast_in_dim3A_900 = vector.broadcast %squeeze3A_899 : i32 to vector<16xi32>
      %slice3A_901 = vector.extract_strided_slice %and3A_558 {offsets = [0], sizes = [1], strides = [1]} : vector<16xi32> to vector<1xi32>
      %squeeze3A_902 = vector.extract %slice3A_901[0] : i32 from vector<1xi32>
      %broadcast_in_dim3A_903 = vector.broadcast %squeeze3A_902 : i32 to vector<16xi32>
      %add3A_904 = arith.constant 0 : i32
      %add3A_905 = vector.broadcast %add3A_904 : i32 to vector<16xi32>
      %add3A_906 = arith.addi %iota3A, %add3A_905 : vector<16xi32>
      %gather3A_907 = tpu.vector_load_idx %arg9[%broadcast_in_dim3A_897, %add3A_906, %broadcast_in_dim3A_900] : memref<8x32x128xf32, #tpu.memory_space<vmem>>[vector<16xi32>, vector<16xi32>, vector<16xi32>], vector<16xf32>,
      %add3A_908 = arith.constant 0 : i32
      %add3A_909 = vector.broadcast %add3A_908 : i32 to vector<16xi32>
      %add3A_910 = arith.addi %iota3A, %add3A_909 : vector<16xi32>
      %gather3A_911 = tpu.vector_load_idx %arg10[%broadcast_in_dim3A_897, %add3A_910, %broadcast_in_dim3A_903] : memref<8x32x128xf32, #tpu.memory_space<vmem>>[vector<16xi32>, vector<16xi32>, vector<16xi32>], vector<16xf32>,
      %mul3A_912 = arith.mulf %gather3A_907, %gather3A_911 : vector<16xf32>
      %and3A_913 = arith.constant 255 : i32
      %and3A_914 = arith.andi %sub3A_865, %and3A_913 : i32
      %swap3A_915 = arith.index_cast %and3A_914 : i32 to index
      %swap3A_916 = arith.constant 0 : index
      %swap3A_917 = tpu.vector_load %arg11[%swap3A_915, %swap3A_916] {strides = array<i32>} : memref<256x32xf32, #tpu.memory_space<vmem>>, vector<16xf32>,
      tpu.vector_store %arg11[%swap3A_915, %swap3A_916], %mul3A_912 {strides = array<i32>} : memref<256x32xf32, #tpu.memory_space<vmem>>, vector<16xf32>,
      %add3A_918 = arith.constant 16 : i32
      %add3A_919 = vector.broadcast %add3A_918 : i32 to vector<16xi32>
      %add3A_920 = arith.addi %iota3A, %add3A_919 : vector<16xi32>
      %gather3A_921 = tpu.vector_load_idx %arg9[%broadcast_in_dim3A_897, %add3A_920, %broadcast_in_dim3A_900] : memref<8x32x128xf32, #tpu.memory_space<vmem>>[vector<16xi32>, vector<16xi32>, vector<16xi32>], vector<16xf32>,
      %add3A_922 = arith.constant 16 : i32
      %add3A_923 = vector.broadcast %add3A_922 : i32 to vector<16xi32>
      %add3A_924 = arith.addi %iota3A, %add3A_923 : vector<16xi32>
      %gather3A_925 = tpu.vector_load_idx %arg10[%broadcast_in_dim3A_897, %add3A_924, %broadcast_in_dim3A_903] : memref<8x32x128xf32, #tpu.memory_space<vmem>>[vector<16xi32>, vector<16xi32>, vector<16xi32>], vector<16xf32>,
      %mul3A_926 = arith.mulf %gather3A_921, %gather3A_925 : vector<16xf32>
      %and3A_927 = arith.constant 255 : i32
      %and3A_928 = arith.andi %sub3A_865, %and3A_927 : i32
      %swap3A_929 = arith.index_cast %and3A_928 : i32 to index
      %swap3A_930 = arith.constant 16 : index
      %swap3A_931 = tpu.vector_load %arg11[%swap3A_929, %swap3A_930] {strides = array<i32>} : memref<256x32xf32, #tpu.memory_space<vmem>>, vector<16xf32>,
      tpu.vector_store %arg11[%swap3A_929, %swap3A_930], %mul3A_926 {strides = array<i32>} : memref<256x32xf32, #tpu.memory_space<vmem>>, vector<16xf32>,
      %slice3A_932 = vector.extract_strided_slice %shift_left3A_546 {offsets = [8], sizes = [1], strides = [1]} : vector<16xi32> to vector<1xi32>
      %squeeze3A_933 = vector.extract %slice3A_932[0] : i32 from vector<1xi32>
      %multiple_of3A_934 = tpu.assume_multiple %squeeze3A_933, 128 : i32
      %slice3A_935 = vector.extract_strided_slice %shift_left3A_552 {offsets = [8], sizes = [1], strides = [1]} : vector<16xi32> to vector<1xi32>
      %squeeze3A_936 = vector.extract %slice3A_935[0] : i32 from vector<1xi32>
      %multiple_of3A_937 = tpu.assume_multiple %squeeze3A_936, 128 : i32
      %dma_start3A_938 = arith.constant 0 : i32
      %dma_start3A_939 = arith.constant 0 : i32
      %dma_start3A_940 = arith.constant 0 : i32
      %dma_start3A_941 = tpu.memref_slice %arg9[%dma_start3A_938, %dma_start3A_939, %dma_start3A_940] : memref<8x32x128xf32, #tpu.memory_space<vmem>> -> memref<1x32x128xf32, #tpu.memory_space<vmem>>
      %dma_start3A_942 = tpu.memref_squeeze %dma_start3A_941 : memref<1x32x128xf32, #tpu.memory_space<vmem>> -> memref<32x128xf32, #tpu.memory_space<vmem>>
      %dma_start3A_943 = arith.constant 0 : i32
      %dma_start3A_944 = tpu.memref_slice %arg4[%dma_start3A_943, %multiple_of3A_934] : memref<32x1000000xf32, #tpu.memory_space<hbm>> -> memref<32x128xf32, #tpu.memory_space<hbm>>
      %dma_start3A_945 = arith.constant 0 : i32
      %dma_start3A_946 = arith.constant 0 : i32
      %dma_start3A_947 = tpu.memref_slice %arg9[%dma_start3A_938, %dma_start3A_945, %dma_start3A_946] : memref<8x32x128xf32, #tpu.memory_space<vmem>> -> memref<1x32x128xf32, #tpu.memory_space<vmem>>
      %dma_start3A_948 = tpu.memref_squeeze %dma_start3A_947 : memref<1x32x128xf32, #tpu.memory_space<vmem>> -> memref<32x128xf32, #tpu.memory_space<vmem>>
      %dma_start3A_949 = arith.constant 0 : i32
      %dma_start3A_950 = tpu.memref_slice %arg4[%dma_start3A_949, %multiple_of3A_934] : memref<32x1000000xf32, #tpu.memory_space<hbm>> -> memref<32x128xf32, #tpu.memory_space<hbm>>
      tpu.enqueue_dma source(%dma_start3A_950 : memref<32x128xf32, #tpu.memory_space<hbm>>) target(%dma_start3A_948 : memref<32x128xf32, #tpu.memory_space<vmem>>) target_semaphore(%arg12 : memref<!tpu.dma_semaphore, #tpu.memory_space<semaphore_mem>>)
      %dma_start3A_951 = arith.constant 0 : i32
      %dma_start3A_952 = arith.constant 0 : i32
      %dma_start3A_953 = arith.constant 0 : i32
      %dma_start3A_954 = tpu.memref_slice %arg10[%dma_start3A_951, %dma_start3A_952, %dma_start3A_953] : memref<8x32x128xf32, #tpu.memory_space<vmem>> -> memref<1x32x128xf32, #tpu.memory_space<vmem>>
      %dma_start3A_955 = tpu.memref_squeeze %dma_start3A_954 : memref<1x32x128xf32, #tpu.memory_space<vmem>> -> memref<32x128xf32, #tpu.memory_space<vmem>>
      %dma_start3A_956 = arith.constant 0 : i32
      %dma_start3A_957 = tpu.memref_slice %arg5[%dma_start3A_956, %multiple_of3A_937] : memref<32x1000000xf32, #tpu.memory_space<hbm>> -> memref<32x128xf32, #tpu.memory_space<hbm>>
      %dma_start3A_958 = arith.constant 0 : i32
      %dma_start3A_959 = arith.constant 0 : i32
      %dma_start3A_960 = tpu.memref_slice %arg10[%dma_start3A_951, %dma_start3A_958, %dma_start3A_959] : memref<8x32x128xf32, #tpu.memory_space<vmem>> -> memref<1x32x128xf32, #tpu.memory_space<vmem>>
      %dma_start3A_961 = tpu.memref_squeeze %dma_start3A_960 : memref<1x32x128xf32, #tpu.memory_space<vmem>> -> memref<32x128xf32, #tpu.memory_space<vmem>>
      %dma_start3A_962 = arith.constant 0 : i32
      %dma_start3A_963 = tpu.memref_slice %arg5[%dma_start3A_962, %multiple_of3A_937] : memref<32x1000000xf32, #tpu.memory_space<hbm>> -> memref<32x128xf32, #tpu.memory_space<hbm>>
      tpu.enqueue_dma source(%dma_start3A_963 : memref<32x128xf32, #tpu.memory_space<hbm>>) target(%dma_start3A_961 : memref<32x128xf32, #tpu.memory_space<vmem>>) target_semaphore(%arg20 : memref<!tpu.dma_semaphore, #tpu.memory_space<semaphore_mem>>)
      %mul3A_964 = arith.constant 16 : i32
      %mul3A_965 = arith.muli %scan3A_524, %mul3A_964 : i32
      %add3A_966 = arith.constant 9 : i32
      %add3A_967 = arith.addi %mul3A_965, %add3A_966 : i32
      %sub3A_968 = arith.constant 8 : i32
      %sub3A_969 = arith.subi %add3A_967, %sub3A_968 : i32
      %dma_wait3A_970 = arith.constant 1 : i32
      %dma_wait3A_971 = arith.constant 0 : i32
      %dma_wait3A_972 = arith.constant 0 : i32
      %dma_wait3A_973 = tpu.memref_slice %arg9[%dma_wait3A_970, %dma_wait3A_971, %dma_wait3A_972] : memref<8x32x128xf32, #tpu.memory_space<vmem>> -> memref<1x32x128xf32, #tpu.memory_space<vmem>>
      %dma_wait3A_974 = tpu.memref_squeeze %dma_wait3A_973 : memref<1x32x128xf32, #tpu.memory_space<vmem>> -> memref<32x128xf32, #tpu.memory_space<vmem>>
      %dma_wait3A_975 = arith.constant 0 : i32
      %dma_wait3A_976 = arith.constant 0 : i32
      %dma_wait3A_977 = tpu.memref_slice %arg6[%dma_wait3A_975, %dma_wait3A_976] : memref<16384x32xf32, #tpu.memory_space<hbm>> -> memref<32x128xf32, #tpu.memory_space<hbm>>
      %dma_wait3A_978 = arith.constant 0 : i32
      %dma_wait3A_979 = arith.constant 0 : i32
      %dma_wait3A_980 = tpu.memref_slice %arg9[%dma_wait3A_970, %dma_wait3A_978, %dma_wait3A_979] : memref<8x32x128xf32, #tpu.memory_space<vmem>> -> memref<1x32x128xf32, #tpu.memory_space<vmem>>
      %dma_wait3A_981 = tpu.memref_squeeze %dma_wait3A_980 : memref<1x32x128xf32, #tpu.memory_space<vmem>> -> memref<32x128xf32, #tpu.memory_space<vmem>>
      %dma_wait3A_982 = arith.constant 0 : i32
      %dma_wait3A_983 = arith.constant 0 : i32
      %dma_wait3A_984 = tpu.memref_slice %arg6[%dma_wait3A_982, %dma_wait3A_983] : memref<16384x32xf32, #tpu.memory_space<hbm>> -> memref<32x128xf32, #tpu.memory_space<hbm>>
      tpu.wait_dma2 semaphore(%arg13 : memref<!tpu.dma_semaphore, #tpu.memory_space<semaphore_mem>>) src(%dma_wait3A_984 : memref<32x128xf32, #tpu.memory_space<hbm>>) dst(%dma_wait3A_981 : memref<32x128xf32, #tpu.memory_space<vmem>>)
      %dma_wait3A_985 = arith.constant 1 : i32
      %dma_wait3A_986 = arith.constant 0 : i32
      %dma_wait3A_987 = arith.constant 0 : i32
      %dma_wait3A_988 = tpu.memref_slice %arg10[%dma_wait3A_985, %dma_wait3A_986, %dma_wait3A_987] : memref<8x32x128xf32, #tpu.memory_space<vmem>> -> memref<1x32x128xf32, #tpu.memory_space<vmem>>
      %dma_wait3A_989 = tpu.memref_squeeze %dma_wait3A_988 : memref<1x32x128xf32, #tpu.memory_space<vmem>> -> memref<32x128xf32, #tpu.memory_space<vmem>>
      %dma_wait3A_990 = arith.constant 0 : i32
      %dma_wait3A_991 = arith.constant 0 : i32
      %dma_wait3A_992 = tpu.memref_slice %arg6[%dma_wait3A_990, %dma_wait3A_991] : memref<16384x32xf32, #tpu.memory_space<hbm>> -> memref<32x128xf32, #tpu.memory_space<hbm>>
      %dma_wait3A_993 = arith.constant 0 : i32
      %dma_wait3A_994 = arith.constant 0 : i32
      %dma_wait3A_995 = tpu.memref_slice %arg10[%dma_wait3A_985, %dma_wait3A_993, %dma_wait3A_994] : memref<8x32x128xf32, #tpu.memory_space<vmem>> -> memref<1x32x128xf32, #tpu.memory_space<vmem>>
      %dma_wait3A_996 = tpu.memref_squeeze %dma_wait3A_995 : memref<1x32x128xf32, #tpu.memory_space<vmem>> -> memref<32x128xf32, #tpu.memory_space<vmem>>
      %dma_wait3A_997 = arith.constant 0 : i32
      %dma_wait3A_998 = arith.constant 0 : i32
      %dma_wait3A_999 = tpu.memref_slice %arg6[%dma_wait3A_997, %dma_wait3A_998] : memref<16384x32xf32, #tpu.memory_space<hbm>> -> memref<32x128xf32, #tpu.memory_space<hbm>>
      tpu.wait_dma2 semaphore(%arg21 : memref<!tpu.dma_semaphore, #tpu.memory_space<semaphore_mem>>) src(%dma_wait3A_999 : memref<32x128xf32, #tpu.memory_space<hbm>>) dst(%dma_wait3A_996 : memref<32x128xf32, #tpu.memory_space<vmem>>)
      %broadcast_in_dim3A_1000 = arith.constant 1 : i32
      %broadcast_in_dim3A_1001 = vector.broadcast %broadcast_in_dim3A_1000 : i32 to vector<16xi32>
      %slice3A_1002 = vector.extract_strided_slice %and3A_555 {offsets = [1], sizes = [1], strides = [1]} : vector<16xi32> to vector<1xi32>
      %squeeze3A_1003 = vector.extract %slice3A_1002[0] : i32 from vector<1xi32>
      %broadcast_in_dim3A_1004 = vector.broadcast %squeeze3A_1003 : i32 to vector<16xi32>
      %slice3A_1005 = vector.extract_strided_slice %and3A_558 {offsets = [1], sizes = [1], strides = [1]} : vector<16xi32> to vector<1xi32>
      %squeeze3A_1006 = vector.extract %slice3A_1005[0] : i32 from vector<1xi32>
      %broadcast_in_dim3A_1007 = vector.broadcast %squeeze3A_1006 : i32 to vector<16xi32>
      %add3A_1008 = arith.constant 0 : i32
      %add3A_1009 = vector.broadcast %add3A_1008 : i32 to vector<16xi32>
      %add3A_1010 = arith.addi %iota3A, %add3A_1009 : vector<16xi32>
      %gather3A_1011 = tpu.vector_load_idx %arg9[%broadcast_in_dim3A_1001, %add3A_1010, %broadcast_in_dim3A_1004] : memref<8x32x128xf32, #tpu.memory_space<vmem>>[vector<16xi32>, vector<16xi32>, vector<16xi32>], vector<16xf32>,
      %add3A_1012 = arith.constant 0 : i32
      %add3A_1013 = vector.broadcast %add3A_1012 : i32 to vector<16xi32>
      %add3A_1014 = arith.addi %iota3A, %add3A_1013 : vector<16xi32>
      %gather3A_1015 = tpu.vector_load_idx %arg10[%broadcast_in_dim3A_1001, %add3A_1014, %broadcast_in_dim3A_1007] : memref<8x32x128xf32, #tpu.memory_space<vmem>>[vector<16xi32>, vector<16xi32>, vector<16xi32>], vector<16xf32>,
      %mul3A_1016 = arith.mulf %gather3A_1011, %gather3A_1015 : vector<16xf32>
      %and3A_1017 = arith.constant 255 : i32
      %and3A_1018 = arith.andi %sub3A_969, %and3A_1017 : i32
      %swap3A_1019 = arith.index_cast %and3A_1018 : i32 to index
      %swap3A_1020 = arith.constant 0 : index
      %swap3A_1021 = tpu.vector_load %arg11[%swap3A_1019, %swap3A_1020] {strides = array<i32>} : memref<256x32xf32, #tpu.memory_space<vmem>>, vector<16xf32>,
      tpu.vector_store %arg11[%swap3A_1019, %swap3A_1020], %mul3A_1016 {strides = array<i32>} : memref<256x32xf32, #tpu.memory_space<vmem>>, vector<16xf32>,
      %add3A_1022 = arith.constant 16 : i32
      %add3A_1023 = vector.broadcast %add3A_1022 : i32 to vector<16xi32>
      %add3A_1024 = arith.addi %iota3A, %add3A_1023 : vector<16xi32>
      %gather3A_1025 = tpu.vector_load_idx %arg9[%broadcast_in_dim3A_1001, %add3A_1024, %broadcast_in_dim3A_1004] : memref<8x32x128xf32, #tpu.memory_space<vmem>>[vector<16xi32>, vector<16xi32>, vector<16xi32>], vector<16xf32>,
      %add3A_1026 = arith.constant 16 : i32
      %add3A_1027 = vector.broadcast %add3A_1026 : i32 to vector<16xi32>
      %add3A_1028 = arith.addi %iota3A, %add3A_1027 : vector<16xi32>
      %gather3A_1029 = tpu.vector_load_idx %arg10[%broadcast_in_dim3A_1001, %add3A_1028, %broadcast_in_dim3A_1007] : memref<8x32x128xf32, #tpu.memory_space<vmem>>[vector<16xi32>, vector<16xi32>, vector<16xi32>], vector<16xf32>,
      %mul3A_1030 = arith.mulf %gather3A_1025, %gather3A_1029 : vector<16xf32>
      %and3A_1031 = arith.constant 255 : i32
      %and3A_1032 = arith.andi %sub3A_969, %and3A_1031 : i32
      %swap3A_1033 = arith.index_cast %and3A_1032 : i32 to index
      %swap3A_1034 = arith.constant 16 : index
      %swap3A_1035 = tpu.vector_load %arg11[%swap3A_1033, %swap3A_1034] {strides = array<i32>} : memref<256x32xf32, #tpu.memory_space<vmem>>, vector<16xf32>,
      tpu.vector_store %arg11[%swap3A_1033, %swap3A_1034], %mul3A_1030 {strides = array<i32>} : memref<256x32xf32, #tpu.memory_space<vmem>>, vector<16xf32>,
      %slice3A_1036 = vector.extract_strided_slice %shift_left3A_546 {offsets = [9], sizes = [1], strides = [1]} : vector<16xi32> to vector<1xi32>
      %squeeze3A_1037 = vector.extract %slice3A_1036[0] : i32 from vector<1xi32>
      %multiple_of3A_1038 = tpu.assume_multiple %squeeze3A_1037, 128 : i32
      %slice3A_1039 = vector.extract_strided_slice %shift_left3A_552 {offsets = [9], sizes = [1], strides = [1]} : vector<16xi32> to vector<1xi32>
      %squeeze3A_1040 = vector.extract %slice3A_1039[0] : i32 from vector<1xi32>
      %multiple_of3A_1041 = tpu.assume_multiple %squeeze3A_1040, 128 : i32
      %dma_start3A_1042 = arith.constant 1 : i32
      %dma_start3A_1043 = arith.constant 0 : i32
      %dma_start3A_1044 = arith.constant 0 : i32
      %dma_start3A_1045 = tpu.memref_slice %arg9[%dma_start3A_1042, %dma_start3A_1043, %dma_start3A_1044] : memref<8x32x128xf32, #tpu.memory_space<vmem>> -> memref<1x32x128xf32, #tpu.memory_space<vmem>>
      %dma_start3A_1046 = tpu.memref_squeeze %dma_start3A_1045 : memref<1x32x128xf32, #tpu.memory_space<vmem>> -> memref<32x128xf32, #tpu.memory_space<vmem>>
      %dma_start3A_1047 = arith.constant 0 : i32
      %dma_start3A_1048 = tpu.memref_slice %arg4[%dma_start3A_1047, %multiple_of3A_1038] : memref<32x1000000xf32, #tpu.memory_space<hbm>> -> memref<32x128xf32, #tpu.memory_space<hbm>>
      %dma_start3A_1049 = arith.constant 0 : i32
      %dma_start3A_1050 = arith.constant 0 : i32
      %dma_start3A_1051 = tpu.memref_slice %arg9[%dma_start3A_1042, %dma_start3A_1049, %dma_start3A_1050] : memref<8x32x128xf32, #tpu.memory_space<vmem>> -> memref<1x32x128xf32, #tpu.memory_space<vmem>>
      %dma_start3A_1052 = tpu.memref_squeeze %dma_start3A_1051 : memref<1x32x128xf32, #tpu.memory_space<vmem>> -> memref<32x128xf32, #tpu.memory_space<vmem>>
      %dma_start3A_1053 = arith.constant 0 : i32
      %dma_start3A_1054 = tpu.memref_slice %arg4[%dma_start3A_1053, %multiple_of3A_1038] : memref<32x1000000xf32, #tpu.memory_space<hbm>> -> memref<32x128xf32, #tpu.memory_space<hbm>>
      tpu.enqueue_dma source(%dma_start3A_1054 : memref<32x128xf32, #tpu.memory_space<hbm>>) target(%dma_start3A_1052 : memref<32x128xf32, #tpu.memory_space<vmem>>) target_semaphore(%arg13 : memref<!tpu.dma_semaphore, #tpu.memory_space<semaphore_mem>>)
      %dma_start3A_1055 = arith.constant 1 : i32
      %dma_start3A_1056 = arith.constant 0 : i32
      %dma_start3A_1057 = arith.constant 0 : i32
      %dma_start3A_1058 = tpu.memref_slice %arg10[%dma_start3A_1055, %dma_start3A_1056, %dma_start3A_1057] : memref<8x32x128xf32, #tpu.memory_space<vmem>> -> memref<1x32x128xf32, #tpu.memory_space<vmem>>
      %dma_start3A_1059 = tpu.memref_squeeze %dma_start3A_1058 : memref<1x32x128xf32, #tpu.memory_space<vmem>> -> memref<32x128xf32, #tpu.memory_space<vmem>>
      %dma_start3A_1060 = arith.constant 0 : i32
      %dma_start3A_1061 = tpu.memref_slice %arg5[%dma_start3A_1060, %multiple_of3A_1041] : memref<32x1000000xf32, #tpu.memory_space<hbm>> -> memref<32x128xf32, #tpu.memory_space<hbm>>
      %dma_start3A_1062 = arith.constant 0 : i32
      %dma_start3A_1063 = arith.constant 0 : i32
      %dma_start3A_1064 = tpu.memref_slice %arg10[%dma_start3A_1055, %dma_start3A_1062, %dma_start3A_1063] : memref<8x32x128xf32, #tpu.memory_space<vmem>> -> memref<1x32x128xf32, #tpu.memory_space<vmem>>
      %dma_start3A_1065 = tpu.memref_squeeze %dma_start3A_1064 : memref<1x32x128xf32, #tpu.memory_space<vmem>> -> memref<32x128xf32, #tpu.memory_space<vmem>>
      %dma_start3A_1066 = arith.constant 0 : i32
      %dma_start3A_1067 = tpu.memref_slice %arg5[%dma_start3A_1066, %multiple_of3A_1041] : memref<32x1000000xf32, #tpu.memory_space<hbm>> -> memref<32x128xf32, #tpu.memory_space<hbm>>
      tpu.enqueue_dma source(%dma_start3A_1067 : memref<32x128xf32, #tpu.memory_space<hbm>>) target(%dma_start3A_1065 : memref<32x128xf32, #tpu.memory_space<vmem>>) target_semaphore(%arg21 : memref<!tpu.dma_semaphore, #tpu.memory_space<semaphore_mem>>)
      %mul3A_1068 = arith.constant 16 : i32
      %mul3A_1069 = arith.muli %scan3A_524, %mul3A_1068 : i32
      %add3A_1070 = arith.constant 10 : i32
      %add3A_1071 = arith.addi %mul3A_1069, %add3A_1070 : i32
      %sub3A_1072 = arith.constant 8 : i32
      %sub3A_1073 = arith.subi %add3A_1071, %sub3A_1072 : i32
      %dma_wait3A_1074 = arith.constant 2 : i32
      %dma_wait3A_1075 = arith.constant 0 : i32
      %dma_wait3A_1076 = arith.constant 0 : i32
      %dma_wait3A_1077 = tpu.memref_slice %arg9[%dma_wait3A_1074, %dma_wait3A_1075, %dma_wait3A_1076] : memref<8x32x128xf32, #tpu.memory_space<vmem>> -> memref<1x32x128xf32, #tpu.memory_space<vmem>>
      %dma_wait3A_1078 = tpu.memref_squeeze %dma_wait3A_1077 : memref<1x32x128xf32, #tpu.memory_space<vmem>> -> memref<32x128xf32, #tpu.memory_space<vmem>>
      %dma_wait3A_1079 = arith.constant 0 : i32
      %dma_wait3A_1080 = arith.constant 0 : i32
      %dma_wait3A_1081 = tpu.memref_slice %arg6[%dma_wait3A_1079, %dma_wait3A_1080] : memref<16384x32xf32, #tpu.memory_space<hbm>> -> memref<32x128xf32, #tpu.memory_space<hbm>>
      %dma_wait3A_1082 = arith.constant 0 : i32
      %dma_wait3A_1083 = arith.constant 0 : i32
      %dma_wait3A_1084 = tpu.memref_slice %arg9[%dma_wait3A_1074, %dma_wait3A_1082, %dma_wait3A_1083] : memref<8x32x128xf32, #tpu.memory_space<vmem>> -> memref<1x32x128xf32, #tpu.memory_space<vmem>>
      %dma_wait3A_1085 = tpu.memref_squeeze %dma_wait3A_1084 : memref<1x32x128xf32, #tpu.memory_space<vmem>> -> memref<32x128xf32, #tpu.memory_space<vmem>>
      %dma_wait3A_1086 = arith.constant 0 : i32
      %dma_wait3A_1087 = arith.constant 0 : i32
      %dma_wait3A_1088 = tpu.memref_slice %arg6[%dma_wait3A_1086, %dma_wait3A_1087] : memref<16384x32xf32, #tpu.memory_space<hbm>> -> memref<32x128xf32, #tpu.memory_space<hbm>>
      tpu.wait_dma2 semaphore(%arg14 : memref<!tpu.dma_semaphore, #tpu.memory_space<semaphore_mem>>) src(%dma_wait3A_1088 : memref<32x128xf32, #tpu.memory_space<hbm>>) dst(%dma_wait3A_1085 : memref<32x128xf32, #tpu.memory_space<vmem>>)
      %dma_wait3A_1089 = arith.constant 2 : i32
      %dma_wait3A_1090 = arith.constant 0 : i32
      %dma_wait3A_1091 = arith.constant 0 : i32
      %dma_wait3A_1092 = tpu.memref_slice %arg10[%dma_wait3A_1089, %dma_wait3A_1090, %dma_wait3A_1091] : memref<8x32x128xf32, #tpu.memory_space<vmem>> -> memref<1x32x128xf32, #tpu.memory_space<vmem>>
      %dma_wait3A_1093 = tpu.memref_squeeze %dma_wait3A_1092 : memref<1x32x128xf32, #tpu.memory_space<vmem>> -> memref<32x128xf32, #tpu.memory_space<vmem>>
      %dma_wait3A_1094 = arith.constant 0 : i32
      %dma_wait3A_1095 = arith.constant 0 : i32
      %dma_wait3A_1096 = tpu.memref_slice %arg6[%dma_wait3A_1094, %dma_wait3A_1095] : memref<16384x32xf32, #tpu.memory_space<hbm>> -> memref<32x128xf32, #tpu.memory_space<hbm>>
      %dma_wait3A_1097 = arith.constant 0 : i32
      %dma_wait3A_1098 = arith.constant 0 : i32
      %dma_wait3A_1099 = tpu.memref_slice %arg10[%dma_wait3A_1089, %dma_wait3A_1097, %dma_wait3A_1098] : memref<8x32x128xf32, #tpu.memory_space<vmem>> -> memref<1x32x128xf32, #tpu.memory_space<vmem>>
      %dma_wait3A_1100 = tpu.memref_squeeze %dma_wait3A_1099 : memref<1x32x128xf32, #tpu.memory_space<vmem>> -> memref<32x128xf32, #tpu.memory_space<vmem>>
      %dma_wait3A_1101 = arith.constant 0 : i32
      %dma_wait3A_1102 = arith.constant 0 : i32
      %dma_wait3A_1103 = tpu.memref_slice %arg6[%dma_wait3A_1101, %dma_wait3A_1102] : memref<16384x32xf32, #tpu.memory_space<hbm>> -> memref<32x128xf32, #tpu.memory_space<hbm>>
      tpu.wait_dma2 semaphore(%arg22 : memref<!tpu.dma_semaphore, #tpu.memory_space<semaphore_mem>>) src(%dma_wait3A_1103 : memref<32x128xf32, #tpu.memory_space<hbm>>) dst(%dma_wait3A_1100 : memref<32x128xf32, #tpu.memory_space<vmem>>)
      %broadcast_in_dim3A_1104 = arith.constant 2 : i32
      %broadcast_in_dim3A_1105 = vector.broadcast %broadcast_in_dim3A_1104 : i32 to vector<16xi32>
      %slice3A_1106 = vector.extract_strided_slice %and3A_555 {offsets = [2], sizes = [1], strides = [1]} : vector<16xi32> to vector<1xi32>
      %squeeze3A_1107 = vector.extract %slice3A_1106[0] : i32 from vector<1xi32>
      %broadcast_in_dim3A_1108 = vector.broadcast %squeeze3A_1107 : i32 to vector<16xi32>
      %slice3A_1109 = vector.extract_strided_slice %and3A_558 {offsets = [2], sizes = [1], strides = [1]} : vector<16xi32> to vector<1xi32>
      %squeeze3A_1110 = vector.extract %slice3A_1109[0] : i32 from vector<1xi32>
      %broadcast_in_dim3A_1111 = vector.broadcast %squeeze3A_1110 : i32 to vector<16xi32>
      %add3A_1112 = arith.constant 0 : i32
      %add3A_1113 = vector.broadcast %add3A_1112 : i32 to vector<16xi32>
      %add3A_1114 = arith.addi %iota3A, %add3A_1113 : vector<16xi32>
      %gather3A_1115 = tpu.vector_load_idx %arg9[%broadcast_in_dim3A_1105, %add3A_1114, %broadcast_in_dim3A_1108] : memref<8x32x128xf32, #tpu.memory_space<vmem>>[vector<16xi32>, vector<16xi32>, vector<16xi32>], vector<16xf32>,
      %add3A_1116 = arith.constant 0 : i32
      %add3A_1117 = vector.broadcast %add3A_1116 : i32 to vector<16xi32>
      %add3A_1118 = arith.addi %iota3A, %add3A_1117 : vector<16xi32>
      %gather3A_1119 = tpu.vector_load_idx %arg10[%broadcast_in_dim3A_1105, %add3A_1118, %broadcast_in_dim3A_1111] : memref<8x32x128xf32, #tpu.memory_space<vmem>>[vector<16xi32>, vector<16xi32>, vector<16xi32>], vector<16xf32>,
      %mul3A_1120 = arith.mulf %gather3A_1115, %gather3A_1119 : vector<16xf32>
      %and3A_1121 = arith.constant 255 : i32
      %and3A_1122 = arith.andi %sub3A_1073, %and3A_1121 : i32
      %swap3A_1123 = arith.index_cast %and3A_1122 : i32 to index
      %swap3A_1124 = arith.constant 0 : index
      %swap3A_1125 = tpu.vector_load %arg11[%swap3A_1123, %swap3A_1124] {strides = array<i32>} : memref<256x32xf32, #tpu.memory_space<vmem>>, vector<16xf32>,
      tpu.vector_store %arg11[%swap3A_1123, %swap3A_1124], %mul3A_1120 {strides = array<i32>} : memref<256x32xf32, #tpu.memory_space<vmem>>, vector<16xf32>,
      %add3A_1126 = arith.constant 16 : i32
      %add3A_1127 = vector.broadcast %add3A_1126 : i32 to vector<16xi32>
      %add3A_1128 = arith.addi %iota3A, %add3A_1127 : vector<16xi32>
      %gather3A_1129 = tpu.vector_load_idx %arg9[%broadcast_in_dim3A_1105, %add3A_1128, %broadcast_in_dim3A_1108] : memref<8x32x128xf32, #tpu.memory_space<vmem>>[vector<16xi32>, vector<16xi32>, vector<16xi32>], vector<16xf32>,
      %add3A_1130 = arith.constant 16 : i32
      %add3A_1131 = vector.broadcast %add3A_1130 : i32 to vector<16xi32>
      %add3A_1132 = arith.addi %iota3A, %add3A_1131 : vector<16xi32>
      %gather3A_1133 = tpu.vector_load_idx %arg10[%broadcast_in_dim3A_1105, %add3A_1132, %broadcast_in_dim3A_1111] : memref<8x32x128xf32, #tpu.memory_space<vmem>>[vector<16xi32>, vector<16xi32>, vector<16xi32>], vector<16xf32>,
      %mul3A_1134 = arith.mulf %gather3A_1129, %gather3A_1133 : vector<16xf32>
      %and3A_1135 = arith.constant 255 : i32
      %and3A_1136 = arith.andi %sub3A_1073, %and3A_1135 : i32
      %swap3A_1137 = arith.index_cast %and3A_1136 : i32 to index
      %swap3A_1138 = arith.constant 16 : index
      %swap3A_1139 = tpu.vector_load %arg11[%swap3A_1137, %swap3A_1138] {strides = array<i32>} : memref<256x32xf32, #tpu.memory_space<vmem>>, vector<16xf32>,
      tpu.vector_store %arg11[%swap3A_1137, %swap3A_1138], %mul3A_1134 {strides = array<i32>} : memref<256x32xf32, #tpu.memory_space<vmem>>, vector<16xf32>,
      %slice3A_1140 = vector.extract_strided_slice %shift_left3A_546 {offsets = [10], sizes = [1], strides = [1]} : vector<16xi32> to vector<1xi32>
      %squeeze3A_1141 = vector.extract %slice3A_1140[0] : i32 from vector<1xi32>
      %multiple_of3A_1142 = tpu.assume_multiple %squeeze3A_1141, 128 : i32
      %slice3A_1143 = vector.extract_strided_slice %shift_left3A_552 {offsets = [10], sizes = [1], strides = [1]} : vector<16xi32> to vector<1xi32>
      %squeeze3A_1144 = vector.extract %slice3A_1143[0] : i32 from vector<1xi32>
      %multiple_of3A_1145 = tpu.assume_multiple %squeeze3A_1144, 128 : i32
      %dma_start3A_1146 = arith.constant 2 : i32
      %dma_start3A_1147 = arith.constant 0 : i32
      %dma_start3A_1148 = arith.constant 0 : i32
      %dma_start3A_1149 = tpu.memref_slice %arg9[%dma_start3A_1146, %dma_start3A_1147, %dma_start3A_1148] : memref<8x32x128xf32, #tpu.memory_space<vmem>> -> memref<1x32x128xf32, #tpu.memory_space<vmem>>
      %dma_start3A_1150 = tpu.memref_squeeze %dma_start3A_1149 : memref<1x32x128xf32, #tpu.memory_space<vmem>> -> memref<32x128xf32, #tpu.memory_space<vmem>>
      %dma_start3A_1151 = arith.constant 0 : i32
      %dma_start3A_1152 = tpu.memref_slice %arg4[%dma_start3A_1151, %multiple_of3A_1142] : memref<32x1000000xf32, #tpu.memory_space<hbm>> -> memref<32x128xf32, #tpu.memory_space<hbm>>
      %dma_start3A_1153 = arith.constant 0 : i32
      %dma_start3A_1154 = arith.constant 0 : i32
      %dma_start3A_1155 = tpu.memref_slice %arg9[%dma_start3A_1146, %dma_start3A_1153, %dma_start3A_1154] : memref<8x32x128xf32, #tpu.memory_space<vmem>> -> memref<1x32x128xf32, #tpu.memory_space<vmem>>
      %dma_start3A_1156 = tpu.memref_squeeze %dma_start3A_1155 : memref<1x32x128xf32, #tpu.memory_space<vmem>> -> memref<32x128xf32, #tpu.memory_space<vmem>>
      %dma_start3A_1157 = arith.constant 0 : i32
      %dma_start3A_1158 = tpu.memref_slice %arg4[%dma_start3A_1157, %multiple_of3A_1142] : memref<32x1000000xf32, #tpu.memory_space<hbm>> -> memref<32x128xf32, #tpu.memory_space<hbm>>
      tpu.enqueue_dma source(%dma_start3A_1158 : memref<32x128xf32, #tpu.memory_space<hbm>>) target(%dma_start3A_1156 : memref<32x128xf32, #tpu.memory_space<vmem>>) target_semaphore(%arg14 : memref<!tpu.dma_semaphore, #tpu.memory_space<semaphore_mem>>)
      %dma_start3A_1159 = arith.constant 2 : i32
      %dma_start3A_1160 = arith.constant 0 : i32
      %dma_start3A_1161 = arith.constant 0 : i32
      %dma_start3A_1162 = tpu.memref_slice %arg10[%dma_start3A_1159, %dma_start3A_1160, %dma_start3A_1161] : memref<8x32x128xf32, #tpu.memory_space<vmem>> -> memref<1x32x128xf32, #tpu.memory_space<vmem>>
      %dma_start3A_1163 = tpu.memref_squeeze %dma_start3A_1162 : memref<1x32x128xf32, #tpu.memory_space<vmem>> -> memref<32x128xf32, #tpu.memory_space<vmem>>
      %dma_start3A_1164 = arith.constant 0 : i32
      %dma_start3A_1165 = tpu.memref_slice %arg5[%dma_start3A_1164, %multiple_of3A_1145] : memref<32x1000000xf32, #tpu.memory_space<hbm>> -> memref<32x128xf32, #tpu.memory_space<hbm>>
      %dma_start3A_1166 = arith.constant 0 : i32
      %dma_start3A_1167 = arith.constant 0 : i32
      %dma_start3A_1168 = tpu.memref_slice %arg10[%dma_start3A_1159, %dma_start3A_1166, %dma_start3A_1167] : memref<8x32x128xf32, #tpu.memory_space<vmem>> -> memref<1x32x128xf32, #tpu.memory_space<vmem>>
      %dma_start3A_1169 = tpu.memref_squeeze %dma_start3A_1168 : memref<1x32x128xf32, #tpu.memory_space<vmem>> -> memref<32x128xf32, #tpu.memory_space<vmem>>
      %dma_start3A_1170 = arith.constant 0 : i32
      %dma_start3A_1171 = tpu.memref_slice %arg5[%dma_start3A_1170, %multiple_of3A_1145] : memref<32x1000000xf32, #tpu.memory_space<hbm>> -> memref<32x128xf32, #tpu.memory_space<hbm>>
      tpu.enqueue_dma source(%dma_start3A_1171 : memref<32x128xf32, #tpu.memory_space<hbm>>) target(%dma_start3A_1169 : memref<32x128xf32, #tpu.memory_space<vmem>>) target_semaphore(%arg22 : memref<!tpu.dma_semaphore, #tpu.memory_space<semaphore_mem>>)
      %mul3A_1172 = arith.constant 16 : i32
      %mul3A_1173 = arith.muli %scan3A_524, %mul3A_1172 : i32
      %add3A_1174 = arith.constant 11 : i32
      %add3A_1175 = arith.addi %mul3A_1173, %add3A_1174 : i32
      %sub3A_1176 = arith.constant 8 : i32
      %sub3A_1177 = arith.subi %add3A_1175, %sub3A_1176 : i32
      %dma_wait3A_1178 = arith.constant 3 : i32
      %dma_wait3A_1179 = arith.constant 0 : i32
      %dma_wait3A_1180 = arith.constant 0 : i32
      %dma_wait3A_1181 = tpu.memref_slice %arg9[%dma_wait3A_1178, %dma_wait3A_1179, %dma_wait3A_1180] : memref<8x32x128xf32, #tpu.memory_space<vmem>> -> memref<1x32x128xf32, #tpu.memory_space<vmem>>
      %dma_wait3A_1182 = tpu.memref_squeeze %dma_wait3A_1181 : memref<1x32x128xf32, #tpu.memory_space<vmem>> -> memref<32x128xf32, #tpu.memory_space<vmem>>
      %dma_wait3A_1183 = arith.constant 0 : i32
      %dma_wait3A_1184 = arith.constant 0 : i32
      %dma_wait3A_1185 = tpu.memref_slice %arg6[%dma_wait3A_1183, %dma_wait3A_1184] : memref<16384x32xf32, #tpu.memory_space<hbm>> -> memref<32x128xf32, #tpu.memory_space<hbm>>
      %dma_wait3A_1186 = arith.constant 0 : i32
      %dma_wait3A_1187 = arith.constant 0 : i32
      %dma_wait3A_1188 = tpu.memref_slice %arg9[%dma_wait3A_1178, %dma_wait3A_1186, %dma_wait3A_1187] : memref<8x32x128xf32, #tpu.memory_space<vmem>> -> memref<1x32x128xf32, #tpu.memory_space<vmem>>
      %dma_wait3A_1189 = tpu.memref_squeeze %dma_wait3A_1188 : memref<1x32x128xf32, #tpu.memory_space<vmem>> -> memref<32x128xf32, #tpu.memory_space<vmem>>
      %dma_wait3A_1190 = arith.constant 0 : i32
      %dma_wait3A_1191 = arith.constant 0 : i32
      %dma_wait3A_1192 = tpu.memref_slice %arg6[%dma_wait3A_1190, %dma_wait3A_1191] : memref<16384x32xf32, #tpu.memory_space<hbm>> -> memref<32x128xf32, #tpu.memory_space<hbm>>
      tpu.wait_dma2 semaphore(%arg15 : memref<!tpu.dma_semaphore, #tpu.memory_space<semaphore_mem>>) src(%dma_wait3A_1192 : memref<32x128xf32, #tpu.memory_space<hbm>>) dst(%dma_wait3A_1189 : memref<32x128xf32, #tpu.memory_space<vmem>>)
      %dma_wait3A_1193 = arith.constant 3 : i32
      %dma_wait3A_1194 = arith.constant 0 : i32
      %dma_wait3A_1195 = arith.constant 0 : i32
      %dma_wait3A_1196 = tpu.memref_slice %arg10[%dma_wait3A_1193, %dma_wait3A_1194, %dma_wait3A_1195] : memref<8x32x128xf32, #tpu.memory_space<vmem>> -> memref<1x32x128xf32, #tpu.memory_space<vmem>>
      %dma_wait3A_1197 = tpu.memref_squeeze %dma_wait3A_1196 : memref<1x32x128xf32, #tpu.memory_space<vmem>> -> memref<32x128xf32, #tpu.memory_space<vmem>>
      %dma_wait3A_1198 = arith.constant 0 : i32
      %dma_wait3A_1199 = arith.constant 0 : i32
      %dma_wait3A_1200 = tpu.memref_slice %arg6[%dma_wait3A_1198, %dma_wait3A_1199] : memref<16384x32xf32, #tpu.memory_space<hbm>> -> memref<32x128xf32, #tpu.memory_space<hbm>>
      %dma_wait3A_1201 = arith.constant 0 : i32
      %dma_wait3A_1202 = arith.constant 0 : i32
      %dma_wait3A_1203 = tpu.memref_slice %arg10[%dma_wait3A_1193, %dma_wait3A_1201, %dma_wait3A_1202] : memref<8x32x128xf32, #tpu.memory_space<vmem>> -> memref<1x32x128xf32, #tpu.memory_space<vmem>>
      %dma_wait3A_1204 = tpu.memref_squeeze %dma_wait3A_1203 : memref<1x32x128xf32, #tpu.memory_space<vmem>> -> memref<32x128xf32, #tpu.memory_space<vmem>>
      %dma_wait3A_1205 = arith.constant 0 : i32
      %dma_wait3A_1206 = arith.constant 0 : i32
      %dma_wait3A_1207 = tpu.memref_slice %arg6[%dma_wait3A_1205, %dma_wait3A_1206] : memref<16384x32xf32, #tpu.memory_space<hbm>> -> memref<32x128xf32, #tpu.memory_space<hbm>>
      tpu.wait_dma2 semaphore(%arg23 : memref<!tpu.dma_semaphore, #tpu.memory_space<semaphore_mem>>) src(%dma_wait3A_1207 : memref<32x128xf32, #tpu.memory_space<hbm>>) dst(%dma_wait3A_1204 : memref<32x128xf32, #tpu.memory_space<vmem>>)
      %broadcast_in_dim3A_1208 = arith.constant 3 : i32
      %broadcast_in_dim3A_1209 = vector.broadcast %broadcast_in_dim3A_1208 : i32 to vector<16xi32>
      %slice3A_1210 = vector.extract_strided_slice %and3A_555 {offsets = [3], sizes = [1], strides = [1]} : vector<16xi32> to vector<1xi32>
      %squeeze3A_1211 = vector.extract %slice3A_1210[0] : i32 from vector<1xi32>
      %broadcast_in_dim3A_1212 = vector.broadcast %squeeze3A_1211 : i32 to vector<16xi32>
      %slice3A_1213 = vector.extract_strided_slice %and3A_558 {offsets = [3], sizes = [1], strides = [1]} : vector<16xi32> to vector<1xi32>
      %squeeze3A_1214 = vector.extract %slice3A_1213[0] : i32 from vector<1xi32>
      %broadcast_in_dim3A_1215 = vector.broadcast %squeeze3A_1214 : i32 to vector<16xi32>
      %add3A_1216 = arith.constant 0 : i32
      %add3A_1217 = vector.broadcast %add3A_1216 : i32 to vector<16xi32>
      %add3A_1218 = arith.addi %iota3A, %add3A_1217 : vector<16xi32>
      %gather3A_1219 = tpu.vector_load_idx %arg9[%broadcast_in_dim3A_1209, %add3A_1218, %broadcast_in_dim3A_1212] : memref<8x32x128xf32, #tpu.memory_space<vmem>>[vector<16xi32>, vector<16xi32>, vector<16xi32>], vector<16xf32>,
      %add3A_1220 = arith.constant 0 : i32
      %add3A_1221 = vector.broadcast %add3A_1220 : i32 to vector<16xi32>
      %add3A_1222 = arith.addi %iota3A, %add3A_1221 : vector<16xi32>
      %gather3A_1223 = tpu.vector_load_idx %arg10[%broadcast_in_dim3A_1209, %add3A_1222, %broadcast_in_dim3A_1215] : memref<8x32x128xf32, #tpu.memory_space<vmem>>[vector<16xi32>, vector<16xi32>, vector<16xi32>], vector<16xf32>,
      %mul3A_1224 = arith.mulf %gather3A_1219, %gather3A_1223 : vector<16xf32>
      %and3A_1225 = arith.constant 255 : i32
      %and3A_1226 = arith.andi %sub3A_1177, %and3A_1225 : i32
      %swap3A_1227 = arith.index_cast %and3A_1226 : i32 to index
      %swap3A_1228 = arith.constant 0 : index
      %swap3A_1229 = tpu.vector_load %arg11[%swap3A_1227, %swap3A_1228] {strides = array<i32>} : memref<256x32xf32, #tpu.memory_space<vmem>>, vector<16xf32>,
      tpu.vector_store %arg11[%swap3A_1227, %swap3A_1228], %mul3A_1224 {strides = array<i32>} : memref<256x32xf32, #tpu.memory_space<vmem>>, vector<16xf32>,
      %add3A_1230 = arith.constant 16 : i32
      %add3A_1231 = vector.broadcast %add3A_1230 : i32 to vector<16xi32>
      %add3A_1232 = arith.addi %iota3A, %add3A_1231 : vector<16xi32>
      %gather3A_1233 = tpu.vector_load_idx %arg9[%broadcast_in_dim3A_1209, %add3A_1232, %broadcast_in_dim3A_1212] : memref<8x32x128xf32, #tpu.memory_space<vmem>>[vector<16xi32>, vector<16xi32>, vector<16xi32>], vector<16xf32>,
      %add3A_1234 = arith.constant 16 : i32
      %add3A_1235 = vector.broadcast %add3A_1234 : i32 to vector<16xi32>
      %add3A_1236 = arith.addi %iota3A, %add3A_1235 : vector<16xi32>
      %gather3A_1237 = tpu.vector_load_idx %arg10[%broadcast_in_dim3A_1209, %add3A_1236, %broadcast_in_dim3A_1215] : memref<8x32x128xf32, #tpu.memory_space<vmem>>[vector<16xi32>, vector<16xi32>, vector<16xi32>], vector<16xf32>,
      %mul3A_1238 = arith.mulf %gather3A_1233, %gather3A_1237 : vector<16xf32>
      %and3A_1239 = arith.constant 255 : i32
      %and3A_1240 = arith.andi %sub3A_1177, %and3A_1239 : i32
      %swap3A_1241 = arith.index_cast %and3A_1240 : i32 to index
      %swap3A_1242 = arith.constant 16 : index
      %swap3A_1243 = tpu.vector_load %arg11[%swap3A_1241, %swap3A_1242] {strides = array<i32>} : memref<256x32xf32, #tpu.memory_space<vmem>>, vector<16xf32>,
      tpu.vector_store %arg11[%swap3A_1241, %swap3A_1242], %mul3A_1238 {strides = array<i32>} : memref<256x32xf32, #tpu.memory_space<vmem>>, vector<16xf32>,
      %slice3A_1244 = vector.extract_strided_slice %shift_left3A_546 {offsets = [11], sizes = [1], strides = [1]} : vector<16xi32> to vector<1xi32>
      %squeeze3A_1245 = vector.extract %slice3A_1244[0] : i32 from vector<1xi32>
      %multiple_of3A_1246 = tpu.assume_multiple %squeeze3A_1245, 128 : i32
      %slice3A_1247 = vector.extract_strided_slice %shift_left3A_552 {offsets = [11], sizes = [1], strides = [1]} : vector<16xi32> to vector<1xi32>
      %squeeze3A_1248 = vector.extract %slice3A_1247[0] : i32 from vector<1xi32>
      %multiple_of3A_1249 = tpu.assume_multiple %squeeze3A_1248, 128 : i32
      %dma_start3A_1250 = arith.constant 3 : i32
      %dma_start3A_1251 = arith.constant 0 : i32
      %dma_start3A_1252 = arith.constant 0 : i32
      %dma_start3A_1253 = tpu.memref_slice %arg9[%dma_start3A_1250, %dma_start3A_1251, %dma_start3A_1252] : memref<8x32x128xf32, #tpu.memory_space<vmem>> -> memref<1x32x128xf32, #tpu.memory_space<vmem>>
      %dma_start3A_1254 = tpu.memref_squeeze %dma_start3A_1253 : memref<1x32x128xf32, #tpu.memory_space<vmem>> -> memref<32x128xf32, #tpu.memory_space<vmem>>
      %dma_start3A_1255 = arith.constant 0 : i32
      %dma_start3A_1256 = tpu.memref_slice %arg4[%dma_start3A_1255, %multiple_of3A_1246] : memref<32x1000000xf32, #tpu.memory_space<hbm>> -> memref<32x128xf32, #tpu.memory_space<hbm>>
      %dma_start3A_1257 = arith.constant 0 : i32
      %dma_start3A_1258 = arith.constant 0 : i32
      %dma_start3A_1259 = tpu.memref_slice %arg9[%dma_start3A_1250, %dma_start3A_1257, %dma_start3A_1258] : memref<8x32x128xf32, #tpu.memory_space<vmem>> -> memref<1x32x128xf32, #tpu.memory_space<vmem>>
      %dma_start3A_1260 = tpu.memref_squeeze %dma_start3A_1259 : memref<1x32x128xf32, #tpu.memory_space<vmem>> -> memref<32x128xf32, #tpu.memory_space<vmem>>
      %dma_start3A_1261 = arith.constant 0 : i32
      %dma_start3A_1262 = tpu.memref_slice %arg4[%dma_start3A_1261, %multiple_of3A_1246] : memref<32x1000000xf32, #tpu.memory_space<hbm>> -> memref<32x128xf32, #tpu.memory_space<hbm>>
      tpu.enqueue_dma source(%dma_start3A_1262 : memref<32x128xf32, #tpu.memory_space<hbm>>) target(%dma_start3A_1260 : memref<32x128xf32, #tpu.memory_space<vmem>>) target_semaphore(%arg15 : memref<!tpu.dma_semaphore, #tpu.memory_space<semaphore_mem>>)
      %dma_start3A_1263 = arith.constant 3 : i32
      %dma_start3A_1264 = arith.constant 0 : i32
      %dma_start3A_1265 = arith.constant 0 : i32
      %dma_start3A_1266 = tpu.memref_slice %arg10[%dma_start3A_1263, %dma_start3A_1264, %dma_start3A_1265] : memref<8x32x128xf32, #tpu.memory_space<vmem>> -> memref<1x32x128xf32, #tpu.memory_space<vmem>>
      %dma_start3A_1267 = tpu.memref_squeeze %dma_start3A_1266 : memref<1x32x128xf32, #tpu.memory_space<vmem>> -> memref<32x128xf32, #tpu.memory_space<vmem>>
      %dma_start3A_1268 = arith.constant 0 : i32
      %dma_start3A_1269 = tpu.memref_slice %arg5[%dma_start3A_1268, %multiple_of3A_1249] : memref<32x1000000xf32, #tpu.memory_space<hbm>> -> memref<32x128xf32, #tpu.memory_space<hbm>>
      %dma_start3A_1270 = arith.constant 0 : i32
      %dma_start3A_1271 = arith.constant 0 : i32
      %dma_start3A_1272 = tpu.memref_slice %arg10[%dma_start3A_1263, %dma_start3A_1270, %dma_start3A_1271] : memref<8x32x128xf32, #tpu.memory_space<vmem>> -> memref<1x32x128xf32, #tpu.memory_space<vmem>>
      %dma_start3A_1273 = tpu.memref_squeeze %dma_start3A_1272 : memref<1x32x128xf32, #tpu.memory_space<vmem>> -> memref<32x128xf32, #tpu.memory_space<vmem>>
      %dma_start3A_1274 = arith.constant 0 : i32
      %dma_start3A_1275 = tpu.memref_slice %arg5[%dma_start3A_1274, %multiple_of3A_1249] : memref<32x1000000xf32, #tpu.memory_space<hbm>> -> memref<32x128xf32, #tpu.memory_space<hbm>>
      tpu.enqueue_dma source(%dma_start3A_1275 : memref<32x128xf32, #tpu.memory_space<hbm>>) target(%dma_start3A_1273 : memref<32x128xf32, #tpu.memory_space<vmem>>) target_semaphore(%arg23 : memref<!tpu.dma_semaphore, #tpu.memory_space<semaphore_mem>>)
      %mul3A_1276 = arith.constant 16 : i32
      %mul3A_1277 = arith.muli %scan3A_524, %mul3A_1276 : i32
      %add3A_1278 = arith.constant 12 : i32
      %add3A_1279 = arith.addi %mul3A_1277, %add3A_1278 : i32
      %sub3A_1280 = arith.constant 8 : i32
      %sub3A_1281 = arith.subi %add3A_1279, %sub3A_1280 : i32
      %dma_wait3A_1282 = arith.constant 4 : i32
      %dma_wait3A_1283 = arith.constant 0 : i32
      %dma_wait3A_1284 = arith.constant 0 : i32
      %dma_wait3A_1285 = tpu.memref_slice %arg9[%dma_wait3A_1282, %dma_wait3A_1283, %dma_wait3A_1284] : memref<8x32x128xf32, #tpu.memory_space<vmem>> -> memref<1x32x128xf32, #tpu.memory_space<vmem>>
      %dma_wait3A_1286 = tpu.memref_squeeze %dma_wait3A_1285 : memref<1x32x128xf32, #tpu.memory_space<vmem>> -> memref<32x128xf32, #tpu.memory_space<vmem>>
      %dma_wait3A_1287 = arith.constant 0 : i32
      %dma_wait3A_1288 = arith.constant 0 : i32
      %dma_wait3A_1289 = tpu.memref_slice %arg6[%dma_wait3A_1287, %dma_wait3A_1288] : memref<16384x32xf32, #tpu.memory_space<hbm>> -> memref<32x128xf32, #tpu.memory_space<hbm>>
      %dma_wait3A_1290 = arith.constant 0 : i32
      %dma_wait3A_1291 = arith.constant 0 : i32
      %dma_wait3A_1292 = tpu.memref_slice %arg9[%dma_wait3A_1282, %dma_wait3A_1290, %dma_wait3A_1291] : memref<8x32x128xf32, #tpu.memory_space<vmem>> -> memref<1x32x128xf32, #tpu.memory_space<vmem>>
      %dma_wait3A_1293 = tpu.memref_squeeze %dma_wait3A_1292 : memref<1x32x128xf32, #tpu.memory_space<vmem>> -> memref<32x128xf32, #tpu.memory_space<vmem>>
      %dma_wait3A_1294 = arith.constant 0 : i32
      %dma_wait3A_1295 = arith.constant 0 : i32
      %dma_wait3A_1296 = tpu.memref_slice %arg6[%dma_wait3A_1294, %dma_wait3A_1295] : memref<16384x32xf32, #tpu.memory_space<hbm>> -> memref<32x128xf32, #tpu.memory_space<hbm>>
      tpu.wait_dma2 semaphore(%arg16 : memref<!tpu.dma_semaphore, #tpu.memory_space<semaphore_mem>>) src(%dma_wait3A_1296 : memref<32x128xf32, #tpu.memory_space<hbm>>) dst(%dma_wait3A_1293 : memref<32x128xf32, #tpu.memory_space<vmem>>)
      %dma_wait3A_1297 = arith.constant 4 : i32
      %dma_wait3A_1298 = arith.constant 0 : i32
      %dma_wait3A_1299 = arith.constant 0 : i32
      %dma_wait3A_1300 = tpu.memref_slice %arg10[%dma_wait3A_1297, %dma_wait3A_1298, %dma_wait3A_1299] : memref<8x32x128xf32, #tpu.memory_space<vmem>> -> memref<1x32x128xf32, #tpu.memory_space<vmem>>
      %dma_wait3A_1301 = tpu.memref_squeeze %dma_wait3A_1300 : memref<1x32x128xf32, #tpu.memory_space<vmem>> -> memref<32x128xf32, #tpu.memory_space<vmem>>
      %dma_wait3A_1302 = arith.constant 0 : i32
      %dma_wait3A_1303 = arith.constant 0 : i32
      %dma_wait3A_1304 = tpu.memref_slice %arg6[%dma_wait3A_1302, %dma_wait3A_1303] : memref<16384x32xf32, #tpu.memory_space<hbm>> -> memref<32x128xf32, #tpu.memory_space<hbm>>
      %dma_wait3A_1305 = arith.constant 0 : i32
      %dma_wait3A_1306 = arith.constant 0 : i32
      %dma_wait3A_1307 = tpu.memref_slice %arg10[%dma_wait3A_1297, %dma_wait3A_1305, %dma_wait3A_1306] : memref<8x32x128xf32, #tpu.memory_space<vmem>> -> memref<1x32x128xf32, #tpu.memory_space<vmem>>
      %dma_wait3A_1308 = tpu.memref_squeeze %dma_wait3A_1307 : memref<1x32x128xf32, #tpu.memory_space<vmem>> -> memref<32x128xf32, #tpu.memory_space<vmem>>
      %dma_wait3A_1309 = arith.constant 0 : i32
      %dma_wait3A_1310 = arith.constant 0 : i32
      %dma_wait3A_1311 = tpu.memref_slice %arg6[%dma_wait3A_1309, %dma_wait3A_1310] : memref<16384x32xf32, #tpu.memory_space<hbm>> -> memref<32x128xf32, #tpu.memory_space<hbm>>
      tpu.wait_dma2 semaphore(%arg24 : memref<!tpu.dma_semaphore, #tpu.memory_space<semaphore_mem>>) src(%dma_wait3A_1311 : memref<32x128xf32, #tpu.memory_space<hbm>>) dst(%dma_wait3A_1308 : memref<32x128xf32, #tpu.memory_space<vmem>>)
      %broadcast_in_dim3A_1312 = arith.constant 4 : i32
      %broadcast_in_dim3A_1313 = vector.broadcast %broadcast_in_dim3A_1312 : i32 to vector<16xi32>
      %slice3A_1314 = vector.extract_strided_slice %and3A_555 {offsets = [4], sizes = [1], strides = [1]} : vector<16xi32> to vector<1xi32>
      %squeeze3A_1315 = vector.extract %slice3A_1314[0] : i32 from vector<1xi32>
      %broadcast_in_dim3A_1316 = vector.broadcast %squeeze3A_1315 : i32 to vector<16xi32>
      %slice3A_1317 = vector.extract_strided_slice %and3A_558 {offsets = [4], sizes = [1], strides = [1]} : vector<16xi32> to vector<1xi32>
      %squeeze3A_1318 = vector.extract %slice3A_1317[0] : i32 from vector<1xi32>
      %broadcast_in_dim3A_1319 = vector.broadcast %squeeze3A_1318 : i32 to vector<16xi32>
      %add3A_1320 = arith.constant 0 : i32
      %add3A_1321 = vector.broadcast %add3A_1320 : i32 to vector<16xi32>
      %add3A_1322 = arith.addi %iota3A, %add3A_1321 : vector<16xi32>
      %gather3A_1323 = tpu.vector_load_idx %arg9[%broadcast_in_dim3A_1313, %add3A_1322, %broadcast_in_dim3A_1316] : memref<8x32x128xf32, #tpu.memory_space<vmem>>[vector<16xi32>, vector<16xi32>, vector<16xi32>], vector<16xf32>,
      %add3A_1324 = arith.constant 0 : i32
      %add3A_1325 = vector.broadcast %add3A_1324 : i32 to vector<16xi32>
      %add3A_1326 = arith.addi %iota3A, %add3A_1325 : vector<16xi32>
      %gather3A_1327 = tpu.vector_load_idx %arg10[%broadcast_in_dim3A_1313, %add3A_1326, %broadcast_in_dim3A_1319] : memref<8x32x128xf32, #tpu.memory_space<vmem>>[vector<16xi32>, vector<16xi32>, vector<16xi32>], vector<16xf32>,
      %mul3A_1328 = arith.mulf %gather3A_1323, %gather3A_1327 : vector<16xf32>
      %and3A_1329 = arith.constant 255 : i32
      %and3A_1330 = arith.andi %sub3A_1281, %and3A_1329 : i32
      %swap3A_1331 = arith.index_cast %and3A_1330 : i32 to index
      %swap3A_1332 = arith.constant 0 : index
      %swap3A_1333 = tpu.vector_load %arg11[%swap3A_1331, %swap3A_1332] {strides = array<i32>} : memref<256x32xf32, #tpu.memory_space<vmem>>, vector<16xf32>,
      tpu.vector_store %arg11[%swap3A_1331, %swap3A_1332], %mul3A_1328 {strides = array<i32>} : memref<256x32xf32, #tpu.memory_space<vmem>>, vector<16xf32>,
      %add3A_1334 = arith.constant 16 : i32
      %add3A_1335 = vector.broadcast %add3A_1334 : i32 to vector<16xi32>
      %add3A_1336 = arith.addi %iota3A, %add3A_1335 : vector<16xi32>
      %gather3A_1337 = tpu.vector_load_idx %arg9[%broadcast_in_dim3A_1313, %add3A_1336, %broadcast_in_dim3A_1316] : memref<8x32x128xf32, #tpu.memory_space<vmem>>[vector<16xi32>, vector<16xi32>, vector<16xi32>], vector<16xf32>,
      %add3A_1338 = arith.constant 16 : i32
      %add3A_1339 = vector.broadcast %add3A_1338 : i32 to vector<16xi32>
      %add3A_1340 = arith.addi %iota3A, %add3A_1339 : vector<16xi32>
      %gather3A_1341 = tpu.vector_load_idx %arg10[%broadcast_in_dim3A_1313, %add3A_1340, %broadcast_in_dim3A_1319] : memref<8x32x128xf32, #tpu.memory_space<vmem>>[vector<16xi32>, vector<16xi32>, vector<16xi32>], vector<16xf32>,
      %mul3A_1342 = arith.mulf %gather3A_1337, %gather3A_1341 : vector<16xf32>
      %and3A_1343 = arith.constant 255 : i32
      %and3A_1344 = arith.andi %sub3A_1281, %and3A_1343 : i32
      %swap3A_1345 = arith.index_cast %and3A_1344 : i32 to index
      %swap3A_1346 = arith.constant 16 : index
      %swap3A_1347 = tpu.vector_load %arg11[%swap3A_1345, %swap3A_1346] {strides = array<i32>} : memref<256x32xf32, #tpu.memory_space<vmem>>, vector<16xf32>,
      tpu.vector_store %arg11[%swap3A_1345, %swap3A_1346], %mul3A_1342 {strides = array<i32>} : memref<256x32xf32, #tpu.memory_space<vmem>>, vector<16xf32>,
      %slice3A_1348 = vector.extract_strided_slice %shift_left3A_546 {offsets = [12], sizes = [1], strides = [1]} : vector<16xi32> to vector<1xi32>
      %squeeze3A_1349 = vector.extract %slice3A_1348[0] : i32 from vector<1xi32>
      %multiple_of3A_1350 = tpu.assume_multiple %squeeze3A_1349, 128 : i32
      %slice3A_1351 = vector.extract_strided_slice %shift_left3A_552 {offsets = [12], sizes = [1], strides = [1]} : vector<16xi32> to vector<1xi32>
      %squeeze3A_1352 = vector.extract %slice3A_1351[0] : i32 from vector<1xi32>
      %multiple_of3A_1353 = tpu.assume_multiple %squeeze3A_1352, 128 : i32
      %dma_start3A_1354 = arith.constant 4 : i32
      %dma_start3A_1355 = arith.constant 0 : i32
      %dma_start3A_1356 = arith.constant 0 : i32
      %dma_start3A_1357 = tpu.memref_slice %arg9[%dma_start3A_1354, %dma_start3A_1355, %dma_start3A_1356] : memref<8x32x128xf32, #tpu.memory_space<vmem>> -> memref<1x32x128xf32, #tpu.memory_space<vmem>>
      %dma_start3A_1358 = tpu.memref_squeeze %dma_start3A_1357 : memref<1x32x128xf32, #tpu.memory_space<vmem>> -> memref<32x128xf32, #tpu.memory_space<vmem>>
      %dma_start3A_1359 = arith.constant 0 : i32
      %dma_start3A_1360 = tpu.memref_slice %arg4[%dma_start3A_1359, %multiple_of3A_1350] : memref<32x1000000xf32, #tpu.memory_space<hbm>> -> memref<32x128xf32, #tpu.memory_space<hbm>>
      %dma_start3A_1361 = arith.constant 0 : i32
      %dma_start3A_1362 = arith.constant 0 : i32
      %dma_start3A_1363 = tpu.memref_slice %arg9[%dma_start3A_1354, %dma_start3A_1361, %dma_start3A_1362] : memref<8x32x128xf32, #tpu.memory_space<vmem>> -> memref<1x32x128xf32, #tpu.memory_space<vmem>>
      %dma_start3A_1364 = tpu.memref_squeeze %dma_start3A_1363 : memref<1x32x128xf32, #tpu.memory_space<vmem>> -> memref<32x128xf32, #tpu.memory_space<vmem>>
      %dma_start3A_1365 = arith.constant 0 : i32
      %dma_start3A_1366 = tpu.memref_slice %arg4[%dma_start3A_1365, %multiple_of3A_1350] : memref<32x1000000xf32, #tpu.memory_space<hbm>> -> memref<32x128xf32, #tpu.memory_space<hbm>>
      tpu.enqueue_dma source(%dma_start3A_1366 : memref<32x128xf32, #tpu.memory_space<hbm>>) target(%dma_start3A_1364 : memref<32x128xf32, #tpu.memory_space<vmem>>) target_semaphore(%arg16 : memref<!tpu.dma_semaphore, #tpu.memory_space<semaphore_mem>>)
      %dma_start3A_1367 = arith.constant 4 : i32
      %dma_start3A_1368 = arith.constant 0 : i32
      %dma_start3A_1369 = arith.constant 0 : i32
      %dma_start3A_1370 = tpu.memref_slice %arg10[%dma_start3A_1367, %dma_start3A_1368, %dma_start3A_1369] : memref<8x32x128xf32, #tpu.memory_space<vmem>> -> memref<1x32x128xf32, #tpu.memory_space<vmem>>
      %dma_start3A_1371 = tpu.memref_squeeze %dma_start3A_1370 : memref<1x32x128xf32, #tpu.memory_space<vmem>> -> memref<32x128xf32, #tpu.memory_space<vmem>>
      %dma_start3A_1372 = arith.constant 0 : i32
      %dma_start3A_1373 = tpu.memref_slice %arg5[%dma_start3A_1372, %multiple_of3A_1353] : memref<32x1000000xf32, #tpu.memory_space<hbm>> -> memref<32x128xf32, #tpu.memory_space<hbm>>
      %dma_start3A_1374 = arith.constant 0 : i32
      %dma_start3A_1375 = arith.constant 0 : i32
      %dma_start3A_1376 = tpu.memref_slice %arg10[%dma_start3A_1367, %dma_start3A_1374, %dma_start3A_1375] : memref<8x32x128xf32, #tpu.memory_space<vmem>> -> memref<1x32x128xf32, #tpu.memory_space<vmem>>
      %dma_start3A_1377 = tpu.memref_squeeze %dma_start3A_1376 : memref<1x32x128xf32, #tpu.memory_space<vmem>> -> memref<32x128xf32, #tpu.memory_space<vmem>>
      %dma_start3A_1378 = arith.constant 0 : i32
      %dma_start3A_1379 = tpu.memref_slice %arg5[%dma_start3A_1378, %multiple_of3A_1353] : memref<32x1000000xf32, #tpu.memory_space<hbm>> -> memref<32x128xf32, #tpu.memory_space<hbm>>
      tpu.enqueue_dma source(%dma_start3A_1379 : memref<32x128xf32, #tpu.memory_space<hbm>>) target(%dma_start3A_1377 : memref<32x128xf32, #tpu.memory_space<vmem>>) target_semaphore(%arg24 : memref<!tpu.dma_semaphore, #tpu.memory_space<semaphore_mem>>)
      %mul3A_1380 = arith.constant 16 : i32
      %mul3A_1381 = arith.muli %scan3A_524, %mul3A_1380 : i32
      %add3A_1382 = arith.constant 13 : i32
      %add3A_1383 = arith.addi %mul3A_1381, %add3A_1382 : i32
      %sub3A_1384 = arith.constant 8 : i32
      %sub3A_1385 = arith.subi %add3A_1383, %sub3A_1384 : i32
      %dma_wait3A_1386 = arith.constant 5 : i32
      %dma_wait3A_1387 = arith.constant 0 : i32
      %dma_wait3A_1388 = arith.constant 0 : i32
      %dma_wait3A_1389 = tpu.memref_slice %arg9[%dma_wait3A_1386, %dma_wait3A_1387, %dma_wait3A_1388] : memref<8x32x128xf32, #tpu.memory_space<vmem>> -> memref<1x32x128xf32, #tpu.memory_space<vmem>>
      %dma_wait3A_1390 = tpu.memref_squeeze %dma_wait3A_1389 : memref<1x32x128xf32, #tpu.memory_space<vmem>> -> memref<32x128xf32, #tpu.memory_space<vmem>>
      %dma_wait3A_1391 = arith.constant 0 : i32
      %dma_wait3A_1392 = arith.constant 0 : i32
      %dma_wait3A_1393 = tpu.memref_slice %arg6[%dma_wait3A_1391, %dma_wait3A_1392] : memref<16384x32xf32, #tpu.memory_space<hbm>> -> memref<32x128xf32, #tpu.memory_space<hbm>>
      %dma_wait3A_1394 = arith.constant 0 : i32
      %dma_wait3A_1395 = arith.constant 0 : i32
      %dma_wait3A_1396 = tpu.memref_slice %arg9[%dma_wait3A_1386, %dma_wait3A_1394, %dma_wait3A_1395] : memref<8x32x128xf32, #tpu.memory_space<vmem>> -> memref<1x32x128xf32, #tpu.memory_space<vmem>>
      %dma_wait3A_1397 = tpu.memref_squeeze %dma_wait3A_1396 : memref<1x32x128xf32, #tpu.memory_space<vmem>> -> memref<32x128xf32, #tpu.memory_space<vmem>>
      %dma_wait3A_1398 = arith.constant 0 : i32
      %dma_wait3A_1399 = arith.constant 0 : i32
      %dma_wait3A_1400 = tpu.memref_slice %arg6[%dma_wait3A_1398, %dma_wait3A_1399] : memref<16384x32xf32, #tpu.memory_space<hbm>> -> memref<32x128xf32, #tpu.memory_space<hbm>>
      tpu.wait_dma2 semaphore(%arg17 : memref<!tpu.dma_semaphore, #tpu.memory_space<semaphore_mem>>) src(%dma_wait3A_1400 : memref<32x128xf32, #tpu.memory_space<hbm>>) dst(%dma_wait3A_1397 : memref<32x128xf32, #tpu.memory_space<vmem>>)
      %dma_wait3A_1401 = arith.constant 5 : i32
      %dma_wait3A_1402 = arith.constant 0 : i32
      %dma_wait3A_1403 = arith.constant 0 : i32
      %dma_wait3A_1404 = tpu.memref_slice %arg10[%dma_wait3A_1401, %dma_wait3A_1402, %dma_wait3A_1403] : memref<8x32x128xf32, #tpu.memory_space<vmem>> -> memref<1x32x128xf32, #tpu.memory_space<vmem>>
      %dma_wait3A_1405 = tpu.memref_squeeze %dma_wait3A_1404 : memref<1x32x128xf32, #tpu.memory_space<vmem>> -> memref<32x128xf32, #tpu.memory_space<vmem>>
      %dma_wait3A_1406 = arith.constant 0 : i32
      %dma_wait3A_1407 = arith.constant 0 : i32
      %dma_wait3A_1408 = tpu.memref_slice %arg6[%dma_wait3A_1406, %dma_wait3A_1407] : memref<16384x32xf32, #tpu.memory_space<hbm>> -> memref<32x128xf32, #tpu.memory_space<hbm>>
      %dma_wait3A_1409 = arith.constant 0 : i32
      %dma_wait3A_1410 = arith.constant 0 : i32
      %dma_wait3A_1411 = tpu.memref_slice %arg10[%dma_wait3A_1401, %dma_wait3A_1409, %dma_wait3A_1410] : memref<8x32x128xf32, #tpu.memory_space<vmem>> -> memref<1x32x128xf32, #tpu.memory_space<vmem>>
      %dma_wait3A_1412 = tpu.memref_squeeze %dma_wait3A_1411 : memref<1x32x128xf32, #tpu.memory_space<vmem>> -> memref<32x128xf32, #tpu.memory_space<vmem>>
      %dma_wait3A_1413 = arith.constant 0 : i32
      %dma_wait3A_1414 = arith.constant 0 : i32
      %dma_wait3A_1415 = tpu.memref_slice %arg6[%dma_wait3A_1413, %dma_wait3A_1414] : memref<16384x32xf32, #tpu.memory_space<hbm>> -> memref<32x128xf32, #tpu.memory_space<hbm>>
      tpu.wait_dma2 semaphore(%arg25 : memref<!tpu.dma_semaphore, #tpu.memory_space<semaphore_mem>>) src(%dma_wait3A_1415 : memref<32x128xf32, #tpu.memory_space<hbm>>) dst(%dma_wait3A_1412 : memref<32x128xf32, #tpu.memory_space<vmem>>)
      %broadcast_in_dim3A_1416 = arith.constant 5 : i32
      %broadcast_in_dim3A_1417 = vector.broadcast %broadcast_in_dim3A_1416 : i32 to vector<16xi32>
      %slice3A_1418 = vector.extract_strided_slice %and3A_555 {offsets = [5], sizes = [1], strides = [1]} : vector<16xi32> to vector<1xi32>
      %squeeze3A_1419 = vector.extract %slice3A_1418[0] : i32 from vector<1xi32>
      %broadcast_in_dim3A_1420 = vector.broadcast %squeeze3A_1419 : i32 to vector<16xi32>
      %slice3A_1421 = vector.extract_strided_slice %and3A_558 {offsets = [5], sizes = [1], strides = [1]} : vector<16xi32> to vector<1xi32>
      %squeeze3A_1422 = vector.extract %slice3A_1421[0] : i32 from vector<1xi32>
      %broadcast_in_dim3A_1423 = vector.broadcast %squeeze3A_1422 : i32 to vector<16xi32>
      %add3A_1424 = arith.constant 0 : i32
      %add3A_1425 = vector.broadcast %add3A_1424 : i32 to vector<16xi32>
      %add3A_1426 = arith.addi %iota3A, %add3A_1425 : vector<16xi32>
      %gather3A_1427 = tpu.vector_load_idx %arg9[%broadcast_in_dim3A_1417, %add3A_1426, %broadcast_in_dim3A_1420] : memref<8x32x128xf32, #tpu.memory_space<vmem>>[vector<16xi32>, vector<16xi32>, vector<16xi32>], vector<16xf32>,
      %add3A_1428 = arith.constant 0 : i32
      %add3A_1429 = vector.broadcast %add3A_1428 : i32 to vector<16xi32>
      %add3A_1430 = arith.addi %iota3A, %add3A_1429 : vector<16xi32>
      %gather3A_1431 = tpu.vector_load_idx %arg10[%broadcast_in_dim3A_1417, %add3A_1430, %broadcast_in_dim3A_1423] : memref<8x32x128xf32, #tpu.memory_space<vmem>>[vector<16xi32>, vector<16xi32>, vector<16xi32>], vector<16xf32>,
      %mul3A_1432 = arith.mulf %gather3A_1427, %gather3A_1431 : vector<16xf32>
      %and3A_1433 = arith.constant 255 : i32
      %and3A_1434 = arith.andi %sub3A_1385, %and3A_1433 : i32
      %swap3A_1435 = arith.index_cast %and3A_1434 : i32 to index
      %swap3A_1436 = arith.constant 0 : index
      %swap3A_1437 = tpu.vector_load %arg11[%swap3A_1435, %swap3A_1436] {strides = array<i32>} : memref<256x32xf32, #tpu.memory_space<vmem>>, vector<16xf32>,
      tpu.vector_store %arg11[%swap3A_1435, %swap3A_1436], %mul3A_1432 {strides = array<i32>} : memref<256x32xf32, #tpu.memory_space<vmem>>, vector<16xf32>,
      %add3A_1438 = arith.constant 16 : i32
      %add3A_1439 = vector.broadcast %add3A_1438 : i32 to vector<16xi32>
      %add3A_1440 = arith.addi %iota3A, %add3A_1439 : vector<16xi32>
      %gather3A_1441 = tpu.vector_load_idx %arg9[%broadcast_in_dim3A_1417, %add3A_1440, %broadcast_in_dim3A_1420] : memref<8x32x128xf32, #tpu.memory_space<vmem>>[vector<16xi32>, vector<16xi32>, vector<16xi32>], vector<16xf32>,
      %add3A_1442 = arith.constant 16 : i32
      %add3A_1443 = vector.broadcast %add3A_1442 : i32 to vector<16xi32>
      %add3A_1444 = arith.addi %iota3A, %add3A_1443 : vector<16xi32>
      %gather3A_1445 = tpu.vector_load_idx %arg10[%broadcast_in_dim3A_1417, %add3A_1444, %broadcast_in_dim3A_1423] : memref<8x32x128xf32, #tpu.memory_space<vmem>>[vector<16xi32>, vector<16xi32>, vector<16xi32>], vector<16xf32>,
      %mul3A_1446 = arith.mulf %gather3A_1441, %gather3A_1445 : vector<16xf32>
      %and3A_1447 = arith.constant 255 : i32
      %and3A_1448 = arith.andi %sub3A_1385, %and3A_1447 : i32
      %swap3A_1449 = arith.index_cast %and3A_1448 : i32 to index
      %swap3A_1450 = arith.constant 16 : index
      %swap3A_1451 = tpu.vector_load %arg11[%swap3A_1449, %swap3A_1450] {strides = array<i32>} : memref<256x32xf32, #tpu.memory_space<vmem>>, vector<16xf32>,
      tpu.vector_store %arg11[%swap3A_1449, %swap3A_1450], %mul3A_1446 {strides = array<i32>} : memref<256x32xf32, #tpu.memory_space<vmem>>, vector<16xf32>,
      %slice3A_1452 = vector.extract_strided_slice %shift_left3A_546 {offsets = [13], sizes = [1], strides = [1]} : vector<16xi32> to vector<1xi32>
      %squeeze3A_1453 = vector.extract %slice3A_1452[0] : i32 from vector<1xi32>
      %multiple_of3A_1454 = tpu.assume_multiple %squeeze3A_1453, 128 : i32
      %slice3A_1455 = vector.extract_strided_slice %shift_left3A_552 {offsets = [13], sizes = [1], strides = [1]} : vector<16xi32> to vector<1xi32>
      %squeeze3A_1456 = vector.extract %slice3A_1455[0] : i32 from vector<1xi32>
      %multiple_of3A_1457 = tpu.assume_multiple %squeeze3A_1456, 128 : i32
      %dma_start3A_1458 = arith.constant 5 : i32
      %dma_start3A_1459 = arith.constant 0 : i32
      %dma_start3A_1460 = arith.constant 0 : i32
      %dma_start3A_1461 = tpu.memref_slice %arg9[%dma_start3A_1458, %dma_start3A_1459, %dma_start3A_1460] : memref<8x32x128xf32, #tpu.memory_space<vmem>> -> memref<1x32x128xf32, #tpu.memory_space<vmem>>
      %dma_start3A_1462 = tpu.memref_squeeze %dma_start3A_1461 : memref<1x32x128xf32, #tpu.memory_space<vmem>> -> memref<32x128xf32, #tpu.memory_space<vmem>>
      %dma_start3A_1463 = arith.constant 0 : i32
      %dma_start3A_1464 = tpu.memref_slice %arg4[%dma_start3A_1463, %multiple_of3A_1454] : memref<32x1000000xf32, #tpu.memory_space<hbm>> -> memref<32x128xf32, #tpu.memory_space<hbm>>
      %dma_start3A_1465 = arith.constant 0 : i32
      %dma_start3A_1466 = arith.constant 0 : i32
      %dma_start3A_1467 = tpu.memref_slice %arg9[%dma_start3A_1458, %dma_start3A_1465, %dma_start3A_1466] : memref<8x32x128xf32, #tpu.memory_space<vmem>> -> memref<1x32x128xf32, #tpu.memory_space<vmem>>
      %dma_start3A_1468 = tpu.memref_squeeze %dma_start3A_1467 : memref<1x32x128xf32, #tpu.memory_space<vmem>> -> memref<32x128xf32, #tpu.memory_space<vmem>>
      %dma_start3A_1469 = arith.constant 0 : i32
      %dma_start3A_1470 = tpu.memref_slice %arg4[%dma_start3A_1469, %multiple_of3A_1454] : memref<32x1000000xf32, #tpu.memory_space<hbm>> -> memref<32x128xf32, #tpu.memory_space<hbm>>
      tpu.enqueue_dma source(%dma_start3A_1470 : memref<32x128xf32, #tpu.memory_space<hbm>>) target(%dma_start3A_1468 : memref<32x128xf32, #tpu.memory_space<vmem>>) target_semaphore(%arg17 : memref<!tpu.dma_semaphore, #tpu.memory_space<semaphore_mem>>)
      %dma_start3A_1471 = arith.constant 5 : i32
      %dma_start3A_1472 = arith.constant 0 : i32
      %dma_start3A_1473 = arith.constant 0 : i32
      %dma_start3A_1474 = tpu.memref_slice %arg10[%dma_start3A_1471, %dma_start3A_1472, %dma_start3A_1473] : memref<8x32x128xf32, #tpu.memory_space<vmem>> -> memref<1x32x128xf32, #tpu.memory_space<vmem>>
      %dma_start3A_1475 = tpu.memref_squeeze %dma_start3A_1474 : memref<1x32x128xf32, #tpu.memory_space<vmem>> -> memref<32x128xf32, #tpu.memory_space<vmem>>
      %dma_start3A_1476 = arith.constant 0 : i32
      %dma_start3A_1477 = tpu.memref_slice %arg5[%dma_start3A_1476, %multiple_of3A_1457] : memref<32x1000000xf32, #tpu.memory_space<hbm>> -> memref<32x128xf32, #tpu.memory_space<hbm>>
      %dma_start3A_1478 = arith.constant 0 : i32
      %dma_start3A_1479 = arith.constant 0 : i32
      %dma_start3A_1480 = tpu.memref_slice %arg10[%dma_start3A_1471, %dma_start3A_1478, %dma_start3A_1479] : memref<8x32x128xf32, #tpu.memory_space<vmem>> -> memref<1x32x128xf32, #tpu.memory_space<vmem>>
      %dma_start3A_1481 = tpu.memref_squeeze %dma_start3A_1480 : memref<1x32x128xf32, #tpu.memory_space<vmem>> -> memref<32x128xf32, #tpu.memory_space<vmem>>
      %dma_start3A_1482 = arith.constant 0 : i32
      %dma_start3A_1483 = tpu.memref_slice %arg5[%dma_start3A_1482, %multiple_of3A_1457] : memref<32x1000000xf32, #tpu.memory_space<hbm>> -> memref<32x128xf32, #tpu.memory_space<hbm>>
      tpu.enqueue_dma source(%dma_start3A_1483 : memref<32x128xf32, #tpu.memory_space<hbm>>) target(%dma_start3A_1481 : memref<32x128xf32, #tpu.memory_space<vmem>>) target_semaphore(%arg25 : memref<!tpu.dma_semaphore, #tpu.memory_space<semaphore_mem>>)
      %mul3A_1484 = arith.constant 16 : i32
      %mul3A_1485 = arith.muli %scan3A_524, %mul3A_1484 : i32
      %add3A_1486 = arith.constant 14 : i32
      %add3A_1487 = arith.addi %mul3A_1485, %add3A_1486 : i32
      %sub3A_1488 = arith.constant 8 : i32
      %sub3A_1489 = arith.subi %add3A_1487, %sub3A_1488 : i32
      %dma_wait3A_1490 = arith.constant 6 : i32
      %dma_wait3A_1491 = arith.constant 0 : i32
      %dma_wait3A_1492 = arith.constant 0 : i32
      %dma_wait3A_1493 = tpu.memref_slice %arg9[%dma_wait3A_1490, %dma_wait3A_1491, %dma_wait3A_1492] : memref<8x32x128xf32, #tpu.memory_space<vmem>> -> memref<1x32x128xf32, #tpu.memory_space<vmem>>
      %dma_wait3A_1494 = tpu.memref_squeeze %dma_wait3A_1493 : memref<1x32x128xf32, #tpu.memory_space<vmem>> -> memref<32x128xf32, #tpu.memory_space<vmem>>
      %dma_wait3A_1495 = arith.constant 0 : i32
      %dma_wait3A_1496 = arith.constant 0 : i32
      %dma_wait3A_1497 = tpu.memref_slice %arg6[%dma_wait3A_1495, %dma_wait3A_1496] : memref<16384x32xf32, #tpu.memory_space<hbm>> -> memref<32x128xf32, #tpu.memory_space<hbm>>
      %dma_wait3A_1498 = arith.constant 0 : i32
      %dma_wait3A_1499 = arith.constant 0 : i32
      %dma_wait3A_1500 = tpu.memref_slice %arg9[%dma_wait3A_1490, %dma_wait3A_1498, %dma_wait3A_1499] : memref<8x32x128xf32, #tpu.memory_space<vmem>> -> memref<1x32x128xf32, #tpu.memory_space<vmem>>
      %dma_wait3A_1501 = tpu.memref_squeeze %dma_wait3A_1500 : memref<1x32x128xf32, #tpu.memory_space<vmem>> -> memref<32x128xf32, #tpu.memory_space<vmem>>
      %dma_wait3A_1502 = arith.constant 0 : i32
      %dma_wait3A_1503 = arith.constant 0 : i32
      %dma_wait3A_1504 = tpu.memref_slice %arg6[%dma_wait3A_1502, %dma_wait3A_1503] : memref<16384x32xf32, #tpu.memory_space<hbm>> -> memref<32x128xf32, #tpu.memory_space<hbm>>
      tpu.wait_dma2 semaphore(%arg18 : memref<!tpu.dma_semaphore, #tpu.memory_space<semaphore_mem>>) src(%dma_wait3A_1504 : memref<32x128xf32, #tpu.memory_space<hbm>>) dst(%dma_wait3A_1501 : memref<32x128xf32, #tpu.memory_space<vmem>>)
      %dma_wait3A_1505 = arith.constant 6 : i32
      %dma_wait3A_1506 = arith.constant 0 : i32
      %dma_wait3A_1507 = arith.constant 0 : i32
      %dma_wait3A_1508 = tpu.memref_slice %arg10[%dma_wait3A_1505, %dma_wait3A_1506, %dma_wait3A_1507] : memref<8x32x128xf32, #tpu.memory_space<vmem>> -> memref<1x32x128xf32, #tpu.memory_space<vmem>>
      %dma_wait3A_1509 = tpu.memref_squeeze %dma_wait3A_1508 : memref<1x32x128xf32, #tpu.memory_space<vmem>> -> memref<32x128xf32, #tpu.memory_space<vmem>>
      %dma_wait3A_1510 = arith.constant 0 : i32
      %dma_wait3A_1511 = arith.constant 0 : i32
      %dma_wait3A_1512 = tpu.memref_slice %arg6[%dma_wait3A_1510, %dma_wait3A_1511] : memref<16384x32xf32, #tpu.memory_space<hbm>> -> memref<32x128xf32, #tpu.memory_space<hbm>>
      %dma_wait3A_1513 = arith.constant 0 : i32
      %dma_wait3A_1514 = arith.constant 0 : i32
      %dma_wait3A_1515 = tpu.memref_slice %arg10[%dma_wait3A_1505, %dma_wait3A_1513, %dma_wait3A_1514] : memref<8x32x128xf32, #tpu.memory_space<vmem>> -> memref<1x32x128xf32, #tpu.memory_space<vmem>>
      %dma_wait3A_1516 = tpu.memref_squeeze %dma_wait3A_1515 : memref<1x32x128xf32, #tpu.memory_space<vmem>> -> memref<32x128xf32, #tpu.memory_space<vmem>>
      %dma_wait3A_1517 = arith.constant 0 : i32
      %dma_wait3A_1518 = arith.constant 0 : i32
      %dma_wait3A_1519 = tpu.memref_slice %arg6[%dma_wait3A_1517, %dma_wait3A_1518] : memref<16384x32xf32, #tpu.memory_space<hbm>> -> memref<32x128xf32, #tpu.memory_space<hbm>>
      tpu.wait_dma2 semaphore(%arg26 : memref<!tpu.dma_semaphore, #tpu.memory_space<semaphore_mem>>) src(%dma_wait3A_1519 : memref<32x128xf32, #tpu.memory_space<hbm>>) dst(%dma_wait3A_1516 : memref<32x128xf32, #tpu.memory_space<vmem>>)
      %broadcast_in_dim3A_1520 = arith.constant 6 : i32
      %broadcast_in_dim3A_1521 = vector.broadcast %broadcast_in_dim3A_1520 : i32 to vector<16xi32>
      %slice3A_1522 = vector.extract_strided_slice %and3A_555 {offsets = [6], sizes = [1], strides = [1]} : vector<16xi32> to vector<1xi32>
      %squeeze3A_1523 = vector.extract %slice3A_1522[0] : i32 from vector<1xi32>
      %broadcast_in_dim3A_1524 = vector.broadcast %squeeze3A_1523 : i32 to vector<16xi32>
      %slice3A_1525 = vector.extract_strided_slice %and3A_558 {offsets = [6], sizes = [1], strides = [1]} : vector<16xi32> to vector<1xi32>
      %squeeze3A_1526 = vector.extract %slice3A_1525[0] : i32 from vector<1xi32>
      %broadcast_in_dim3A_1527 = vector.broadcast %squeeze3A_1526 : i32 to vector<16xi32>
      %add3A_1528 = arith.constant 0 : i32
      %add3A_1529 = vector.broadcast %add3A_1528 : i32 to vector<16xi32>
      %add3A_1530 = arith.addi %iota3A, %add3A_1529 : vector<16xi32>
      %gather3A_1531 = tpu.vector_load_idx %arg9[%broadcast_in_dim3A_1521, %add3A_1530, %broadcast_in_dim3A_1524] : memref<8x32x128xf32, #tpu.memory_space<vmem>>[vector<16xi32>, vector<16xi32>, vector<16xi32>], vector<16xf32>,
      %add3A_1532 = arith.constant 0 : i32
      %add3A_1533 = vector.broadcast %add3A_1532 : i32 to vector<16xi32>
      %add3A_1534 = arith.addi %iota3A, %add3A_1533 : vector<16xi32>
      %gather3A_1535 = tpu.vector_load_idx %arg10[%broadcast_in_dim3A_1521, %add3A_1534, %broadcast_in_dim3A_1527] : memref<8x32x128xf32, #tpu.memory_space<vmem>>[vector<16xi32>, vector<16xi32>, vector<16xi32>], vector<16xf32>,
      %mul3A_1536 = arith.mulf %gather3A_1531, %gather3A_1535 : vector<16xf32>
      %and3A_1537 = arith.constant 255 : i32
      %and3A_1538 = arith.andi %sub3A_1489, %and3A_1537 : i32
      %swap3A_1539 = arith.index_cast %and3A_1538 : i32 to index
      %swap3A_1540 = arith.constant 0 : index
      %swap3A_1541 = tpu.vector_load %arg11[%swap3A_1539, %swap3A_1540] {strides = array<i32>} : memref<256x32xf32, #tpu.memory_space<vmem>>, vector<16xf32>,
      tpu.vector_store %arg11[%swap3A_1539, %swap3A_1540], %mul3A_1536 {strides = array<i32>} : memref<256x32xf32, #tpu.memory_space<vmem>>, vector<16xf32>,
      %add3A_1542 = arith.constant 16 : i32
      %add3A_1543 = vector.broadcast %add3A_1542 : i32 to vector<16xi32>
      %add3A_1544 = arith.addi %iota3A, %add3A_1543 : vector<16xi32>
      %gather3A_1545 = tpu.vector_load_idx %arg9[%broadcast_in_dim3A_1521, %add3A_1544, %broadcast_in_dim3A_1524] : memref<8x32x128xf32, #tpu.memory_space<vmem>>[vector<16xi32>, vector<16xi32>, vector<16xi32>], vector<16xf32>,
      %add3A_1546 = arith.constant 16 : i32
      %add3A_1547 = vector.broadcast %add3A_1546 : i32 to vector<16xi32>
      %add3A_1548 = arith.addi %iota3A, %add3A_1547 : vector<16xi32>
      %gather3A_1549 = tpu.vector_load_idx %arg10[%broadcast_in_dim3A_1521, %add3A_1548, %broadcast_in_dim3A_1527] : memref<8x32x128xf32, #tpu.memory_space<vmem>>[vector<16xi32>, vector<16xi32>, vector<16xi32>], vector<16xf32>,
      %mul3A_1550 = arith.mulf %gather3A_1545, %gather3A_1549 : vector<16xf32>
      %and3A_1551 = arith.constant 255 : i32
      %and3A_1552 = arith.andi %sub3A_1489, %and3A_1551 : i32
      %swap3A_1553 = arith.index_cast %and3A_1552 : i32 to index
      %swap3A_1554 = arith.constant 16 : index
      %swap3A_1555 = tpu.vector_load %arg11[%swap3A_1553, %swap3A_1554] {strides = array<i32>} : memref<256x32xf32, #tpu.memory_space<vmem>>, vector<16xf32>,
      tpu.vector_store %arg11[%swap3A_1553, %swap3A_1554], %mul3A_1550 {strides = array<i32>} : memref<256x32xf32, #tpu.memory_space<vmem>>, vector<16xf32>,
      %slice3A_1556 = vector.extract_strided_slice %shift_left3A_546 {offsets = [14], sizes = [1], strides = [1]} : vector<16xi32> to vector<1xi32>
      %squeeze3A_1557 = vector.extract %slice3A_1556[0] : i32 from vector<1xi32>
      %multiple_of3A_1558 = tpu.assume_multiple %squeeze3A_1557, 128 : i32
      %slice3A_1559 = vector.extract_strided_slice %shift_left3A_552 {offsets = [14], sizes = [1], strides = [1]} : vector<16xi32> to vector<1xi32>
      %squeeze3A_1560 = vector.extract %slice3A_1559[0] : i32 from vector<1xi32>
      %multiple_of3A_1561 = tpu.assume_multiple %squeeze3A_1560, 128 : i32
      %dma_start3A_1562 = arith.constant 6 : i32
      %dma_start3A_1563 = arith.constant 0 : i32
      %dma_start3A_1564 = arith.constant 0 : i32
      %dma_start3A_1565 = tpu.memref_slice %arg9[%dma_start3A_1562, %dma_start3A_1563, %dma_start3A_1564] : memref<8x32x128xf32, #tpu.memory_space<vmem>> -> memref<1x32x128xf32, #tpu.memory_space<vmem>>
      %dma_start3A_1566 = tpu.memref_squeeze %dma_start3A_1565 : memref<1x32x128xf32, #tpu.memory_space<vmem>> -> memref<32x128xf32, #tpu.memory_space<vmem>>
      %dma_start3A_1567 = arith.constant 0 : i32
      %dma_start3A_1568 = tpu.memref_slice %arg4[%dma_start3A_1567, %multiple_of3A_1558] : memref<32x1000000xf32, #tpu.memory_space<hbm>> -> memref<32x128xf32, #tpu.memory_space<hbm>>
      %dma_start3A_1569 = arith.constant 0 : i32
      %dma_start3A_1570 = arith.constant 0 : i32
      %dma_start3A_1571 = tpu.memref_slice %arg9[%dma_start3A_1562, %dma_start3A_1569, %dma_start3A_1570] : memref<8x32x128xf32, #tpu.memory_space<vmem>> -> memref<1x32x128xf32, #tpu.memory_space<vmem>>
      %dma_start3A_1572 = tpu.memref_squeeze %dma_start3A_1571 : memref<1x32x128xf32, #tpu.memory_space<vmem>> -> memref<32x128xf32, #tpu.memory_space<vmem>>
      %dma_start3A_1573 = arith.constant 0 : i32
      %dma_start3A_1574 = tpu.memref_slice %arg4[%dma_start3A_1573, %multiple_of3A_1558] : memref<32x1000000xf32, #tpu.memory_space<hbm>> -> memref<32x128xf32, #tpu.memory_space<hbm>>
      tpu.enqueue_dma source(%dma_start3A_1574 : memref<32x128xf32, #tpu.memory_space<hbm>>) target(%dma_start3A_1572 : memref<32x128xf32, #tpu.memory_space<vmem>>) target_semaphore(%arg18 : memref<!tpu.dma_semaphore, #tpu.memory_space<semaphore_mem>>)
      %dma_start3A_1575 = arith.constant 6 : i32
      %dma_start3A_1576 = arith.constant 0 : i32
      %dma_start3A_1577 = arith.constant 0 : i32
      %dma_start3A_1578 = tpu.memref_slice %arg10[%dma_start3A_1575, %dma_start3A_1576, %dma_start3A_1577] : memref<8x32x128xf32, #tpu.memory_space<vmem>> -> memref<1x32x128xf32, #tpu.memory_space<vmem>>
      %dma_start3A_1579 = tpu.memref_squeeze %dma_start3A_1578 : memref<1x32x128xf32, #tpu.memory_space<vmem>> -> memref<32x128xf32, #tpu.memory_space<vmem>>
      %dma_start3A_1580 = arith.constant 0 : i32
      %dma_start3A_1581 = tpu.memref_slice %arg5[%dma_start3A_1580, %multiple_of3A_1561] : memref<32x1000000xf32, #tpu.memory_space<hbm>> -> memref<32x128xf32, #tpu.memory_space<hbm>>
      %dma_start3A_1582 = arith.constant 0 : i32
      %dma_start3A_1583 = arith.constant 0 : i32
      %dma_start3A_1584 = tpu.memref_slice %arg10[%dma_start3A_1575, %dma_start3A_1582, %dma_start3A_1583] : memref<8x32x128xf32, #tpu.memory_space<vmem>> -> memref<1x32x128xf32, #tpu.memory_space<vmem>>
      %dma_start3A_1585 = tpu.memref_squeeze %dma_start3A_1584 : memref<1x32x128xf32, #tpu.memory_space<vmem>> -> memref<32x128xf32, #tpu.memory_space<vmem>>
      %dma_start3A_1586 = arith.constant 0 : i32
      %dma_start3A_1587 = tpu.memref_slice %arg5[%dma_start3A_1586, %multiple_of3A_1561] : memref<32x1000000xf32, #tpu.memory_space<hbm>> -> memref<32x128xf32, #tpu.memory_space<hbm>>
      tpu.enqueue_dma source(%dma_start3A_1587 : memref<32x128xf32, #tpu.memory_space<hbm>>) target(%dma_start3A_1585 : memref<32x128xf32, #tpu.memory_space<vmem>>) target_semaphore(%arg26 : memref<!tpu.dma_semaphore, #tpu.memory_space<semaphore_mem>>)
      %mul3A_1588 = arith.constant 16 : i32
      %mul3A_1589 = arith.muli %scan3A_524, %mul3A_1588 : i32
      %add3A_1590 = arith.constant 15 : i32
      %add3A_1591 = arith.addi %mul3A_1589, %add3A_1590 : i32
      %sub3A_1592 = arith.constant 8 : i32
      %sub3A_1593 = arith.subi %add3A_1591, %sub3A_1592 : i32
      %dma_wait3A_1594 = arith.constant 7 : i32
      %dma_wait3A_1595 = arith.constant 0 : i32
      %dma_wait3A_1596 = arith.constant 0 : i32
      %dma_wait3A_1597 = tpu.memref_slice %arg9[%dma_wait3A_1594, %dma_wait3A_1595, %dma_wait3A_1596] : memref<8x32x128xf32, #tpu.memory_space<vmem>> -> memref<1x32x128xf32, #tpu.memory_space<vmem>>
      %dma_wait3A_1598 = tpu.memref_squeeze %dma_wait3A_1597 : memref<1x32x128xf32, #tpu.memory_space<vmem>> -> memref<32x128xf32, #tpu.memory_space<vmem>>
      %dma_wait3A_1599 = arith.constant 0 : i32
      %dma_wait3A_1600 = arith.constant 0 : i32
      %dma_wait3A_1601 = tpu.memref_slice %arg6[%dma_wait3A_1599, %dma_wait3A_1600] : memref<16384x32xf32, #tpu.memory_space<hbm>> -> memref<32x128xf32, #tpu.memory_space<hbm>>
      %dma_wait3A_1602 = arith.constant 0 : i32
      %dma_wait3A_1603 = arith.constant 0 : i32
      %dma_wait3A_1604 = tpu.memref_slice %arg9[%dma_wait3A_1594, %dma_wait3A_1602, %dma_wait3A_1603] : memref<8x32x128xf32, #tpu.memory_space<vmem>> -> memref<1x32x128xf32, #tpu.memory_space<vmem>>
      %dma_wait3A_1605 = tpu.memref_squeeze %dma_wait3A_1604 : memref<1x32x128xf32, #tpu.memory_space<vmem>> -> memref<32x128xf32, #tpu.memory_space<vmem>>
      %dma_wait3A_1606 = arith.constant 0 : i32
      %dma_wait3A_1607 = arith.constant 0 : i32
      %dma_wait3A_1608 = tpu.memref_slice %arg6[%dma_wait3A_1606, %dma_wait3A_1607] : memref<16384x32xf32, #tpu.memory_space<hbm>> -> memref<32x128xf32, #tpu.memory_space<hbm>>
      tpu.wait_dma2 semaphore(%arg19 : memref<!tpu.dma_semaphore, #tpu.memory_space<semaphore_mem>>) src(%dma_wait3A_1608 : memref<32x128xf32, #tpu.memory_space<hbm>>) dst(%dma_wait3A_1605 : memref<32x128xf32, #tpu.memory_space<vmem>>)
      %dma_wait3A_1609 = arith.constant 7 : i32
      %dma_wait3A_1610 = arith.constant 0 : i32
      %dma_wait3A_1611 = arith.constant 0 : i32
      %dma_wait3A_1612 = tpu.memref_slice %arg10[%dma_wait3A_1609, %dma_wait3A_1610, %dma_wait3A_1611] : memref<8x32x128xf32, #tpu.memory_space<vmem>> -> memref<1x32x128xf32, #tpu.memory_space<vmem>>
      %dma_wait3A_1613 = tpu.memref_squeeze %dma_wait3A_1612 : memref<1x32x128xf32, #tpu.memory_space<vmem>> -> memref<32x128xf32, #tpu.memory_space<vmem>>
      %dma_wait3A_1614 = arith.constant 0 : i32
      %dma_wait3A_1615 = arith.constant 0 : i32
      %dma_wait3A_1616 = tpu.memref_slice %arg6[%dma_wait3A_1614, %dma_wait3A_1615] : memref<16384x32xf32, #tpu.memory_space<hbm>> -> memref<32x128xf32, #tpu.memory_space<hbm>>
      %dma_wait3A_1617 = arith.constant 0 : i32
      %dma_wait3A_1618 = arith.constant 0 : i32
      %dma_wait3A_1619 = tpu.memref_slice %arg10[%dma_wait3A_1609, %dma_wait3A_1617, %dma_wait3A_1618] : memref<8x32x128xf32, #tpu.memory_space<vmem>> -> memref<1x32x128xf32, #tpu.memory_space<vmem>>
      %dma_wait3A_1620 = tpu.memref_squeeze %dma_wait3A_1619 : memref<1x32x128xf32, #tpu.memory_space<vmem>> -> memref<32x128xf32, #tpu.memory_space<vmem>>
      %dma_wait3A_1621 = arith.constant 0 : i32
      %dma_wait3A_1622 = arith.constant 0 : i32
      %dma_wait3A_1623 = tpu.memref_slice %arg6[%dma_wait3A_1621, %dma_wait3A_1622] : memref<16384x32xf32, #tpu.memory_space<hbm>> -> memref<32x128xf32, #tpu.memory_space<hbm>>
      tpu.wait_dma2 semaphore(%arg27 : memref<!tpu.dma_semaphore, #tpu.memory_space<semaphore_mem>>) src(%dma_wait3A_1623 : memref<32x128xf32, #tpu.memory_space<hbm>>) dst(%dma_wait3A_1620 : memref<32x128xf32, #tpu.memory_space<vmem>>)
      %broadcast_in_dim3A_1624 = arith.constant 7 : i32
      %broadcast_in_dim3A_1625 = vector.broadcast %broadcast_in_dim3A_1624 : i32 to vector<16xi32>
      %slice3A_1626 = vector.extract_strided_slice %and3A_555 {offsets = [7], sizes = [1], strides = [1]} : vector<16xi32> to vector<1xi32>
      %squeeze3A_1627 = vector.extract %slice3A_1626[0] : i32 from vector<1xi32>
      %broadcast_in_dim3A_1628 = vector.broadcast %squeeze3A_1627 : i32 to vector<16xi32>
      %slice3A_1629 = vector.extract_strided_slice %and3A_558 {offsets = [7], sizes = [1], strides = [1]} : vector<16xi32> to vector<1xi32>
      %squeeze3A_1630 = vector.extract %slice3A_1629[0] : i32 from vector<1xi32>
      %broadcast_in_dim3A_1631 = vector.broadcast %squeeze3A_1630 : i32 to vector<16xi32>
      %add3A_1632 = arith.constant 0 : i32
      %add3A_1633 = vector.broadcast %add3A_1632 : i32 to vector<16xi32>
      %add3A_1634 = arith.addi %iota3A, %add3A_1633 : vector<16xi32>
      %gather3A_1635 = tpu.vector_load_idx %arg9[%broadcast_in_dim3A_1625, %add3A_1634, %broadcast_in_dim3A_1628] : memref<8x32x128xf32, #tpu.memory_space<vmem>>[vector<16xi32>, vector<16xi32>, vector<16xi32>], vector<16xf32>,
      %add3A_1636 = arith.constant 0 : i32
      %add3A_1637 = vector.broadcast %add3A_1636 : i32 to vector<16xi32>
      %add3A_1638 = arith.addi %iota3A, %add3A_1637 : vector<16xi32>
      %gather3A_1639 = tpu.vector_load_idx %arg10[%broadcast_in_dim3A_1625, %add3A_1638, %broadcast_in_dim3A_1631] : memref<8x32x128xf32, #tpu.memory_space<vmem>>[vector<16xi32>, vector<16xi32>, vector<16xi32>], vector<16xf32>,
      %mul3A_1640 = arith.mulf %gather3A_1635, %gather3A_1639 : vector<16xf32>
      %and3A_1641 = arith.constant 255 : i32
      %and3A_1642 = arith.andi %sub3A_1593, %and3A_1641 : i32
      %swap3A_1643 = arith.index_cast %and3A_1642 : i32 to index
      %swap3A_1644 = arith.constant 0 : index
      %swap3A_1645 = tpu.vector_load %arg11[%swap3A_1643, %swap3A_1644] {strides = array<i32>} : memref<256x32xf32, #tpu.memory_space<vmem>>, vector<16xf32>,
      tpu.vector_store %arg11[%swap3A_1643, %swap3A_1644], %mul3A_1640 {strides = array<i32>} : memref<256x32xf32, #tpu.memory_space<vmem>>, vector<16xf32>,
      %add3A_1646 = arith.constant 16 : i32
      %add3A_1647 = vector.broadcast %add3A_1646 : i32 to vector<16xi32>
      %add3A_1648 = arith.addi %iota3A, %add3A_1647 : vector<16xi32>
      %gather3A_1649 = tpu.vector_load_idx %arg9[%broadcast_in_dim3A_1625, %add3A_1648, %broadcast_in_dim3A_1628] : memref<8x32x128xf32, #tpu.memory_space<vmem>>[vector<16xi32>, vector<16xi32>, vector<16xi32>], vector<16xf32>,
      %add3A_1650 = arith.constant 16 : i32
      %add3A_1651 = vector.broadcast %add3A_1650 : i32 to vector<16xi32>
      %add3A_1652 = arith.addi %iota3A, %add3A_1651 : vector<16xi32>
      %gather3A_1653 = tpu.vector_load_idx %arg10[%broadcast_in_dim3A_1625, %add3A_1652, %broadcast_in_dim3A_1631] : memref<8x32x128xf32, #tpu.memory_space<vmem>>[vector<16xi32>, vector<16xi32>, vector<16xi32>], vector<16xf32>,
      %mul3A_1654 = arith.mulf %gather3A_1649, %gather3A_1653 : vector<16xf32>
      %and3A_1655 = arith.constant 255 : i32
      %and3A_1656 = arith.andi %sub3A_1593, %and3A_1655 : i32
      %swap3A_1657 = arith.index_cast %and3A_1656 : i32 to index
      %swap3A_1658 = arith.constant 16 : index
      %swap3A_1659 = tpu.vector_load %arg11[%swap3A_1657, %swap3A_1658] {strides = array<i32>} : memref<256x32xf32, #tpu.memory_space<vmem>>, vector<16xf32>,
      tpu.vector_store %arg11[%swap3A_1657, %swap3A_1658], %mul3A_1654 {strides = array<i32>} : memref<256x32xf32, #tpu.memory_space<vmem>>, vector<16xf32>,
      %slice3A_1660 = vector.extract_strided_slice %shift_left3A_546 {offsets = [15], sizes = [1], strides = [1]} : vector<16xi32> to vector<1xi32>
      %squeeze3A_1661 = vector.extract %slice3A_1660[0] : i32 from vector<1xi32>
      %multiple_of3A_1662 = tpu.assume_multiple %squeeze3A_1661, 128 : i32
      %slice3A_1663 = vector.extract_strided_slice %shift_left3A_552 {offsets = [15], sizes = [1], strides = [1]} : vector<16xi32> to vector<1xi32>
      %squeeze3A_1664 = vector.extract %slice3A_1663[0] : i32 from vector<1xi32>
      %multiple_of3A_1665 = tpu.assume_multiple %squeeze3A_1664, 128 : i32
      %dma_start3A_1666 = arith.constant 7 : i32
      %dma_start3A_1667 = arith.constant 0 : i32
      %dma_start3A_1668 = arith.constant 0 : i32
      %dma_start3A_1669 = tpu.memref_slice %arg9[%dma_start3A_1666, %dma_start3A_1667, %dma_start3A_1668] : memref<8x32x128xf32, #tpu.memory_space<vmem>> -> memref<1x32x128xf32, #tpu.memory_space<vmem>>
      %dma_start3A_1670 = tpu.memref_squeeze %dma_start3A_1669 : memref<1x32x128xf32, #tpu.memory_space<vmem>> -> memref<32x128xf32, #tpu.memory_space<vmem>>
      %dma_start3A_1671 = arith.constant 0 : i32
      %dma_start3A_1672 = tpu.memref_slice %arg4[%dma_start3A_1671, %multiple_of3A_1662] : memref<32x1000000xf32, #tpu.memory_space<hbm>> -> memref<32x128xf32, #tpu.memory_space<hbm>>
      %dma_start3A_1673 = arith.constant 0 : i32
      %dma_start3A_1674 = arith.constant 0 : i32
      %dma_start3A_1675 = tpu.memref_slice %arg9[%dma_start3A_1666, %dma_start3A_1673, %dma_start3A_1674] : memref<8x32x128xf32, #tpu.memory_space<vmem>> -> memref<1x32x128xf32, #tpu.memory_space<vmem>>
      %dma_start3A_1676 = tpu.memref_squeeze %dma_start3A_1675 : memref<1x32x128xf32, #tpu.memory_space<vmem>> -> memref<32x128xf32, #tpu.memory_space<vmem>>
      %dma_start3A_1677 = arith.constant 0 : i32
      %dma_start3A_1678 = tpu.memref_slice %arg4[%dma_start3A_1677, %multiple_of3A_1662] : memref<32x1000000xf32, #tpu.memory_space<hbm>> -> memref<32x128xf32, #tpu.memory_space<hbm>>
      tpu.enqueue_dma source(%dma_start3A_1678 : memref<32x128xf32, #tpu.memory_space<hbm>>) target(%dma_start3A_1676 : memref<32x128xf32, #tpu.memory_space<vmem>>) target_semaphore(%arg19 : memref<!tpu.dma_semaphore, #tpu.memory_space<semaphore_mem>>)
      %dma_start3A_1679 = arith.constant 7 : i32
      %dma_start3A_1680 = arith.constant 0 : i32
      %dma_start3A_1681 = arith.constant 0 : i32
      %dma_start3A_1682 = tpu.memref_slice %arg10[%dma_start3A_1679, %dma_start3A_1680, %dma_start3A_1681] : memref<8x32x128xf32, #tpu.memory_space<vmem>> -> memref<1x32x128xf32, #tpu.memory_space<vmem>>
      %dma_start3A_1683 = tpu.memref_squeeze %dma_start3A_1682 : memref<1x32x128xf32, #tpu.memory_space<vmem>> -> memref<32x128xf32, #tpu.memory_space<vmem>>
      %dma_start3A_1684 = arith.constant 0 : i32
      %dma_start3A_1685 = tpu.memref_slice %arg5[%dma_start3A_1684, %multiple_of3A_1665] : memref<32x1000000xf32, #tpu.memory_space<hbm>> -> memref<32x128xf32, #tpu.memory_space<hbm>>
      %dma_start3A_1686 = arith.constant 0 : i32
      %dma_start3A_1687 = arith.constant 0 : i32
      %dma_start3A_1688 = tpu.memref_slice %arg10[%dma_start3A_1679, %dma_start3A_1686, %dma_start3A_1687] : memref<8x32x128xf32, #tpu.memory_space<vmem>> -> memref<1x32x128xf32, #tpu.memory_space<vmem>>
      %dma_start3A_1689 = tpu.memref_squeeze %dma_start3A_1688 : memref<1x32x128xf32, #tpu.memory_space<vmem>> -> memref<32x128xf32, #tpu.memory_space<vmem>>
      %dma_start3A_1690 = arith.constant 0 : i32
      %dma_start3A_1691 = tpu.memref_slice %arg5[%dma_start3A_1690, %multiple_of3A_1665] : memref<32x1000000xf32, #tpu.memory_space<hbm>> -> memref<32x128xf32, #tpu.memory_space<hbm>>
      tpu.enqueue_dma source(%dma_start3A_1691 : memref<32x128xf32, #tpu.memory_space<hbm>>) target(%dma_start3A_1689 : memref<32x128xf32, #tpu.memory_space<vmem>>) target_semaphore(%arg27 : memref<!tpu.dma_semaphore, #tpu.memory_space<semaphore_mem>>)
    }
    %scan3A_7 = arith.constant 32 : i32
    %get3A = arith.constant 496 : index
    %get3A_8 = tpu.vector_load %arg7[%get3A] {strides = array<i32>} : memref<512xi32, #tpu.memory_space<vmem>>, vector<16xi32>,
    %and3A = arith.constant 127 : i32
    %and3A_9 = vector.broadcast %and3A : i32 to vector<16xi32>
    %and3A_10 = arith.andi %get3A_8, %and3A_9 : vector<16xi32>
    %get3A_11 = arith.constant 496 : index
    %get3A_12 = tpu.vector_load %arg8[%get3A_11] {strides = array<i32>} : memref<512xi32, #tpu.memory_space<vmem>>, vector<16xi32>,
    %and3A_13 = arith.constant 127 : i32
    %and3A_14 = vector.broadcast %and3A_13 : i32 to vector<16xi32>
    %and3A_15 = arith.andi %get3A_12, %and3A_14 : vector<16xi32>
    %dma_wait3A = arith.constant 0 : i32
    %dma_wait3A_16 = arith.constant 0 : i32
    %dma_wait3A_17 = arith.constant 0 : i32
    %dma_wait3A_18 = tpu.memref_slice %arg9[%dma_wait3A, %dma_wait3A_16, %dma_wait3A_17] : memref<8x32x128xf32, #tpu.memory_space<vmem>> -> memref<1x32x128xf32, #tpu.memory_space<vmem>>
    %dma_wait3A_19 = tpu.memref_squeeze %dma_wait3A_18 : memref<1x32x128xf32, #tpu.memory_space<vmem>> -> memref<32x128xf32, #tpu.memory_space<vmem>>
    %dma_wait3A_20 = arith.constant 0 : i32
    %dma_wait3A_21 = arith.constant 0 : i32
    %dma_wait3A_22 = tpu.memref_slice %arg6[%dma_wait3A_20, %dma_wait3A_21] : memref<16384x32xf32, #tpu.memory_space<hbm>> -> memref<32x128xf32, #tpu.memory_space<hbm>>
    %dma_wait3A_23 = arith.constant 0 : i32
    %dma_wait3A_24 = arith.constant 0 : i32
    %dma_wait3A_25 = tpu.memref_slice %arg9[%dma_wait3A, %dma_wait3A_23, %dma_wait3A_24] : memref<8x32x128xf32, #tpu.memory_space<vmem>> -> memref<1x32x128xf32, #tpu.memory_space<vmem>>
    %dma_wait3A_26 = tpu.memref_squeeze %dma_wait3A_25 : memref<1x32x128xf32, #tpu.memory_space<vmem>> -> memref<32x128xf32, #tpu.memory_space<vmem>>
    %dma_wait3A_27 = arith.constant 0 : i32
    %dma_wait3A_28 = arith.constant 0 : i32
    %dma_wait3A_29 = tpu.memref_slice %arg6[%dma_wait3A_27, %dma_wait3A_28] : memref<16384x32xf32, #tpu.memory_space<hbm>> -> memref<32x128xf32, #tpu.memory_space<hbm>>
    tpu.wait_dma2 semaphore(%arg12 : memref<!tpu.dma_semaphore, #tpu.memory_space<semaphore_mem>>) src(%dma_wait3A_29 : memref<32x128xf32, #tpu.memory_space<hbm>>) dst(%dma_wait3A_26 : memref<32x128xf32, #tpu.memory_space<vmem>>)
    %dma_wait3A_30 = arith.constant 0 : i32
    %dma_wait3A_31 = arith.constant 0 : i32
    %dma_wait3A_32 = arith.constant 0 : i32
    %dma_wait3A_33 = tpu.memref_slice %arg10[%dma_wait3A_30, %dma_wait3A_31, %dma_wait3A_32] : memref<8x32x128xf32, #tpu.memory_space<vmem>> -> memref<1x32x128xf32, #tpu.memory_space<vmem>>
    %dma_wait3A_34 = tpu.memref_squeeze %dma_wait3A_33 : memref<1x32x128xf32, #tpu.memory_space<vmem>> -> memref<32x128xf32, #tpu.memory_space<vmem>>
    %dma_wait3A_35 = arith.constant 0 : i32
    %dma_wait3A_36 = arith.constant 0 : i32
    %dma_wait3A_37 = tpu.memref_slice %arg6[%dma_wait3A_35, %dma_wait3A_36] : memref<16384x32xf32, #tpu.memory_space<hbm>> -> memref<32x128xf32, #tpu.memory_space<hbm>>
    %dma_wait3A_38 = arith.constant 0 : i32
    %dma_wait3A_39 = arith.constant 0 : i32
    %dma_wait3A_40 = tpu.memref_slice %arg10[%dma_wait3A_30, %dma_wait3A_38, %dma_wait3A_39] : memref<8x32x128xf32, #tpu.memory_space<vmem>> -> memref<1x32x128xf32, #tpu.memory_space<vmem>>
    %dma_wait3A_41 = tpu.memref_squeeze %dma_wait3A_40 : memref<1x32x128xf32, #tpu.memory_space<vmem>> -> memref<32x128xf32, #tpu.memory_space<vmem>>
    %dma_wait3A_42 = arith.constant 0 : i32
    %dma_wait3A_43 = arith.constant 0 : i32
    %dma_wait3A_44 = tpu.memref_slice %arg6[%dma_wait3A_42, %dma_wait3A_43] : memref<16384x32xf32, #tpu.memory_space<hbm>> -> memref<32x128xf32, #tpu.memory_space<hbm>>
    tpu.wait_dma2 semaphore(%arg20 : memref<!tpu.dma_semaphore, #tpu.memory_space<semaphore_mem>>) src(%dma_wait3A_44 : memref<32x128xf32, #tpu.memory_space<hbm>>) dst(%dma_wait3A_41 : memref<32x128xf32, #tpu.memory_space<vmem>>)
    %broadcast_in_dim3A = arith.constant 0 : i32
    %broadcast_in_dim3A_45 = vector.broadcast %broadcast_in_dim3A : i32 to vector<16xi32>
    %slice3A = vector.extract_strided_slice %and3A_10 {offsets = [8], sizes = [1], strides = [1]} : vector<16xi32> to vector<1xi32>
    %squeeze3A = vector.extract %slice3A[0] : i32 from vector<1xi32>
    %broadcast_in_dim3A_46 = vector.broadcast %squeeze3A : i32 to vector<16xi32>
    %slice3A_47 = vector.extract_strided_slice %and3A_15 {offsets = [8], sizes = [1], strides = [1]} : vector<16xi32> to vector<1xi32>
    %squeeze3A_48 = vector.extract %slice3A_47[0] : i32 from vector<1xi32>
    %broadcast_in_dim3A_49 = vector.broadcast %squeeze3A_48 : i32 to vector<16xi32>
    %add3A_50 = arith.constant 0 : i32
    %add3A_51 = vector.broadcast %add3A_50 : i32 to vector<16xi32>
    %add3A_52 = arith.addi %iota3A, %add3A_51 : vector<16xi32>
    %gather3A = tpu.vector_load_idx %arg9[%broadcast_in_dim3A_45, %add3A_52, %broadcast_in_dim3A_46] : memref<8x32x128xf32, #tpu.memory_space<vmem>>[vector<16xi32>, vector<16xi32>, vector<16xi32>], vector<16xf32>,
    %add3A_53 = arith.constant 0 : i32
    %add3A_54 = vector.broadcast %add3A_53 : i32 to vector<16xi32>
    %add3A_55 = arith.addi %iota3A, %add3A_54 : vector<16xi32>
    %gather3A_56 = tpu.vector_load_idx %arg10[%broadcast_in_dim3A_45, %add3A_55, %broadcast_in_dim3A_49] : memref<8x32x128xf32, #tpu.memory_space<vmem>>[vector<16xi32>, vector<16xi32>, vector<16xi32>], vector<16xf32>,
    %mul3A_57 = arith.mulf %gather3A, %gather3A_56 : vector<16xf32>
    %swap3A = arith.constant 248 : i32
    %swap3A_58 = arith.index_cast %swap3A : i32 to index
    %swap3A_59 = arith.constant 0 : index
    %swap3A_60 = tpu.vector_load %arg11[%swap3A_58, %swap3A_59] {strides = array<i32>} : memref<256x32xf32, #tpu.memory_space<vmem>>, vector<16xf32>,
    tpu.vector_store %arg11[%swap3A_58, %swap3A_59], %mul3A_57 {strides = array<i32>} : memref<256x32xf32, #tpu.memory_space<vmem>>, vector<16xf32>,
    %add3A_61 = arith.constant 16 : i32
    %add3A_62 = vector.broadcast %add3A_61 : i32 to vector<16xi32>
    %add3A_63 = arith.addi %iota3A, %add3A_62 : vector<16xi32>
    %gather3A_64 = tpu.vector_load_idx %arg9[%broadcast_in_dim3A_45, %add3A_63, %broadcast_in_dim3A_46] : memref<8x32x128xf32, #tpu.memory_space<vmem>>[vector<16xi32>, vector<16xi32>, vector<16xi32>], vector<16xf32>,
    %add3A_65 = arith.constant 16 : i32
    %add3A_66 = vector.broadcast %add3A_65 : i32 to vector<16xi32>
    %add3A_67 = arith.addi %iota3A, %add3A_66 : vector<16xi32>
    %gather3A_68 = tpu.vector_load_idx %arg10[%broadcast_in_dim3A_45, %add3A_67, %broadcast_in_dim3A_49] : memref<8x32x128xf32, #tpu.memory_space<vmem>>[vector<16xi32>, vector<16xi32>, vector<16xi32>], vector<16xf32>,
    %mul3A_69 = arith.mulf %gather3A_64, %gather3A_68 : vector<16xf32>
    %swap3A_70 = arith.constant 248 : i32
    %swap3A_71 = arith.index_cast %swap3A_70 : i32 to index
    %swap3A_72 = arith.constant 16 : index
    %swap3A_73 = tpu.vector_load %arg11[%swap3A_71, %swap3A_72] {strides = array<i32>} : memref<256x32xf32, #tpu.memory_space<vmem>>, vector<16xf32>,
    tpu.vector_store %arg11[%swap3A_71, %swap3A_72], %mul3A_69 {strides = array<i32>} : memref<256x32xf32, #tpu.memory_space<vmem>>, vector<16xf32>,
    %dma_wait3A_74 = arith.constant 1 : i32
    %dma_wait3A_75 = arith.constant 0 : i32
    %dma_wait3A_76 = arith.constant 0 : i32
    %dma_wait3A_77 = tpu.memref_slice %arg9[%dma_wait3A_74, %dma_wait3A_75, %dma_wait3A_76] : memref<8x32x128xf32, #tpu.memory_space<vmem>> -> memref<1x32x128xf32, #tpu.memory_space<vmem>>
    %dma_wait3A_78 = tpu.memref_squeeze %dma_wait3A_77 : memref<1x32x128xf32, #tpu.memory_space<vmem>> -> memref<32x128xf32, #tpu.memory_space<vmem>>
    %dma_wait3A_79 = arith.constant 0 : i32
    %dma_wait3A_80 = arith.constant 0 : i32
    %dma_wait3A_81 = tpu.memref_slice %arg6[%dma_wait3A_79, %dma_wait3A_80] : memref<16384x32xf32, #tpu.memory_space<hbm>> -> memref<32x128xf32, #tpu.memory_space<hbm>>
    %dma_wait3A_82 = arith.constant 0 : i32
    %dma_wait3A_83 = arith.constant 0 : i32
    %dma_wait3A_84 = tpu.memref_slice %arg9[%dma_wait3A_74, %dma_wait3A_82, %dma_wait3A_83] : memref<8x32x128xf32, #tpu.memory_space<vmem>> -> memref<1x32x128xf32, #tpu.memory_space<vmem>>
    %dma_wait3A_85 = tpu.memref_squeeze %dma_wait3A_84 : memref<1x32x128xf32, #tpu.memory_space<vmem>> -> memref<32x128xf32, #tpu.memory_space<vmem>>
    %dma_wait3A_86 = arith.constant 0 : i32
    %dma_wait3A_87 = arith.constant 0 : i32
    %dma_wait3A_88 = tpu.memref_slice %arg6[%dma_wait3A_86, %dma_wait3A_87] : memref<16384x32xf32, #tpu.memory_space<hbm>> -> memref<32x128xf32, #tpu.memory_space<hbm>>
    tpu.wait_dma2 semaphore(%arg13 : memref<!tpu.dma_semaphore, #tpu.memory_space<semaphore_mem>>) src(%dma_wait3A_88 : memref<32x128xf32, #tpu.memory_space<hbm>>) dst(%dma_wait3A_85 : memref<32x128xf32, #tpu.memory_space<vmem>>)
    %dma_wait3A_89 = arith.constant 1 : i32
    %dma_wait3A_90 = arith.constant 0 : i32
    %dma_wait3A_91 = arith.constant 0 : i32
    %dma_wait3A_92 = tpu.memref_slice %arg10[%dma_wait3A_89, %dma_wait3A_90, %dma_wait3A_91] : memref<8x32x128xf32, #tpu.memory_space<vmem>> -> memref<1x32x128xf32, #tpu.memory_space<vmem>>
    %dma_wait3A_93 = tpu.memref_squeeze %dma_wait3A_92 : memref<1x32x128xf32, #tpu.memory_space<vmem>> -> memref<32x128xf32, #tpu.memory_space<vmem>>
    %dma_wait3A_94 = arith.constant 0 : i32
    %dma_wait3A_95 = arith.constant 0 : i32
    %dma_wait3A_96 = tpu.memref_slice %arg6[%dma_wait3A_94, %dma_wait3A_95] : memref<16384x32xf32, #tpu.memory_space<hbm>> -> memref<32x128xf32, #tpu.memory_space<hbm>>
    %dma_wait3A_97 = arith.constant 0 : i32
    %dma_wait3A_98 = arith.constant 0 : i32
    %dma_wait3A_99 = tpu.memref_slice %arg10[%dma_wait3A_89, %dma_wait3A_97, %dma_wait3A_98] : memref<8x32x128xf32, #tpu.memory_space<vmem>> -> memref<1x32x128xf32, #tpu.memory_space<vmem>>
    %dma_wait3A_100 = tpu.memref_squeeze %dma_wait3A_99 : memref<1x32x128xf32, #tpu.memory_space<vmem>> -> memref<32x128xf32, #tpu.memory_space<vmem>>
    %dma_wait3A_101 = arith.constant 0 : i32
    %dma_wait3A_102 = arith.constant 0 : i32
    %dma_wait3A_103 = tpu.memref_slice %arg6[%dma_wait3A_101, %dma_wait3A_102] : memref<16384x32xf32, #tpu.memory_space<hbm>> -> memref<32x128xf32, #tpu.memory_space<hbm>>
    tpu.wait_dma2 semaphore(%arg21 : memref<!tpu.dma_semaphore, #tpu.memory_space<semaphore_mem>>) src(%dma_wait3A_103 : memref<32x128xf32, #tpu.memory_space<hbm>>) dst(%dma_wait3A_100 : memref<32x128xf32, #tpu.memory_space<vmem>>)
    %broadcast_in_dim3A_104 = arith.constant 1 : i32
    %broadcast_in_dim3A_105 = vector.broadcast %broadcast_in_dim3A_104 : i32 to vector<16xi32>
    %slice3A_106 = vector.extract_strided_slice %and3A_10 {offsets = [9], sizes = [1], strides = [1]} : vector<16xi32> to vector<1xi32>
    %squeeze3A_107 = vector.extract %slice3A_106[0] : i32 from vector<1xi32>
    %broadcast_in_dim3A_108 = vector.broadcast %squeeze3A_107 : i32 to vector<16xi32>
    %slice3A_109 = vector.extract_strided_slice %and3A_15 {offsets = [9], sizes = [1], strides = [1]} : vector<16xi32> to vector<1xi32>
    %squeeze3A_110 = vector.extract %slice3A_109[0] : i32 from vector<1xi32>
    %broadcast_in_dim3A_111 = vector.broadcast %squeeze3A_110 : i32 to vector<16xi32>
    %add3A_112 = arith.constant 0 : i32
    %add3A_113 = vector.broadcast %add3A_112 : i32 to vector<16xi32>
    %add3A_114 = arith.addi %iota3A, %add3A_113 : vector<16xi32>
    %gather3A_115 = tpu.vector_load_idx %arg9[%broadcast_in_dim3A_105, %add3A_114, %broadcast_in_dim3A_108] : memref<8x32x128xf32, #tpu.memory_space<vmem>>[vector<16xi32>, vector<16xi32>, vector<16xi32>], vector<16xf32>,
    %add3A_116 = arith.constant 0 : i32
    %add3A_117 = vector.broadcast %add3A_116 : i32 to vector<16xi32>
    %add3A_118 = arith.addi %iota3A, %add3A_117 : vector<16xi32>
    %gather3A_119 = tpu.vector_load_idx %arg10[%broadcast_in_dim3A_105, %add3A_118, %broadcast_in_dim3A_111] : memref<8x32x128xf32, #tpu.memory_space<vmem>>[vector<16xi32>, vector<16xi32>, vector<16xi32>], vector<16xf32>,
    %mul3A_120 = arith.mulf %gather3A_115, %gather3A_119 : vector<16xf32>
    %swap3A_121 = arith.constant 249 : i32
    %swap3A_122 = arith.index_cast %swap3A_121 : i32 to index
    %swap3A_123 = arith.constant 0 : index
    %swap3A_124 = tpu.vector_load %arg11[%swap3A_122, %swap3A_123] {strides = array<i32>} : memref<256x32xf32, #tpu.memory_space<vmem>>, vector<16xf32>,
    tpu.vector_store %arg11[%swap3A_122, %swap3A_123], %mul3A_120 {strides = array<i32>} : memref<256x32xf32, #tpu.memory_space<vmem>>, vector<16xf32>,
    %add3A_125 = arith.constant 16 : i32
    %add3A_126 = vector.broadcast %add3A_125 : i32 to vector<16xi32>
    %add3A_127 = arith.addi %iota3A, %add3A_126 : vector<16xi32>
    %gather3A_128 = tpu.vector_load_idx %arg9[%broadcast_in_dim3A_105, %add3A_127, %broadcast_in_dim3A_108] : memref<8x32x128xf32, #tpu.memory_space<vmem>>[vector<16xi32>, vector<16xi32>, vector<16xi32>], vector<16xf32>,
    %add3A_129 = arith.constant 16 : i32
    %add3A_130 = vector.broadcast %add3A_129 : i32 to vector<16xi32>
    %add3A_131 = arith.addi %iota3A, %add3A_130 : vector<16xi32>
    %gather3A_132 = tpu.vector_load_idx %arg10[%broadcast_in_dim3A_105, %add3A_131, %broadcast_in_dim3A_111] : memref<8x32x128xf32, #tpu.memory_space<vmem>>[vector<16xi32>, vector<16xi32>, vector<16xi32>], vector<16xf32>,
    %mul3A_133 = arith.mulf %gather3A_128, %gather3A_132 : vector<16xf32>
    %swap3A_134 = arith.constant 249 : i32
    %swap3A_135 = arith.index_cast %swap3A_134 : i32 to index
    %swap3A_136 = arith.constant 16 : index
    %swap3A_137 = tpu.vector_load %arg11[%swap3A_135, %swap3A_136] {strides = array<i32>} : memref<256x32xf32, #tpu.memory_space<vmem>>, vector<16xf32>,
    tpu.vector_store %arg11[%swap3A_135, %swap3A_136], %mul3A_133 {strides = array<i32>} : memref<256x32xf32, #tpu.memory_space<vmem>>, vector<16xf32>,
    %dma_wait3A_138 = arith.constant 2 : i32
    %dma_wait3A_139 = arith.constant 0 : i32
    %dma_wait3A_140 = arith.constant 0 : i32
    %dma_wait3A_141 = tpu.memref_slice %arg9[%dma_wait3A_138, %dma_wait3A_139, %dma_wait3A_140] : memref<8x32x128xf32, #tpu.memory_space<vmem>> -> memref<1x32x128xf32, #tpu.memory_space<vmem>>
    %dma_wait3A_142 = tpu.memref_squeeze %dma_wait3A_141 : memref<1x32x128xf32, #tpu.memory_space<vmem>> -> memref<32x128xf32, #tpu.memory_space<vmem>>
    %dma_wait3A_143 = arith.constant 0 : i32
    %dma_wait3A_144 = arith.constant 0 : i32
    %dma_wait3A_145 = tpu.memref_slice %arg6[%dma_wait3A_143, %dma_wait3A_144] : memref<16384x32xf32, #tpu.memory_space<hbm>> -> memref<32x128xf32, #tpu.memory_space<hbm>>
    %dma_wait3A_146 = arith.constant 0 : i32
    %dma_wait3A_147 = arith.constant 0 : i32
    %dma_wait3A_148 = tpu.memref_slice %arg9[%dma_wait3A_138, %dma_wait3A_146, %dma_wait3A_147] : memref<8x32x128xf32, #tpu.memory_space<vmem>> -> memref<1x32x128xf32, #tpu.memory_space<vmem>>
    %dma_wait3A_149 = tpu.memref_squeeze %dma_wait3A_148 : memref<1x32x128xf32, #tpu.memory_space<vmem>> -> memref<32x128xf32, #tpu.memory_space<vmem>>
    %dma_wait3A_150 = arith.constant 0 : i32
    %dma_wait3A_151 = arith.constant 0 : i32
    %dma_wait3A_152 = tpu.memref_slice %arg6[%dma_wait3A_150, %dma_wait3A_151] : memref<16384x32xf32, #tpu.memory_space<hbm>> -> memref<32x128xf32, #tpu.memory_space<hbm>>
    tpu.wait_dma2 semaphore(%arg14 : memref<!tpu.dma_semaphore, #tpu.memory_space<semaphore_mem>>) src(%dma_wait3A_152 : memref<32x128xf32, #tpu.memory_space<hbm>>) dst(%dma_wait3A_149 : memref<32x128xf32, #tpu.memory_space<vmem>>)
    %dma_wait3A_153 = arith.constant 2 : i32
    %dma_wait3A_154 = arith.constant 0 : i32
    %dma_wait3A_155 = arith.constant 0 : i32
    %dma_wait3A_156 = tpu.memref_slice %arg10[%dma_wait3A_153, %dma_wait3A_154, %dma_wait3A_155] : memref<8x32x128xf32, #tpu.memory_space<vmem>> -> memref<1x32x128xf32, #tpu.memory_space<vmem>>
    %dma_wait3A_157 = tpu.memref_squeeze %dma_wait3A_156 : memref<1x32x128xf32, #tpu.memory_space<vmem>> -> memref<32x128xf32, #tpu.memory_space<vmem>>
    %dma_wait3A_158 = arith.constant 0 : i32
    %dma_wait3A_159 = arith.constant 0 : i32
    %dma_wait3A_160 = tpu.memref_slice %arg6[%dma_wait3A_158, %dma_wait3A_159] : memref<16384x32xf32, #tpu.memory_space<hbm>> -> memref<32x128xf32, #tpu.memory_space<hbm>>
    %dma_wait3A_161 = arith.constant 0 : i32
    %dma_wait3A_162 = arith.constant 0 : i32
    %dma_wait3A_163 = tpu.memref_slice %arg10[%dma_wait3A_153, %dma_wait3A_161, %dma_wait3A_162] : memref<8x32x128xf32, #tpu.memory_space<vmem>> -> memref<1x32x128xf32, #tpu.memory_space<vmem>>
    %dma_wait3A_164 = tpu.memref_squeeze %dma_wait3A_163 : memref<1x32x128xf32, #tpu.memory_space<vmem>> -> memref<32x128xf32, #tpu.memory_space<vmem>>
    %dma_wait3A_165 = arith.constant 0 : i32
    %dma_wait3A_166 = arith.constant 0 : i32
    %dma_wait3A_167 = tpu.memref_slice %arg6[%dma_wait3A_165, %dma_wait3A_166] : memref<16384x32xf32, #tpu.memory_space<hbm>> -> memref<32x128xf32, #tpu.memory_space<hbm>>
    tpu.wait_dma2 semaphore(%arg22 : memref<!tpu.dma_semaphore, #tpu.memory_space<semaphore_mem>>) src(%dma_wait3A_167 : memref<32x128xf32, #tpu.memory_space<hbm>>) dst(%dma_wait3A_164 : memref<32x128xf32, #tpu.memory_space<vmem>>)
    %broadcast_in_dim3A_168 = arith.constant 2 : i32
    %broadcast_in_dim3A_169 = vector.broadcast %broadcast_in_dim3A_168 : i32 to vector<16xi32>
    %slice3A_170 = vector.extract_strided_slice %and3A_10 {offsets = [10], sizes = [1], strides = [1]} : vector<16xi32> to vector<1xi32>
    %squeeze3A_171 = vector.extract %slice3A_170[0] : i32 from vector<1xi32>
    %broadcast_in_dim3A_172 = vector.broadcast %squeeze3A_171 : i32 to vector<16xi32>
    %slice3A_173 = vector.extract_strided_slice %and3A_15 {offsets = [10], sizes = [1], strides = [1]} : vector<16xi32> to vector<1xi32>
    %squeeze3A_174 = vector.extract %slice3A_173[0] : i32 from vector<1xi32>
    %broadcast_in_dim3A_175 = vector.broadcast %squeeze3A_174 : i32 to vector<16xi32>
    %add3A_176 = arith.constant 0 : i32
    %add3A_177 = vector.broadcast %add3A_176 : i32 to vector<16xi32>
    %add3A_178 = arith.addi %iota3A, %add3A_177 : vector<16xi32>
    %gather3A_179 = tpu.vector_load_idx %arg9[%broadcast_in_dim3A_169, %add3A_178, %broadcast_in_dim3A_172] : memref<8x32x128xf32, #tpu.memory_space<vmem>>[vector<16xi32>, vector<16xi32>, vector<16xi32>], vector<16xf32>,
    %add3A_180 = arith.constant 0 : i32
    %add3A_181 = vector.broadcast %add3A_180 : i32 to vector<16xi32>
    %add3A_182 = arith.addi %iota3A, %add3A_181 : vector<16xi32>
    %gather3A_183 = tpu.vector_load_idx %arg10[%broadcast_in_dim3A_169, %add3A_182, %broadcast_in_dim3A_175] : memref<8x32x128xf32, #tpu.memory_space<vmem>>[vector<16xi32>, vector<16xi32>, vector<16xi32>], vector<16xf32>,
    %mul3A_184 = arith.mulf %gather3A_179, %gather3A_183 : vector<16xf32>
    %swap3A_185 = arith.constant 250 : i32
    %swap3A_186 = arith.index_cast %swap3A_185 : i32 to index
    %swap3A_187 = arith.constant 0 : index
    %swap3A_188 = tpu.vector_load %arg11[%swap3A_186, %swap3A_187] {strides = array<i32>} : memref<256x32xf32, #tpu.memory_space<vmem>>, vector<16xf32>,
    tpu.vector_store %arg11[%swap3A_186, %swap3A_187], %mul3A_184 {strides = array<i32>} : memref<256x32xf32, #tpu.memory_space<vmem>>, vector<16xf32>,
    %add3A_189 = arith.constant 16 : i32
    %add3A_190 = vector.broadcast %add3A_189 : i32 to vector<16xi32>
    %add3A_191 = arith.addi %iota3A, %add3A_190 : vector<16xi32>
    %gather3A_192 = tpu.vector_load_idx %arg9[%broadcast_in_dim3A_169, %add3A_191, %broadcast_in_dim3A_172] : memref<8x32x128xf32, #tpu.memory_space<vmem>>[vector<16xi32>, vector<16xi32>, vector<16xi32>], vector<16xf32>,
    %add3A_193 = arith.constant 16 : i32
    %add3A_194 = vector.broadcast %add3A_193 : i32 to vector<16xi32>
    %add3A_195 = arith.addi %iota3A, %add3A_194 : vector<16xi32>
    %gather3A_196 = tpu.vector_load_idx %arg10[%broadcast_in_dim3A_169, %add3A_195, %broadcast_in_dim3A_175] : memref<8x32x128xf32, #tpu.memory_space<vmem>>[vector<16xi32>, vector<16xi32>, vector<16xi32>], vector<16xf32>,
    %mul3A_197 = arith.mulf %gather3A_192, %gather3A_196 : vector<16xf32>
    %swap3A_198 = arith.constant 250 : i32
    %swap3A_199 = arith.index_cast %swap3A_198 : i32 to index
    %swap3A_200 = arith.constant 16 : index
    %swap3A_201 = tpu.vector_load %arg11[%swap3A_199, %swap3A_200] {strides = array<i32>} : memref<256x32xf32, #tpu.memory_space<vmem>>, vector<16xf32>,
    tpu.vector_store %arg11[%swap3A_199, %swap3A_200], %mul3A_197 {strides = array<i32>} : memref<256x32xf32, #tpu.memory_space<vmem>>, vector<16xf32>,
    %dma_wait3A_202 = arith.constant 3 : i32
    %dma_wait3A_203 = arith.constant 0 : i32
    %dma_wait3A_204 = arith.constant 0 : i32
    %dma_wait3A_205 = tpu.memref_slice %arg9[%dma_wait3A_202, %dma_wait3A_203, %dma_wait3A_204] : memref<8x32x128xf32, #tpu.memory_space<vmem>> -> memref<1x32x128xf32, #tpu.memory_space<vmem>>
    %dma_wait3A_206 = tpu.memref_squeeze %dma_wait3A_205 : memref<1x32x128xf32, #tpu.memory_space<vmem>> -> memref<32x128xf32, #tpu.memory_space<vmem>>
    %dma_wait3A_207 = arith.constant 0 : i32
    %dma_wait3A_208 = arith.constant 0 : i32
    %dma_wait3A_209 = tpu.memref_slice %arg6[%dma_wait3A_207, %dma_wait3A_208] : memref<16384x32xf32, #tpu.memory_space<hbm>> -> memref<32x128xf32, #tpu.memory_space<hbm>>
    %dma_wait3A_210 = arith.constant 0 : i32
    %dma_wait3A_211 = arith.constant 0 : i32
    %dma_wait3A_212 = tpu.memref_slice %arg9[%dma_wait3A_202, %dma_wait3A_210, %dma_wait3A_211] : memref<8x32x128xf32, #tpu.memory_space<vmem>> -> memref<1x32x128xf32, #tpu.memory_space<vmem>>
    %dma_wait3A_213 = tpu.memref_squeeze %dma_wait3A_212 : memref<1x32x128xf32, #tpu.memory_space<vmem>> -> memref<32x128xf32, #tpu.memory_space<vmem>>
    %dma_wait3A_214 = arith.constant 0 : i32
    %dma_wait3A_215 = arith.constant 0 : i32
    %dma_wait3A_216 = tpu.memref_slice %arg6[%dma_wait3A_214, %dma_wait3A_215] : memref<16384x32xf32, #tpu.memory_space<hbm>> -> memref<32x128xf32, #tpu.memory_space<hbm>>
    tpu.wait_dma2 semaphore(%arg15 : memref<!tpu.dma_semaphore, #tpu.memory_space<semaphore_mem>>) src(%dma_wait3A_216 : memref<32x128xf32, #tpu.memory_space<hbm>>) dst(%dma_wait3A_213 : memref<32x128xf32, #tpu.memory_space<vmem>>)
    %dma_wait3A_217 = arith.constant 3 : i32
    %dma_wait3A_218 = arith.constant 0 : i32
    %dma_wait3A_219 = arith.constant 0 : i32
    %dma_wait3A_220 = tpu.memref_slice %arg10[%dma_wait3A_217, %dma_wait3A_218, %dma_wait3A_219] : memref<8x32x128xf32, #tpu.memory_space<vmem>> -> memref<1x32x128xf32, #tpu.memory_space<vmem>>
    %dma_wait3A_221 = tpu.memref_squeeze %dma_wait3A_220 : memref<1x32x128xf32, #tpu.memory_space<vmem>> -> memref<32x128xf32, #tpu.memory_space<vmem>>
    %dma_wait3A_222 = arith.constant 0 : i32
    %dma_wait3A_223 = arith.constant 0 : i32
    %dma_wait3A_224 = tpu.memref_slice %arg6[%dma_wait3A_222, %dma_wait3A_223] : memref<16384x32xf32, #tpu.memory_space<hbm>> -> memref<32x128xf32, #tpu.memory_space<hbm>>
    %dma_wait3A_225 = arith.constant 0 : i32
    %dma_wait3A_226 = arith.constant 0 : i32
    %dma_wait3A_227 = tpu.memref_slice %arg10[%dma_wait3A_217, %dma_wait3A_225, %dma_wait3A_226] : memref<8x32x128xf32, #tpu.memory_space<vmem>> -> memref<1x32x128xf32, #tpu.memory_space<vmem>>
    %dma_wait3A_228 = tpu.memref_squeeze %dma_wait3A_227 : memref<1x32x128xf32, #tpu.memory_space<vmem>> -> memref<32x128xf32, #tpu.memory_space<vmem>>
    %dma_wait3A_229 = arith.constant 0 : i32
    %dma_wait3A_230 = arith.constant 0 : i32
    %dma_wait3A_231 = tpu.memref_slice %arg6[%dma_wait3A_229, %dma_wait3A_230] : memref<16384x32xf32, #tpu.memory_space<hbm>> -> memref<32x128xf32, #tpu.memory_space<hbm>>
    tpu.wait_dma2 semaphore(%arg23 : memref<!tpu.dma_semaphore, #tpu.memory_space<semaphore_mem>>) src(%dma_wait3A_231 : memref<32x128xf32, #tpu.memory_space<hbm>>) dst(%dma_wait3A_228 : memref<32x128xf32, #tpu.memory_space<vmem>>)
    %broadcast_in_dim3A_232 = arith.constant 3 : i32
    %broadcast_in_dim3A_233 = vector.broadcast %broadcast_in_dim3A_232 : i32 to vector<16xi32>
    %slice3A_234 = vector.extract_strided_slice %and3A_10 {offsets = [11], sizes = [1], strides = [1]} : vector<16xi32> to vector<1xi32>
    %squeeze3A_235 = vector.extract %slice3A_234[0] : i32 from vector<1xi32>
    %broadcast_in_dim3A_236 = vector.broadcast %squeeze3A_235 : i32 to vector<16xi32>
    %slice3A_237 = vector.extract_strided_slice %and3A_15 {offsets = [11], sizes = [1], strides = [1]} : vector<16xi32> to vector<1xi32>
    %squeeze3A_238 = vector.extract %slice3A_237[0] : i32 from vector<1xi32>
    %broadcast_in_dim3A_239 = vector.broadcast %squeeze3A_238 : i32 to vector<16xi32>
    %add3A_240 = arith.constant 0 : i32
    %add3A_241 = vector.broadcast %add3A_240 : i32 to vector<16xi32>
    %add3A_242 = arith.addi %iota3A, %add3A_241 : vector<16xi32>
    %gather3A_243 = tpu.vector_load_idx %arg9[%broadcast_in_dim3A_233, %add3A_242, %broadcast_in_dim3A_236] : memref<8x32x128xf32, #tpu.memory_space<vmem>>[vector<16xi32>, vector<16xi32>, vector<16xi32>], vector<16xf32>,
    %add3A_244 = arith.constant 0 : i32
    %add3A_245 = vector.broadcast %add3A_244 : i32 to vector<16xi32>
    %add3A_246 = arith.addi %iota3A, %add3A_245 : vector<16xi32>
    %gather3A_247 = tpu.vector_load_idx %arg10[%broadcast_in_dim3A_233, %add3A_246, %broadcast_in_dim3A_239] : memref<8x32x128xf32, #tpu.memory_space<vmem>>[vector<16xi32>, vector<16xi32>, vector<16xi32>], vector<16xf32>,
    %mul3A_248 = arith.mulf %gather3A_243, %gather3A_247 : vector<16xf32>
    %swap3A_249 = arith.constant 251 : i32
    %swap3A_250 = arith.index_cast %swap3A_249 : i32 to index
    %swap3A_251 = arith.constant 0 : index
    %swap3A_252 = tpu.vector_load %arg11[%swap3A_250, %swap3A_251] {strides = array<i32>} : memref<256x32xf32, #tpu.memory_space<vmem>>, vector<16xf32>,
    tpu.vector_store %arg11[%swap3A_250, %swap3A_251], %mul3A_248 {strides = array<i32>} : memref<256x32xf32, #tpu.memory_space<vmem>>, vector<16xf32>,
    %add3A_253 = arith.constant 16 : i32
    %add3A_254 = vector.broadcast %add3A_253 : i32 to vector<16xi32>
    %add3A_255 = arith.addi %iota3A, %add3A_254 : vector<16xi32>
    %gather3A_256 = tpu.vector_load_idx %arg9[%broadcast_in_dim3A_233, %add3A_255, %broadcast_in_dim3A_236] : memref<8x32x128xf32, #tpu.memory_space<vmem>>[vector<16xi32>, vector<16xi32>, vector<16xi32>], vector<16xf32>,
    %add3A_257 = arith.constant 16 : i32
    %add3A_258 = vector.broadcast %add3A_257 : i32 to vector<16xi32>
    %add3A_259 = arith.addi %iota3A, %add3A_258 : vector<16xi32>
    %gather3A_260 = tpu.vector_load_idx %arg10[%broadcast_in_dim3A_233, %add3A_259, %broadcast_in_dim3A_239] : memref<8x32x128xf32, #tpu.memory_space<vmem>>[vector<16xi32>, vector<16xi32>, vector<16xi32>], vector<16xf32>,
    %mul3A_261 = arith.mulf %gather3A_256, %gather3A_260 : vector<16xf32>
    %swap3A_262 = arith.constant 251 : i32
    %swap3A_263 = arith.index_cast %swap3A_262 : i32 to index
    %swap3A_264 = arith.constant 16 : index
    %swap3A_265 = tpu.vector_load %arg11[%swap3A_263, %swap3A_264] {strides = array<i32>} : memref<256x32xf32, #tpu.memory_space<vmem>>, vector<16xf32>,
    tpu.vector_store %arg11[%swap3A_263, %swap3A_264], %mul3A_261 {strides = array<i32>} : memref<256x32xf32, #tpu.memory_space<vmem>>, vector<16xf32>,
    %dma_wait3A_266 = arith.constant 4 : i32
    %dma_wait3A_267 = arith.constant 0 : i32
    %dma_wait3A_268 = arith.constant 0 : i32
    %dma_wait3A_269 = tpu.memref_slice %arg9[%dma_wait3A_266, %dma_wait3A_267, %dma_wait3A_268] : memref<8x32x128xf32, #tpu.memory_space<vmem>> -> memref<1x32x128xf32, #tpu.memory_space<vmem>>
    %dma_wait3A_270 = tpu.memref_squeeze %dma_wait3A_269 : memref<1x32x128xf32, #tpu.memory_space<vmem>> -> memref<32x128xf32, #tpu.memory_space<vmem>>
    %dma_wait3A_271 = arith.constant 0 : i32
    %dma_wait3A_272 = arith.constant 0 : i32
    %dma_wait3A_273 = tpu.memref_slice %arg6[%dma_wait3A_271, %dma_wait3A_272] : memref<16384x32xf32, #tpu.memory_space<hbm>> -> memref<32x128xf32, #tpu.memory_space<hbm>>
    %dma_wait3A_274 = arith.constant 0 : i32
    %dma_wait3A_275 = arith.constant 0 : i32
    %dma_wait3A_276 = tpu.memref_slice %arg9[%dma_wait3A_266, %dma_wait3A_274, %dma_wait3A_275] : memref<8x32x128xf32, #tpu.memory_space<vmem>> -> memref<1x32x128xf32, #tpu.memory_space<vmem>>
    %dma_wait3A_277 = tpu.memref_squeeze %dma_wait3A_276 : memref<1x32x128xf32, #tpu.memory_space<vmem>> -> memref<32x128xf32, #tpu.memory_space<vmem>>
    %dma_wait3A_278 = arith.constant 0 : i32
    %dma_wait3A_279 = arith.constant 0 : i32
    %dma_wait3A_280 = tpu.memref_slice %arg6[%dma_wait3A_278, %dma_wait3A_279] : memref<16384x32xf32, #tpu.memory_space<hbm>> -> memref<32x128xf32, #tpu.memory_space<hbm>>
    tpu.wait_dma2 semaphore(%arg16 : memref<!tpu.dma_semaphore, #tpu.memory_space<semaphore_mem>>) src(%dma_wait3A_280 : memref<32x128xf32, #tpu.memory_space<hbm>>) dst(%dma_wait3A_277 : memref<32x128xf32, #tpu.memory_space<vmem>>)
    %dma_wait3A_281 = arith.constant 4 : i32
    %dma_wait3A_282 = arith.constant 0 : i32
    %dma_wait3A_283 = arith.constant 0 : i32
    %dma_wait3A_284 = tpu.memref_slice %arg10[%dma_wait3A_281, %dma_wait3A_282, %dma_wait3A_283] : memref<8x32x128xf32, #tpu.memory_space<vmem>> -> memref<1x32x128xf32, #tpu.memory_space<vmem>>
    %dma_wait3A_285 = tpu.memref_squeeze %dma_wait3A_284 : memref<1x32x128xf32, #tpu.memory_space<vmem>> -> memref<32x128xf32, #tpu.memory_space<vmem>>
    %dma_wait3A_286 = arith.constant 0 : i32
    %dma_wait3A_287 = arith.constant 0 : i32
    %dma_wait3A_288 = tpu.memref_slice %arg6[%dma_wait3A_286, %dma_wait3A_287] : memref<16384x32xf32, #tpu.memory_space<hbm>> -> memref<32x128xf32, #tpu.memory_space<hbm>>
    %dma_wait3A_289 = arith.constant 0 : i32
    %dma_wait3A_290 = arith.constant 0 : i32
    %dma_wait3A_291 = tpu.memref_slice %arg10[%dma_wait3A_281, %dma_wait3A_289, %dma_wait3A_290] : memref<8x32x128xf32, #tpu.memory_space<vmem>> -> memref<1x32x128xf32, #tpu.memory_space<vmem>>
    %dma_wait3A_292 = tpu.memref_squeeze %dma_wait3A_291 : memref<1x32x128xf32, #tpu.memory_space<vmem>> -> memref<32x128xf32, #tpu.memory_space<vmem>>
    %dma_wait3A_293 = arith.constant 0 : i32
    %dma_wait3A_294 = arith.constant 0 : i32
    %dma_wait3A_295 = tpu.memref_slice %arg6[%dma_wait3A_293, %dma_wait3A_294] : memref<16384x32xf32, #tpu.memory_space<hbm>> -> memref<32x128xf32, #tpu.memory_space<hbm>>
    tpu.wait_dma2 semaphore(%arg24 : memref<!tpu.dma_semaphore, #tpu.memory_space<semaphore_mem>>) src(%dma_wait3A_295 : memref<32x128xf32, #tpu.memory_space<hbm>>) dst(%dma_wait3A_292 : memref<32x128xf32, #tpu.memory_space<vmem>>)
    %broadcast_in_dim3A_296 = arith.constant 4 : i32
    %broadcast_in_dim3A_297 = vector.broadcast %broadcast_in_dim3A_296 : i32 to vector<16xi32>
    %slice3A_298 = vector.extract_strided_slice %and3A_10 {offsets = [12], sizes = [1], strides = [1]} : vector<16xi32> to vector<1xi32>
    %squeeze3A_299 = vector.extract %slice3A_298[0] : i32 from vector<1xi32>
    %broadcast_in_dim3A_300 = vector.broadcast %squeeze3A_299 : i32 to vector<16xi32>
    %slice3A_301 = vector.extract_strided_slice %and3A_15 {offsets = [12], sizes = [1], strides = [1]} : vector<16xi32> to vector<1xi32>
    %squeeze3A_302 = vector.extract %slice3A_301[0] : i32 from vector<1xi32>
    %broadcast_in_dim3A_303 = vector.broadcast %squeeze3A_302 : i32 to vector<16xi32>
    %add3A_304 = arith.constant 0 : i32
    %add3A_305 = vector.broadcast %add3A_304 : i32 to vector<16xi32>
    %add3A_306 = arith.addi %iota3A, %add3A_305 : vector<16xi32>
    %gather3A_307 = tpu.vector_load_idx %arg9[%broadcast_in_dim3A_297, %add3A_306, %broadcast_in_dim3A_300] : memref<8x32x128xf32, #tpu.memory_space<vmem>>[vector<16xi32>, vector<16xi32>, vector<16xi32>], vector<16xf32>,
    %add3A_308 = arith.constant 0 : i32
    %add3A_309 = vector.broadcast %add3A_308 : i32 to vector<16xi32>
    %add3A_310 = arith.addi %iota3A, %add3A_309 : vector<16xi32>
    %gather3A_311 = tpu.vector_load_idx %arg10[%broadcast_in_dim3A_297, %add3A_310, %broadcast_in_dim3A_303] : memref<8x32x128xf32, #tpu.memory_space<vmem>>[vector<16xi32>, vector<16xi32>, vector<16xi32>], vector<16xf32>,
    %mul3A_312 = arith.mulf %gather3A_307, %gather3A_311 : vector<16xf32>
    %swap3A_313 = arith.constant 252 : i32
    %swap3A_314 = arith.index_cast %swap3A_313 : i32 to index
    %swap3A_315 = arith.constant 0 : index
    %swap3A_316 = tpu.vector_load %arg11[%swap3A_314, %swap3A_315] {strides = array<i32>} : memref<256x32xf32, #tpu.memory_space<vmem>>, vector<16xf32>,
    tpu.vector_store %arg11[%swap3A_314, %swap3A_315], %mul3A_312 {strides = array<i32>} : memref<256x32xf32, #tpu.memory_space<vmem>>, vector<16xf32>,
    %add3A_317 = arith.constant 16 : i32
    %add3A_318 = vector.broadcast %add3A_317 : i32 to vector<16xi32>
    %add3A_319 = arith.addi %iota3A, %add3A_318 : vector<16xi32>
    %gather3A_320 = tpu.vector_load_idx %arg9[%broadcast_in_dim3A_297, %add3A_319, %broadcast_in_dim3A_300] : memref<8x32x128xf32, #tpu.memory_space<vmem>>[vector<16xi32>, vector<16xi32>, vector<16xi32>], vector<16xf32>,
    %add3A_321 = arith.constant 16 : i32
    %add3A_322 = vector.broadcast %add3A_321 : i32 to vector<16xi32>
    %add3A_323 = arith.addi %iota3A, %add3A_322 : vector<16xi32>
    %gather3A_324 = tpu.vector_load_idx %arg10[%broadcast_in_dim3A_297, %add3A_323, %broadcast_in_dim3A_303] : memref<8x32x128xf32, #tpu.memory_space<vmem>>[vector<16xi32>, vector<16xi32>, vector<16xi32>], vector<16xf32>,
    %mul3A_325 = arith.mulf %gather3A_320, %gather3A_324 : vector<16xf32>
    %swap3A_326 = arith.constant 252 : i32
    %swap3A_327 = arith.index_cast %swap3A_326 : i32 to index
    %swap3A_328 = arith.constant 16 : index
    %swap3A_329 = tpu.vector_load %arg11[%swap3A_327, %swap3A_328] {strides = array<i32>} : memref<256x32xf32, #tpu.memory_space<vmem>>, vector<16xf32>,
    tpu.vector_store %arg11[%swap3A_327, %swap3A_328], %mul3A_325 {strides = array<i32>} : memref<256x32xf32, #tpu.memory_space<vmem>>, vector<16xf32>,
    %dma_wait3A_330 = arith.constant 5 : i32
    %dma_wait3A_331 = arith.constant 0 : i32
    %dma_wait3A_332 = arith.constant 0 : i32
    %dma_wait3A_333 = tpu.memref_slice %arg9[%dma_wait3A_330, %dma_wait3A_331, %dma_wait3A_332] : memref<8x32x128xf32, #tpu.memory_space<vmem>> -> memref<1x32x128xf32, #tpu.memory_space<vmem>>
    %dma_wait3A_334 = tpu.memref_squeeze %dma_wait3A_333 : memref<1x32x128xf32, #tpu.memory_space<vmem>> -> memref<32x128xf32, #tpu.memory_space<vmem>>
    %dma_wait3A_335 = arith.constant 0 : i32
    %dma_wait3A_336 = arith.constant 0 : i32
    %dma_wait3A_337 = tpu.memref_slice %arg6[%dma_wait3A_335, %dma_wait3A_336] : memref<16384x32xf32, #tpu.memory_space<hbm>> -> memref<32x128xf32, #tpu.memory_space<hbm>>
    %dma_wait3A_338 = arith.constant 0 : i32
    %dma_wait3A_339 = arith.constant 0 : i32
    %dma_wait3A_340 = tpu.memref_slice %arg9[%dma_wait3A_330, %dma_wait3A_338, %dma_wait3A_339] : memref<8x32x128xf32, #tpu.memory_space<vmem>> -> memref<1x32x128xf32, #tpu.memory_space<vmem>>
    %dma_wait3A_341 = tpu.memref_squeeze %dma_wait3A_340 : memref<1x32x128xf32, #tpu.memory_space<vmem>> -> memref<32x128xf32, #tpu.memory_space<vmem>>
    %dma_wait3A_342 = arith.constant 0 : i32
    %dma_wait3A_343 = arith.constant 0 : i32
    %dma_wait3A_344 = tpu.memref_slice %arg6[%dma_wait3A_342, %dma_wait3A_343] : memref<16384x32xf32, #tpu.memory_space<hbm>> -> memref<32x128xf32, #tpu.memory_space<hbm>>
    tpu.wait_dma2 semaphore(%arg17 : memref<!tpu.dma_semaphore, #tpu.memory_space<semaphore_mem>>) src(%dma_wait3A_344 : memref<32x128xf32, #tpu.memory_space<hbm>>) dst(%dma_wait3A_341 : memref<32x128xf32, #tpu.memory_space<vmem>>)
    %dma_wait3A_345 = arith.constant 5 : i32
    %dma_wait3A_346 = arith.constant 0 : i32
    %dma_wait3A_347 = arith.constant 0 : i32
    %dma_wait3A_348 = tpu.memref_slice %arg10[%dma_wait3A_345, %dma_wait3A_346, %dma_wait3A_347] : memref<8x32x128xf32, #tpu.memory_space<vmem>> -> memref<1x32x128xf32, #tpu.memory_space<vmem>>
    %dma_wait3A_349 = tpu.memref_squeeze %dma_wait3A_348 : memref<1x32x128xf32, #tpu.memory_space<vmem>> -> memref<32x128xf32, #tpu.memory_space<vmem>>
    %dma_wait3A_350 = arith.constant 0 : i32
    %dma_wait3A_351 = arith.constant 0 : i32
    %dma_wait3A_352 = tpu.memref_slice %arg6[%dma_wait3A_350, %dma_wait3A_351] : memref<16384x32xf32, #tpu.memory_space<hbm>> -> memref<32x128xf32, #tpu.memory_space<hbm>>
    %dma_wait3A_353 = arith.constant 0 : i32
    %dma_wait3A_354 = arith.constant 0 : i32
    %dma_wait3A_355 = tpu.memref_slice %arg10[%dma_wait3A_345, %dma_wait3A_353, %dma_wait3A_354] : memref<8x32x128xf32, #tpu.memory_space<vmem>> -> memref<1x32x128xf32, #tpu.memory_space<vmem>>
    %dma_wait3A_356 = tpu.memref_squeeze %dma_wait3A_355 : memref<1x32x128xf32, #tpu.memory_space<vmem>> -> memref<32x128xf32, #tpu.memory_space<vmem>>
    %dma_wait3A_357 = arith.constant 0 : i32
    %dma_wait3A_358 = arith.constant 0 : i32
    %dma_wait3A_359 = tpu.memref_slice %arg6[%dma_wait3A_357, %dma_wait3A_358] : memref<16384x32xf32, #tpu.memory_space<hbm>> -> memref<32x128xf32, #tpu.memory_space<hbm>>
    tpu.wait_dma2 semaphore(%arg25 : memref<!tpu.dma_semaphore, #tpu.memory_space<semaphore_mem>>) src(%dma_wait3A_359 : memref<32x128xf32, #tpu.memory_space<hbm>>) dst(%dma_wait3A_356 : memref<32x128xf32, #tpu.memory_space<vmem>>)
    %broadcast_in_dim3A_360 = arith.constant 5 : i32
    %broadcast_in_dim3A_361 = vector.broadcast %broadcast_in_dim3A_360 : i32 to vector<16xi32>
    %slice3A_362 = vector.extract_strided_slice %and3A_10 {offsets = [13], sizes = [1], strides = [1]} : vector<16xi32> to vector<1xi32>
    %squeeze3A_363 = vector.extract %slice3A_362[0] : i32 from vector<1xi32>
    %broadcast_in_dim3A_364 = vector.broadcast %squeeze3A_363 : i32 to vector<16xi32>
    %slice3A_365 = vector.extract_strided_slice %and3A_15 {offsets = [13], sizes = [1], strides = [1]} : vector<16xi32> to vector<1xi32>
    %squeeze3A_366 = vector.extract %slice3A_365[0] : i32 from vector<1xi32>
    %broadcast_in_dim3A_367 = vector.broadcast %squeeze3A_366 : i32 to vector<16xi32>
    %add3A_368 = arith.constant 0 : i32
    %add3A_369 = vector.broadcast %add3A_368 : i32 to vector<16xi32>
    %add3A_370 = arith.addi %iota3A, %add3A_369 : vector<16xi32>
    %gather3A_371 = tpu.vector_load_idx %arg9[%broadcast_in_dim3A_361, %add3A_370, %broadcast_in_dim3A_364] : memref<8x32x128xf32, #tpu.memory_space<vmem>>[vector<16xi32>, vector<16xi32>, vector<16xi32>], vector<16xf32>,
    %add3A_372 = arith.constant 0 : i32
    %add3A_373 = vector.broadcast %add3A_372 : i32 to vector<16xi32>
    %add3A_374 = arith.addi %iota3A, %add3A_373 : vector<16xi32>
    %gather3A_375 = tpu.vector_load_idx %arg10[%broadcast_in_dim3A_361, %add3A_374, %broadcast_in_dim3A_367] : memref<8x32x128xf32, #tpu.memory_space<vmem>>[vector<16xi32>, vector<16xi32>, vector<16xi32>], vector<16xf32>,
    %mul3A_376 = arith.mulf %gather3A_371, %gather3A_375 : vector<16xf32>
    %swap3A_377 = arith.constant 253 : i32
    %swap3A_378 = arith.index_cast %swap3A_377 : i32 to index
    %swap3A_379 = arith.constant 0 : index
    %swap3A_380 = tpu.vector_load %arg11[%swap3A_378, %swap3A_379] {strides = array<i32>} : memref<256x32xf32, #tpu.memory_space<vmem>>, vector<16xf32>,
    tpu.vector_store %arg11[%swap3A_378, %swap3A_379], %mul3A_376 {strides = array<i32>} : memref<256x32xf32, #tpu.memory_space<vmem>>, vector<16xf32>,
    %add3A_381 = arith.constant 16 : i32
    %add3A_382 = vector.broadcast %add3A_381 : i32 to vector<16xi32>
    %add3A_383 = arith.addi %iota3A, %add3A_382 : vector<16xi32>
    %gather3A_384 = tpu.vector_load_idx %arg9[%broadcast_in_dim3A_361, %add3A_383, %broadcast_in_dim3A_364] : memref<8x32x128xf32, #tpu.memory_space<vmem>>[vector<16xi32>, vector<16xi32>, vector<16xi32>], vector<16xf32>,
    %add3A_385 = arith.constant 16 : i32
    %add3A_386 = vector.broadcast %add3A_385 : i32 to vector<16xi32>
    %add3A_387 = arith.addi %iota3A, %add3A_386 : vector<16xi32>
    %gather3A_388 = tpu.vector_load_idx %arg10[%broadcast_in_dim3A_361, %add3A_387, %broadcast_in_dim3A_367] : memref<8x32x128xf32, #tpu.memory_space<vmem>>[vector<16xi32>, vector<16xi32>, vector<16xi32>], vector<16xf32>,
    %mul3A_389 = arith.mulf %gather3A_384, %gather3A_388 : vector<16xf32>
    %swap3A_390 = arith.constant 253 : i32
    %swap3A_391 = arith.index_cast %swap3A_390 : i32 to index
    %swap3A_392 = arith.constant 16 : index
    %swap3A_393 = tpu.vector_load %arg11[%swap3A_391, %swap3A_392] {strides = array<i32>} : memref<256x32xf32, #tpu.memory_space<vmem>>, vector<16xf32>,
    tpu.vector_store %arg11[%swap3A_391, %swap3A_392], %mul3A_389 {strides = array<i32>} : memref<256x32xf32, #tpu.memory_space<vmem>>, vector<16xf32>,
    %dma_wait3A_394 = arith.constant 6 : i32
    %dma_wait3A_395 = arith.constant 0 : i32
    %dma_wait3A_396 = arith.constant 0 : i32
    %dma_wait3A_397 = tpu.memref_slice %arg9[%dma_wait3A_394, %dma_wait3A_395, %dma_wait3A_396] : memref<8x32x128xf32, #tpu.memory_space<vmem>> -> memref<1x32x128xf32, #tpu.memory_space<vmem>>
    %dma_wait3A_398 = tpu.memref_squeeze %dma_wait3A_397 : memref<1x32x128xf32, #tpu.memory_space<vmem>> -> memref<32x128xf32, #tpu.memory_space<vmem>>
    %dma_wait3A_399 = arith.constant 0 : i32
    %dma_wait3A_400 = arith.constant 0 : i32
    %dma_wait3A_401 = tpu.memref_slice %arg6[%dma_wait3A_399, %dma_wait3A_400] : memref<16384x32xf32, #tpu.memory_space<hbm>> -> memref<32x128xf32, #tpu.memory_space<hbm>>
    %dma_wait3A_402 = arith.constant 0 : i32
    %dma_wait3A_403 = arith.constant 0 : i32
    %dma_wait3A_404 = tpu.memref_slice %arg9[%dma_wait3A_394, %dma_wait3A_402, %dma_wait3A_403] : memref<8x32x128xf32, #tpu.memory_space<vmem>> -> memref<1x32x128xf32, #tpu.memory_space<vmem>>
    %dma_wait3A_405 = tpu.memref_squeeze %dma_wait3A_404 : memref<1x32x128xf32, #tpu.memory_space<vmem>> -> memref<32x128xf32, #tpu.memory_space<vmem>>
    %dma_wait3A_406 = arith.constant 0 : i32
    %dma_wait3A_407 = arith.constant 0 : i32
    %dma_wait3A_408 = tpu.memref_slice %arg6[%dma_wait3A_406, %dma_wait3A_407] : memref<16384x32xf32, #tpu.memory_space<hbm>> -> memref<32x128xf32, #tpu.memory_space<hbm>>
    tpu.wait_dma2 semaphore(%arg18 : memref<!tpu.dma_semaphore, #tpu.memory_space<semaphore_mem>>) src(%dma_wait3A_408 : memref<32x128xf32, #tpu.memory_space<hbm>>) dst(%dma_wait3A_405 : memref<32x128xf32, #tpu.memory_space<vmem>>)
    %dma_wait3A_409 = arith.constant 6 : i32
    %dma_wait3A_410 = arith.constant 0 : i32
    %dma_wait3A_411 = arith.constant 0 : i32
    %dma_wait3A_412 = tpu.memref_slice %arg10[%dma_wait3A_409, %dma_wait3A_410, %dma_wait3A_411] : memref<8x32x128xf32, #tpu.memory_space<vmem>> -> memref<1x32x128xf32, #tpu.memory_space<vmem>>
    %dma_wait3A_413 = tpu.memref_squeeze %dma_wait3A_412 : memref<1x32x128xf32, #tpu.memory_space<vmem>> -> memref<32x128xf32, #tpu.memory_space<vmem>>
    %dma_wait3A_414 = arith.constant 0 : i32
    %dma_wait3A_415 = arith.constant 0 : i32
    %dma_wait3A_416 = tpu.memref_slice %arg6[%dma_wait3A_414, %dma_wait3A_415] : memref<16384x32xf32, #tpu.memory_space<hbm>> -> memref<32x128xf32, #tpu.memory_space<hbm>>
    %dma_wait3A_417 = arith.constant 0 : i32
    %dma_wait3A_418 = arith.constant 0 : i32
    %dma_wait3A_419 = tpu.memref_slice %arg10[%dma_wait3A_409, %dma_wait3A_417, %dma_wait3A_418] : memref<8x32x128xf32, #tpu.memory_space<vmem>> -> memref<1x32x128xf32, #tpu.memory_space<vmem>>
    %dma_wait3A_420 = tpu.memref_squeeze %dma_wait3A_419 : memref<1x32x128xf32, #tpu.memory_space<vmem>> -> memref<32x128xf32, #tpu.memory_space<vmem>>
    %dma_wait3A_421 = arith.constant 0 : i32
    %dma_wait3A_422 = arith.constant 0 : i32
    %dma_wait3A_423 = tpu.memref_slice %arg6[%dma_wait3A_421, %dma_wait3A_422] : memref<16384x32xf32, #tpu.memory_space<hbm>> -> memref<32x128xf32, #tpu.memory_space<hbm>>
    tpu.wait_dma2 semaphore(%arg26 : memref<!tpu.dma_semaphore, #tpu.memory_space<semaphore_mem>>) src(%dma_wait3A_423 : memref<32x128xf32, #tpu.memory_space<hbm>>) dst(%dma_wait3A_420 : memref<32x128xf32, #tpu.memory_space<vmem>>)
    %broadcast_in_dim3A_424 = arith.constant 6 : i32
    %broadcast_in_dim3A_425 = vector.broadcast %broadcast_in_dim3A_424 : i32 to vector<16xi32>
    %slice3A_426 = vector.extract_strided_slice %and3A_10 {offsets = [14], sizes = [1], strides = [1]} : vector<16xi32> to vector<1xi32>
    %squeeze3A_427 = vector.extract %slice3A_426[0] : i32 from vector<1xi32>
    %broadcast_in_dim3A_428 = vector.broadcast %squeeze3A_427 : i32 to vector<16xi32>
    %slice3A_429 = vector.extract_strided_slice %and3A_15 {offsets = [14], sizes = [1], strides = [1]} : vector<16xi32> to vector<1xi32>
    %squeeze3A_430 = vector.extract %slice3A_429[0] : i32 from vector<1xi32>
    %broadcast_in_dim3A_431 = vector.broadcast %squeeze3A_430 : i32 to vector<16xi32>
    %add3A_432 = arith.constant 0 : i32
    %add3A_433 = vector.broadcast %add3A_432 : i32 to vector<16xi32>
    %add3A_434 = arith.addi %iota3A, %add3A_433 : vector<16xi32>
    %gather3A_435 = tpu.vector_load_idx %arg9[%broadcast_in_dim3A_425, %add3A_434, %broadcast_in_dim3A_428] : memref<8x32x128xf32, #tpu.memory_space<vmem>>[vector<16xi32>, vector<16xi32>, vector<16xi32>], vector<16xf32>,
    %add3A_436 = arith.constant 0 : i32
    %add3A_437 = vector.broadcast %add3A_436 : i32 to vector<16xi32>
    %add3A_438 = arith.addi %iota3A, %add3A_437 : vector<16xi32>
    %gather3A_439 = tpu.vector_load_idx %arg10[%broadcast_in_dim3A_425, %add3A_438, %broadcast_in_dim3A_431] : memref<8x32x128xf32, #tpu.memory_space<vmem>>[vector<16xi32>, vector<16xi32>, vector<16xi32>], vector<16xf32>,
    %mul3A_440 = arith.mulf %gather3A_435, %gather3A_439 : vector<16xf32>
    %swap3A_441 = arith.constant 254 : i32
    %swap3A_442 = arith.index_cast %swap3A_441 : i32 to index
    %swap3A_443 = arith.constant 0 : index
    %swap3A_444 = tpu.vector_load %arg11[%swap3A_442, %swap3A_443] {strides = array<i32>} : memref<256x32xf32, #tpu.memory_space<vmem>>, vector<16xf32>,
    tpu.vector_store %arg11[%swap3A_442, %swap3A_443], %mul3A_440 {strides = array<i32>} : memref<256x32xf32, #tpu.memory_space<vmem>>, vector<16xf32>,
    %add3A_445 = arith.constant 16 : i32
    %add3A_446 = vector.broadcast %add3A_445 : i32 to vector<16xi32>
    %add3A_447 = arith.addi %iota3A, %add3A_446 : vector<16xi32>
    %gather3A_448 = tpu.vector_load_idx %arg9[%broadcast_in_dim3A_425, %add3A_447, %broadcast_in_dim3A_428] : memref<8x32x128xf32, #tpu.memory_space<vmem>>[vector<16xi32>, vector<16xi32>, vector<16xi32>], vector<16xf32>,
    %add3A_449 = arith.constant 16 : i32
    %add3A_450 = vector.broadcast %add3A_449 : i32 to vector<16xi32>
    %add3A_451 = arith.addi %iota3A, %add3A_450 : vector<16xi32>
    %gather3A_452 = tpu.vector_load_idx %arg10[%broadcast_in_dim3A_425, %add3A_451, %broadcast_in_dim3A_431] : memref<8x32x128xf32, #tpu.memory_space<vmem>>[vector<16xi32>, vector<16xi32>, vector<16xi32>], vector<16xf32>,
    %mul3A_453 = arith.mulf %gather3A_448, %gather3A_452 : vector<16xf32>
    %swap3A_454 = arith.constant 254 : i32
    %swap3A_455 = arith.index_cast %swap3A_454 : i32 to index
    %swap3A_456 = arith.constant 16 : index
    %swap3A_457 = tpu.vector_load %arg11[%swap3A_455, %swap3A_456] {strides = array<i32>} : memref<256x32xf32, #tpu.memory_space<vmem>>, vector<16xf32>,
    tpu.vector_store %arg11[%swap3A_455, %swap3A_456], %mul3A_453 {strides = array<i32>} : memref<256x32xf32, #tpu.memory_space<vmem>>, vector<16xf32>,
    %dma_wait3A_458 = arith.constant 7 : i32
    %dma_wait3A_459 = arith.constant 0 : i32
    %dma_wait3A_460 = arith.constant 0 : i32
    %dma_wait3A_461 = tpu.memref_slice %arg9[%dma_wait3A_458, %dma_wait3A_459, %dma_wait3A_460] : memref<8x32x128xf32, #tpu.memory_space<vmem>> -> memref<1x32x128xf32, #tpu.memory_space<vmem>>
    %dma_wait3A_462 = tpu.memref_squeeze %dma_wait3A_461 : memref<1x32x128xf32, #tpu.memory_space<vmem>> -> memref<32x128xf32, #tpu.memory_space<vmem>>
    %dma_wait3A_463 = arith.constant 0 : i32
    %dma_wait3A_464 = arith.constant 0 : i32
    %dma_wait3A_465 = tpu.memref_slice %arg6[%dma_wait3A_463, %dma_wait3A_464] : memref<16384x32xf32, #tpu.memory_space<hbm>> -> memref<32x128xf32, #tpu.memory_space<hbm>>
    %dma_wait3A_466 = arith.constant 0 : i32
    %dma_wait3A_467 = arith.constant 0 : i32
    %dma_wait3A_468 = tpu.memref_slice %arg9[%dma_wait3A_458, %dma_wait3A_466, %dma_wait3A_467] : memref<8x32x128xf32, #tpu.memory_space<vmem>> -> memref<1x32x128xf32, #tpu.memory_space<vmem>>
    %dma_wait3A_469 = tpu.memref_squeeze %dma_wait3A_468 : memref<1x32x128xf32, #tpu.memory_space<vmem>> -> memref<32x128xf32, #tpu.memory_space<vmem>>
    %dma_wait3A_470 = arith.constant 0 : i32
    %dma_wait3A_471 = arith.constant 0 : i32
    %dma_wait3A_472 = tpu.memref_slice %arg6[%dma_wait3A_470, %dma_wait3A_471] : memref<16384x32xf32, #tpu.memory_space<hbm>> -> memref<32x128xf32, #tpu.memory_space<hbm>>
    tpu.wait_dma2 semaphore(%arg19 : memref<!tpu.dma_semaphore, #tpu.memory_space<semaphore_mem>>) src(%dma_wait3A_472 : memref<32x128xf32, #tpu.memory_space<hbm>>) dst(%dma_wait3A_469 : memref<32x128xf32, #tpu.memory_space<vmem>>)
    %dma_wait3A_473 = arith.constant 7 : i32
    %dma_wait3A_474 = arith.constant 0 : i32
    %dma_wait3A_475 = arith.constant 0 : i32
    %dma_wait3A_476 = tpu.memref_slice %arg10[%dma_wait3A_473, %dma_wait3A_474, %dma_wait3A_475] : memref<8x32x128xf32, #tpu.memory_space<vmem>> -> memref<1x32x128xf32, #tpu.memory_space<vmem>>
    %dma_wait3A_477 = tpu.memref_squeeze %dma_wait3A_476 : memref<1x32x128xf32, #tpu.memory_space<vmem>> -> memref<32x128xf32, #tpu.memory_space<vmem>>
    %dma_wait3A_478 = arith.constant 0 : i32
    %dma_wait3A_479 = arith.constant 0 : i32
    %dma_wait3A_480 = tpu.memref_slice %arg6[%dma_wait3A_478, %dma_wait3A_479] : memref<16384x32xf32, #tpu.memory_space<hbm>> -> memref<32x128xf32, #tpu.memory_space<hbm>>
    %dma_wait3A_481 = arith.constant 0 : i32
    %dma_wait3A_482 = arith.constant 0 : i32
    %dma_wait3A_483 = tpu.memref_slice %arg10[%dma_wait3A_473, %dma_wait3A_481, %dma_wait3A_482] : memref<8x32x128xf32, #tpu.memory_space<vmem>> -> memref<1x32x128xf32, #tpu.memory_space<vmem>>
    %dma_wait3A_484 = tpu.memref_squeeze %dma_wait3A_483 : memref<1x32x128xf32, #tpu.memory_space<vmem>> -> memref<32x128xf32, #tpu.memory_space<vmem>>
    %dma_wait3A_485 = arith.constant 0 : i32
    %dma_wait3A_486 = arith.constant 0 : i32
    %dma_wait3A_487 = tpu.memref_slice %arg6[%dma_wait3A_485, %dma_wait3A_486] : memref<16384x32xf32, #tpu.memory_space<hbm>> -> memref<32x128xf32, #tpu.memory_space<hbm>>
    tpu.wait_dma2 semaphore(%arg27 : memref<!tpu.dma_semaphore, #tpu.memory_space<semaphore_mem>>) src(%dma_wait3A_487 : memref<32x128xf32, #tpu.memory_space<hbm>>) dst(%dma_wait3A_484 : memref<32x128xf32, #tpu.memory_space<vmem>>)
    %broadcast_in_dim3A_488 = arith.constant 7 : i32
    %broadcast_in_dim3A_489 = vector.broadcast %broadcast_in_dim3A_488 : i32 to vector<16xi32>
    %slice3A_490 = vector.extract_strided_slice %and3A_10 {offsets = [15], sizes = [1], strides = [1]} : vector<16xi32> to vector<1xi32>
    %squeeze3A_491 = vector.extract %slice3A_490[0] : i32 from vector<1xi32>
    %broadcast_in_dim3A_492 = vector.broadcast %squeeze3A_491 : i32 to vector<16xi32>
    %slice3A_493 = vector.extract_strided_slice %and3A_15 {offsets = [15], sizes = [1], strides = [1]} : vector<16xi32> to vector<1xi32>
    %squeeze3A_494 = vector.extract %slice3A_493[0] : i32 from vector<1xi32>
    %broadcast_in_dim3A_495 = vector.broadcast %squeeze3A_494 : i32 to vector<16xi32>
    %add3A_496 = arith.constant 0 : i32
    %add3A_497 = vector.broadcast %add3A_496 : i32 to vector<16xi32>
    %add3A_498 = arith.addi %iota3A, %add3A_497 : vector<16xi32>
    %gather3A_499 = tpu.vector_load_idx %arg9[%broadcast_in_dim3A_489, %add3A_498, %broadcast_in_dim3A_492] : memref<8x32x128xf32, #tpu.memory_space<vmem>>[vector<16xi32>, vector<16xi32>, vector<16xi32>], vector<16xf32>,
    %add3A_500 = arith.constant 0 : i32
    %add3A_501 = vector.broadcast %add3A_500 : i32 to vector<16xi32>
    %add3A_502 = arith.addi %iota3A, %add3A_501 : vector<16xi32>
    %gather3A_503 = tpu.vector_load_idx %arg10[%broadcast_in_dim3A_489, %add3A_502, %broadcast_in_dim3A_495] : memref<8x32x128xf32, #tpu.memory_space<vmem>>[vector<16xi32>, vector<16xi32>, vector<16xi32>], vector<16xf32>,
    %mul3A_504 = arith.mulf %gather3A_499, %gather3A_503 : vector<16xf32>
    %swap3A_505 = arith.constant 255 : i32
    %swap3A_506 = arith.index_cast %swap3A_505 : i32 to index
    %swap3A_507 = arith.constant 0 : index
    %swap3A_508 = tpu.vector_load %arg11[%swap3A_506, %swap3A_507] {strides = array<i32>} : memref<256x32xf32, #tpu.memory_space<vmem>>, vector<16xf32>,
    tpu.vector_store %arg11[%swap3A_506, %swap3A_507], %mul3A_504 {strides = array<i32>} : memref<256x32xf32, #tpu.memory_space<vmem>>, vector<16xf32>,
    %add3A_509 = arith.constant 16 : i32
    %add3A_510 = vector.broadcast %add3A_509 : i32 to vector<16xi32>
    %add3A_511 = arith.addi %iota3A, %add3A_510 : vector<16xi32>
    %gather3A_512 = tpu.vector_load_idx %arg9[%broadcast_in_dim3A_489, %add3A_511, %broadcast_in_dim3A_492] : memref<8x32x128xf32, #tpu.memory_space<vmem>>[vector<16xi32>, vector<16xi32>, vector<16xi32>], vector<16xf32>,
    %add3A_513 = arith.constant 16 : i32
    %add3A_514 = vector.broadcast %add3A_513 : i32 to vector<16xi32>
    %add3A_515 = arith.addi %iota3A, %add3A_514 : vector<16xi32>
    %gather3A_516 = tpu.vector_load_idx %arg10[%broadcast_in_dim3A_489, %add3A_515, %broadcast_in_dim3A_495] : memref<8x32x128xf32, #tpu.memory_space<vmem>>[vector<16xi32>, vector<16xi32>, vector<16xi32>], vector<16xf32>,
    %mul3A_517 = arith.mulf %gather3A_512, %gather3A_516 : vector<16xf32>
    %swap3A_518 = arith.constant 255 : i32
    %swap3A_519 = arith.index_cast %swap3A_518 : i32 to index
    %swap3A_520 = arith.constant 16 : index
    %swap3A_521 = tpu.vector_load %arg11[%swap3A_519, %swap3A_520] {strides = array<i32>} : memref<256x32xf32, #tpu.memory_space<vmem>>, vector<16xf32>,
    tpu.vector_store %arg11[%swap3A_519, %swap3A_520], %mul3A_517 {strides = array<i32>} : memref<256x32xf32, #tpu.memory_space<vmem>>, vector<16xf32>,
    %add3A_522 = arith.constant 256 : i32
    %add3A_523 = arith.addi %mul3A_2, %add3A_522 : i32
    "tpu.region"() ({
      %run_scoped3A = tpu.sem_alloc : memref<!tpu.dma_semaphore, #tpu.memory_space<semaphore_mem>>
      %dma_start3A = arith.constant 0 : i32
      %dma_start3A_524 = tpu.memref_slice %arg6[%add3A_523, %dma_start3A] : memref<16384x32xf32, #tpu.memory_space<hbm>> -> memref<256x32xf32, #tpu.memory_space<hbm>>
      %dma_start3A_525 = arith.constant 0 : i32
      %dma_start3A_526 = tpu.memref_slice %arg6[%add3A_523, %dma_start3A_525] : memref<16384x32xf32, #tpu.memory_space<hbm>> -> memref<256x32xf32, #tpu.memory_space<hbm>>
      tpu.enqueue_dma source(%arg11 : memref<256x32xf32, #tpu.memory_space<vmem>>) target(%dma_start3A_526 : memref<256x32xf32, #tpu.memory_space<hbm>>) target_semaphore(%run_scoped3A : memref<!tpu.dma_semaphore, #tpu.memory_space<semaphore_mem>>)
      %dma_wait3A_527 = arith.constant 0 : i32
      %dma_wait3A_528 = tpu.memref_slice %arg6[%add3A_523, %dma_wait3A_527] : memref<16384x32xf32, #tpu.memory_space<hbm>> -> memref<256x32xf32, #tpu.memory_space<hbm>>
      %dma_wait3A_529 = arith.constant 0 : i32
      %dma_wait3A_530 = tpu.memref_slice %arg6[%add3A_523, %dma_wait3A_529] : memref<16384x32xf32, #tpu.memory_space<hbm>> -> memref<256x32xf32, #tpu.memory_space<hbm>>
      tpu.wait_dma2 semaphore(%run_scoped3A : memref<!tpu.dma_semaphore, #tpu.memory_space<semaphore_mem>>) src(%arg11 : memref<256x32xf32, #tpu.memory_space<vmem>>) dst(%dma_wait3A_530 : memref<256x32xf32, #tpu.memory_space<hbm>>)
      tpu.yield
    }) : () -> ()
    return
  }
}

</mosaic_0001>

<sc_bundles>
// kernel: kernel.3.cloned.1.call-start
scs
__scs_entry_jumppad:
0x0: {  	(pc) =	sbr.rel $0x88, $3  }
0x1: {  	(tag) =	ssettag $0x0;
	lr =	simm.s32 $0x1  }
0x2: {  	[smem:$0x3F9D] =	sst lr;
	_ =	strace $0xD0000000  }
0x3: {  	_ = 	snop  }
0x4: {  	_ = 	snop  }
0x5: {  	_ = 	snop  }
0x6: {  	_ = 	snop  }
0x7: {  	_ = 	snop  }
__scs_overlays_trampoline_lowered:
0x8: {  	[smem:$0x3FAC] =	sst s0  }
0x9: {  	[smem:$0x3FAD] =	sst s1  }
0xa: {  	[smem:$0x3FAE] =	sst s2  }
0xb: {  	[smem:$0x3FAF] =	sst s3  }
0xc: {  	[smem:$0x3FB0] =	sst s4  }
0xd: {  	[smem:$0x3FB1] =	sst s5  }
0xe: {  	[smem:$0x3FB2] =	sst s6  }
0xf: {  	[smem:$0x3FB3] =	sst s7  }
0x10: {  	[smem:$0x3FB4] =	sst s8  }
0x11: {  	[smem:$0x3FB5] =	sst s9;
	s0 =	simm.s32 @!p0 $0x0  }
0x12: {  	s1 =	sld [smem:$0x3F9B];
	s0 =	simm.s32 @p0 $0x1  }
0x13: {  	[smem:$0x3FB6] =	sst s0;
	s0 =	simm.s32 @!p1 $0x0  }
0x14: {  	s2 =	sld [smem:$0x3F9A];
	s0 =	simm.s32 @p1 $0x1  }
0x15: {  	[smem:$0x3FB7] =	sst s0;
	s0 =	simm.s32 @!p2 $0x0  }
0x16: {  	s3 =	sld [smem:$0x3FDB];
	s0 =	simm.s32 @p2 $0x1  }
0x17: {  	s4 =	simm.s32 $0x1BF5;
	[smem:$0x3FB9] =	sst s0  }
0x18: {  	s0 =	sld [smem:$0x3F9C];
	_ =	swait.ge [sflag:s4], $0x0  }
0x19: {  	s7 =	sld [smem:$0x3F9D]  }
0x1a: {  	s8 =	sadd.s32 $0xFFFFE003, lr  }
0x1b: {  	s9 =	sadd.s32 $0xFFFFFEF7, lr;
	s5 =	simm.s32 $0xFFFFFFFF;
	p2 =	slt.u32 s8, $0xFFFFF086  }
0x1c: {  	p1 =	slt.u32 s9, $0xF7A;
	s5 =	simm.s32 @!p2 $0x0  }
0x1d: {  	s5 =	simm.s32 @p1 $0x1;
	p0 =	seq.s32 s7, s2  }
0x1e: {  	s7 =	smul.u32 @!p0 $0xF7A, s2;
	p2 =	seq.s32 @!p0 s5, $0x0  }
0x1f: {  	s9 =	smul.u32 $0xF7A, s1;
	s8 =	simm.s32 @!p0 $0x1BF5;
	p2 =	por !p2, p0  }
0x20: {  	[sflag:s8] =	ssyncset.s32 @!p0 $0xFFFFF086;
	s6 =	sadd.s32 @!p0 s3, s7;
	s7 =	simm.s32 @!p0 $0x108  }
0x21: {  	s3 =	sadd.s32 s3, s9;
	s6 =	sadd.s32 @!p0 $0x88, s6;
	s7 =	simm.s32 @p2 $0x1082  }
0x22: {  	[simem:s7], [sflag:s8] =	dma.local @!p0 [hbm:s6], $0xF7A  }
0x23: {  	s9 =	sor.u32 $0xD0000000, s2;
	s6 =	simm.s32 $0x108;
	_ =	swait.ge @!p0 [sflag:s8], $0x0  }
0x24: {  	s3 =	sadd.s32 $0x88, s3;
	s6 =	simm.s32 @!p1 $0x1082;
	[sflag:s4] =	ssyncset.s32 $0xFFFFF086  }
0x25: {  	[simem:s6], [sflag:s4] =	dma.local [hbm:s3], $0xF7A  }
0x26: {  	[smem:$0x3F9D] =	sst s1;
	(tag) =	ssettag s2;
	_ =	strace s9  }
0x27: {  	s1 =	sld [smem:$0x3FAD]  }
0x28: {  	s2 =	sld [smem:$0x3FAE]  }
0x29: {  	s4 =	sld [smem:$0x3FB0]  }
0x2a: {  	p0 =	seq.s32 s5, $0x0;
	s5 =	sld [smem:$0x3FB1]  }
0x2b: {  	s6 =	sld [smem:$0x3FB2]  }
0x2c: {  	s7 =	sld [smem:$0x3FB3]  }
0x2d: {  	s3 =	simm.s32 $0x108;
	s8 =	sld [smem:$0x3FB4]  }
0x2e: {  	s3 =	simm.s32 @!p0 $0x1082;
	s9 =	sld [smem:$0x3FB5]  }
0x2f: {  	lr =	sadd.s32 s0, s3;
	s0 =	sld [smem:$0x3FAC]  }
0x30: {  	s3 =	sld [smem:$0x3FAF]  }
0x31: {  	[smem:$0x3FB8] =	sst s10  }
0x32: {  	s10 =	sld [smem:$0x3FB6];
	_ =	sdelay $0x3  }
0x33: {  	p0 =	seq.s32 s10, $0x1;
	s10 =	sld [smem:$0x3FB8];
	_ =	sdelay $0x3  }
0x34: {  	[smem:$0x3FB8] =	sst s10  }
0x35: {  	s10 =	sld [smem:$0x3FB7];
	_ =	sdelay $0x3  }
0x36: {  	p1 =	seq.s32 s10, $0x1;
	s10 =	sld [smem:$0x3FB8];
	_ =	sdelay $0x3  }
0x37: {  	[smem:$0x3FB8] =	sst s10  }
0x38: {  	s10 =	sld [smem:$0x3FB9]  }
0x39: {  	_ = 	snop;
	(pc) =	sbr.ind lr, $3  }
0x3a: {  	_ = 	snop  }
0x3b: {  	_ = 	snop  }
0x3c: {  	p2 =	seq.s32 s10, $0x1;
	s10 =	sld [smem:$0x3FB8]  }
0x3d: {  	_ =	shalt  }
0x3e: {  	_ =	shalt  }
0x3f: {  	_ =	shalt  }
0x40: {  	_ =	shalt  }
0x41: {  	_ =	shalt  }
0x42: {  	_ =	shalt  }
0x43: {  	_ =	shalt  }
0x44: {  	_ =	shalt  }
0x45: {  	_ =	shalt  }
0x46: {  	_ =	shalt  }
0x47: {  	_ =	shalt  }
0x48: {  	_ =	shalt  }
0x49: {  	_ =	shalt  }
0x4a: {  	_ =	shalt  }
0x4b: {  	_ =	shalt  }
0x4c: {  	_ =	shalt  }
0x4d: {  	_ =	shalt  }
0x4e: {  	_ =	shalt  }
0x4f: {  	_ =	shalt  }
0x50: {  	_ =	shalt  }
0x51: {  	_ =	shalt  }
0x52: {  	_ =	shalt  }
0x53: {  	_ =	shalt  }
0x54: {  	_ =	shalt  }
0x55: {  	_ =	shalt  }
0x56: {  	_ =	shalt  }
0x57: {  	_ =	shalt  }
0x58: {  	_ =	shalt  }
0x59: {  	_ =	shalt  }
0x5a: {  	_ =	shalt  }
0x5b: {  	_ =	shalt  }
0x5c: {  	_ =	shalt  }
0x5d: {  	_ =	shalt  }
0x5e: {  	_ =	shalt  }
0x5f: {  	_ =	shalt  }
0x60: {  	_ =	shalt  }
0x61: {  	_ =	shalt  }
0x62: {  	_ =	shalt  }
0x63: {  	_ =	shalt  }
0x64: {  	_ =	shalt  }
0x65: {  	_ =	shalt  }
0x66: {  	_ =	shalt  }
0x67: {  	_ =	shalt  }
0x68: {  	_ =	shalt  }
0x69: {  	_ =	shalt  }
0x6a: {  	_ =	shalt  }
0x6b: {  	_ =	shalt  }
0x6c: {  	_ =	shalt  }
0x6d: {  	_ =	shalt  }
0x6e: {  	_ =	shalt  }
0x6f: {  	_ =	shalt  }
0x70: {  	_ =	shalt  }
0x71: {  	_ =	shalt  }
0x72: {  	_ =	shalt  }
0x73: {  	_ =	shalt  }
0x74: {  	_ =	shalt  }
0x75: {  	_ =	shalt  }
0x76: {  	_ =	shalt  }
0x77: {  	_ =	shalt  }
0x78: {  	_ =	shalt  }
0x79: {  	_ =	shalt  }
0x7a: {  	_ =	shalt  }
0x7b: {  	_ =	shalt  }
0x7c: {  	_ =	shalt  }
0x7d: {  	_ =	shalt  }
0x7e: {  	_ =	shalt  }
0x7f: {  	_ =	shalt  }
0x80: {  	_ =	shalt  }
0x81: {  	_ =	shalt  }
0x82: {  	_ =	shalt  }
0x83: {  	_ =	shalt  }
0x84: {  	_ =	shalt  }
0x85: {  	_ =	shalt  }
0x86: {  	_ =	shalt  }
0x87: {  	_ =	shalt  }
.Lfunc_end0:
.L_simem_size_0:
called_computation_lowered:
.L_overlay_start_0:
0x88: {  	s2 =	sld [smem:$0x3FD9]  }
0x89: {  	s3 =	sld [smem:$0x3FFE];
	_ =	sdelay $0x1  }
0x8a: {  	s1 =	srdreg.scid  }
0x8b: {  	s0 =	sand.u32 $0x1, s1  }
0x8c: {  	s17 =	sshll.u32 s0, $0xA;
	s2 =	sadd.s32 s3, s2  }
0x8d: {  	s2 =	sadd.s32 s2, s17  }
0x8e: {  	[smem:$0x3FC4] =	sst s2  }
0x8f: {  	_ = 	snop  }
0x90: {  	s2 =	sld [smem:$0x3FC9]  }
0x91: {  	s18 =	sld [smem:$0x3FC8]  }
0x92: {  	s4 =	sld [smem:$0x3FC7]  }
0x93: {  	s5 =	sld [smem:$0x3FC6];
	(tm) =	ssettm $0x1  }
0x94: {  	s6 =	sld [smem:$0x3FFB];
	_ =	sdelay $0x3  }
0x95: {  	_ =	strace s6  }
0x96: {  	s6 =	sld [smem:$0x3FFC];
	_ =	sdelay $0x3  }
0x97: {  	_ =	strace s6  }
0x98: {  	s6 =	sld [smem:$0x3FFD];
	_ =	sdelay $0x3  }
0x99: {  	_ =	strace s6  }
0x9a: {  	_ =	strace $0x8FFFFFFF  }
0x9b: {  	s19 =	sld [smem:$0x3FDB];
	_ =	sdelay $0x1  }
0x9c: {  	s7 =	simm.s32 $_scs_section_size  }
0x9d: {  	s8 =	simm.s32 $_size__tile_overlayer_lowered;
	s9 =	simm.s32 $_tile_overlayer_lowered  }
0x9e: {  	s22 =	simm.s32 $0x1BFF;
	s21 =	sshll.u32 s9, $0x1;
	s6 =	sadd.s32 s7, s19  }
0x9f: {  	s10 =	simm.s32 $0x0;
	s20 =	sshll.u32 s8, $0x1;
	s8 =	sadd.s32 s21, s6  }
0xa0: {  	[timem:s10], [sflag:s22] =	dma.local [hbm:s8], s20  }
0xa1: {  	_ =	swait.ge [sflag:s22], s20  }
0xa2: {  	s7 =	ssub.s32 $0x0, s20;
	[sflag:s22] =	ssyncset.done $0x0  }
0xa3: {  	[sflag:s22] =	ssyncadd.s32 s7;
	_ =	sdelay $0x1  }
0xa4: {  	s23 =	simm.s32 $0x1B8B  }
0xa5: {  	_ =	swait.ge [sflag:s23], $0x1  }
0xa6: {  	[sflag:s23] =	ssyncset.done $0x0  }
0xa7: {  	s25 =	simm.s32 $0x1B8E;
	s24 =	sld [smem:$0x3FFE];
	[sflag:s23] =	ssyncadd.s32 $0xFFFFFFFF  }
0xa8: {  	s26 =	simm.s32 $execute0_lowered;
	[smem:$0x3FD2] =	sst s25  }
0xa9: {  	s8 =	sshll.u32 s26, $0x1;
	_ =	strace $0x80000046;
	[dreg:$0x1] =	wrdreg $0xFFFFFFFF  }
0xaa: {  	s28 =	simm.s32 $_size_execute0_lowered;
	s6 =	sadd.s32 s6, s8;
	[dreg:$0x0] =	wrdreg $0x0  }
0xab: {  	s8 =	sshll.u32 s28, $0x1;
	[dreg:$0x2] =	wrdreg s6  }
0xac: {  	[dreg:$0x3] =	wrdreg s8  }
0xad: {  	[dreg:$0x4] =	wrdreg $0xC0  }
0xae: {  	_ =	task [dreg:s10], $0x5FFFF  }
0xaf: {  	[dreg:$0x1] =	wrdreg $0xFFFFFFFF  }
0xb0: {  	[dreg:$0x0] =	wrdreg $0x60  }
0xb1: {  	[dreg:$0x2] =	wrdreg s2  }
0xb2: {  	[dreg:$0x3] =	wrdreg s18  }
0xb3: {  	[dreg:$0x4] =	wrdreg s4  }
0xb4: {  	[dreg:$0x5] =	wrdreg s5  }
0xb5: {  	[dreg:$0x6] =	wrdreg s24  }
0xb6: {  	[dreg:$0x7] =	wrdreg $0x9  }
0xb7: {  	_ =	task.clear_ibuf [dreg:s10], $0x8FFFF;
	_ =	strace $0x90000046  }
0xb8: {  	s29 =	simm.s32 $0x9;
	_ =	strace $0x80000048  }
0xb9: {  	_ =	swait.ge [sflag:s29], $0x1  }
0xba: {  	[sflag:s29] =	ssyncadd.s32 $0xFFFFFFFF  }
0xbb: {  	_ =	strace $0x90000048  }
0xbc: {  	_ =	sfence  }
0xbd: {  	s30 =	sld [smem:$0x0];
	_ =	sdelay $0x2  }
0xbe: {  	s31 =	sshll.u32 s1, $0xD;
	s1 =	sshrl.u32 s1, $0x2  }
0xbf: {  	s3 =	sand.u32 $0x4000, s31;
	s1 =	sadd.s32 s1, s30  }
0xc0: {  	s0 =	sor.u32 s3, s0;
	s1 =	sshll.u32 s1, $0x11  }
0xc1: {  	s0 =	sor.u32 s1, s0  }
0xc2: {  	s0 =	sadd.s32 $0x8F2B, s0  }
0xc3: {  	[sflag:s0] =	ssyncadd.remote.s32 $0x1  }
0xc4: {  	_ =	sfence.sel $0xFFFF  }
0xc5: {  	[dreg:$0x0] =	wrdreg $0xFFFFFFFF;
	(pc) =	sbr.abs _section_cstart, $3  }
0xc6: {  	[dreg:$0x1] =	wrdreg $0xFFFFFFFF  }
0xc7: {  	_ =	task.clear_ibuf [dreg:s10], $0x2FFFF;
	_ =	strace $0x9FFFFFFF  }
0xc8: {  	(tm) =	ssettm $0x7FFFFFFF  }
0xc9: {  	_ =	shalt  }
tec
execute0_lowered:
.L_overlay_start_1:
0x0: {  	(tag) =	ssettag $0x1  }
0x1: {  	s0 =	rddreg [dreg:$0x0]  }
0x2: {  	s2 =	rddreg [dreg:$0x1]  }
0x3: {  	s1 =	rddreg [dreg:$0x2]  }
0x4: {  	s4 =	srdreg.scid;
	s3 =	rddreg [dreg:$0x3]  }
0x5: {  	s6 =	stileid.u32;
	s5 =	rddreg [dreg:$0x4];
	s18 =	simm.s32 $0x0  }
0x6: {  	s20 =	simm.s32 $0x11;
	s11 =	simm.s32 $0x7A1400;
	s12 =	simm.s32 $0x400  }
0x7: {  	s13 =	simm.s32 $0x8400;
	s15 =	simm.s32 $0xF;
	s16 =	simm.s32 $0x8  }
0x8: {  	s17 =	simm.s32 $0x10;
	s8 =	simm.s32 $0xA;
	s4 =	sand.u32 $0x1, s4  }
0x9: {  	s9 =	simm.s32 $0xC;
	s6 =	sshll.u32 s6, $0xA;
	s7 =	sshll.u32 s4, $0x9  }
0xa: {  	v0 =	vlaneseq.u32;
	s14 =	simm.s32 $0xD;
	[smem:$0x7FF] =	sst s18;
	s6 =	sor.u32 s7, s6  }
0xb: {  	v0 =	vmul.u32 $0x80, v0;
	s4 =	ssub.s32 $0x2, s4;
	s7 =	sshll.u32 s6, $0x4;
	s6 =	sshrl.u32 s6, $0x3  }
0xc: {  	_ =	strace $0x80000047;
	s26 =	sshrl.u32 s4, $0x1;
	s0 =	sadd.s32 s0, s6  }
0xd: {  	v1 =	vor.u32 $0x800, v0;
	v2 =	vor.u32 $0x1000, v0;
	v3 =	vor.u32 $0x1800, v0;
	s4 =	ssub.s32 s4, s26;
	s29 =	sadd.s32 s2, s6;
	[dreg:$0x7] =	wrdreg s0  }
0xe: {  	v4 =	vor.u32 $0x2000, v0;
	v5 =	vor.u32 $0x2800, v0;
	v6 =	vor.u32 $0x3000, v0;
	s5 =	sadd.s32 s7, s5;
	s31 =	smax.u32 s4, $0x1;
	[dreg:$0x8] =	wrdreg s29  }
0xf: {  	v7 =	vor.u32 $0x3800, v0;
	v8 =	vor.u32 $0x4000, v0;
	v9 =	vor.u32 $0x4800, v0;
	s6 =	simm.s32 $0x9;
	s28 =	sadd.s32 $0x400, s5;
	[dreg:$0xa] =	wrdreg s31  }
0x10: {  	v10 =	vor.u32 $0x5000, v0;
	v11 =	vor.u32 $0x5800, v0;
	v12 =	vor.u32 $0x6000, v0;
	s7 =	simm.s32 $0x2;
	s30 =	sadd.s32 $0x1400, s5;
	[dreg:$0x6] =	wrdreg s28  }
0x11: {  	v13 =	vor.u32 $0x6800, v0;
	v14 =	vor.u32 $0x7000, v0;
	v15 =	vor.u32 $0x7800, v0;
	s4 =	simm.s32 $0xB;
	s0 =	simm.s32 $0x0;
	[dreg:$0x9] =	wrdreg s30  }
.LBB2_1:
0x12: {  	[dreg:$0xb] =	wrdreg s0  }
0x13: {  	s19 =	rddreg [dreg:$0x7]  }
0x14: {  	[tilespmem:s18], [sflag:$0x11] =	stream.linear.gather [hbm4b:s19+s18], $0x200, $0x38;
	[tilespmem:$0x18400] =	vst v63  }
0x15: {  	_ =	swait.ge [sflag:s20], $0x200  }
0x16: {  	[sflag:s20] =	ssyncset.done $0x0  }
0x17: {  	s21 =	simm.s32 $0x200;
	s31 =	rddreg [dreg:$0x8];
	[sflag:s20] =	ssyncadd.s32 $0xFFFFFE00  }
0x18: {  	[tilespmem:s21], [sflag:$0x11] =	stream.linear.gather [hbm4b:s31+s18], $0x200, $0x38;
	[tilespmem:$0x18400] =	vst v63  }
0x19: {  	_ =	swait.ge [sflag:s20], $0x200  }
0x1a: {  	s19 =	simm.s32 $0x0;
	s18 =	simm.s32 $0xFFFF0000;
	[sflag:s20] =	ssyncset.done $0x0  }
0x1b: {  	s21 =	simm.s32 $0x0;
	[sflag:s20] =	ssyncadd.s32 $0xFFFFFE00;
	s20 =	simm.s32 $0x0  }
.LBB2_2:
0x1c: {  	s24 =	smin.u32 s21, $0x1  }
0x1d: {  	s22 =	sshll.u32 s24, $0x6  }
0x1e: {  	s22 =	ssub.s32 $0x0, s22  }
0x1f: {  	s23 =	sshra.s32 s20, $0x2;
	s22 =	sshra.s32 s22, $0x2  }
0x20: {  	s22 =	sadd.s32 s23, s22  }
0x21: {  	v16 =	vld [tilespmem:s22+$0x0]  }
0x22: {  	v19 =	vld [tilespmem:s22+$0x200];
	_ =	sdelay $0x2  }
0x23: {  	p0 =	seq.s32 s20, $0x0  }
0x24: {  	v21 =	vand.u32 $0x7F, v16;
	v16 =	vlaneseq.u32 @!p0  }
0x25: {  	v17 =	vld [tilespmem:s23+$0x0];
	s22 =	simm.s32 @!p0 $0x1;
	v22 =	vand.u32 $0x7F, v19;
	v23 =	vbroadcast @!p0 v21, $0x8;
	v20 =	vmul.u32 @!p0 $0x80, v16  }
0x26: {  	v18 =	vld [tilespmem:s23+$0x200];
	_ =	swait.ge @!p0 [sflag:s22], $0x1000;
	v24 =	vbroadcast @!p0 v22, $0x8  }
0x27: {  	[sflag:s22] =	ssyncset.done @!p0 $0x0;
	v25 =	vor.u32 @!p0 v20, v23  }
0x28: {  	[sflag:s22] =	ssyncadd.s32 @!p0 $0xFFFFF000;
	s22 =	simm.s32 @!p0 $0x9;
	v26 =	vor.u32 @!p0 v20, v24  }
0x29: {  	_ =	swait.ge @!p0 [sflag:s22], $0x1000  }
0x2a: {  	[sflag:s22] =	ssyncset.done @!p0 $0x0  }
0x2b: {  	v16 =	vand.u32 $0xFFFFFF80, v18;
	[sflag:s22] =	ssyncadd.s32 @!p0 $0xFFFFF000;
	s22 =	simm.s32 @!p0 $0x400  }
0x2c: {  	s23 =	simm.s32 @!p0 $0x8400;
	v32 =	vand.u32 $0xFFFFFF80, v17;
	(v2sf) =	vpush v16, $0x0;
	v25 =	vld.idx.msk @!p0 [tilespmem:v25+s22+$0x0], $0xffff  }
0x2d: {  	(v2sf) =	vpush v32, $0x0;
	v26 =	vld.idx.msk @!p0 [tilespmem:v26+s23+$0x0], $0xffff;
	_ =	sdelay $0x1  }
0x2e: {  	v27 =	vor.u32 @!p0 $0x800, v20  }
0x2f: {  	v23 =	vor.u32 @!p0 v27, v23  }
0x30: {  	s24 =	sshll.u32 s24, $0xB;
	v24 =	vor.u32 @!p0 v27, v24  }
0x31: {  	s24 =	ssub.s32 s19, s24;
	v25 =	vmul.f32 @!p0 v26, v25  }
0x32: {  	s24 =	sand.u32 @!p0 $0x7800, s24  }
0x33: {  	[tilespmem:s24+$0x10800] =	vst @!p0 v25  }
0x34: {  	v23 =	vld.idx.msk @!p0 [tilespmem:v23+s22+$0x0], $0xffff  }
0x35: {  	v24 =	vld.idx.msk @!p0 [tilespmem:v24+s23+$0x0], $0xffff;
	_ =	sdelay $0x4  }
0x36: {  	s25 =	spop (v2sf);
	v23 =	vmul.f32 @!p0 v24, v23  }
0x37: {  	s26 =	spop (v2sf)  }
0x38: {  	s26 =	sadd.s32 s1, s26;
	[tilespmem:s24+$0x10810] =	vst @!p0 v23  }
0x39: {  	[tilespmem:s12], [sflag:$0x1] =	stream.strided.gather [hbm4b:s26+s12], $0x1000, s11, s12, $0x38;
	[tilespmem:$0x18400] =	vst v63  }
0x3a: {  	s25 =	sadd.s32 s3, s25  }
0x3b: {  	[tilespmem:s13], [sflag:$0x9] =	stream.strided.gather [hbm4b:s25+s12], $0x1000, s11, s12, $0x38;
	[tilespmem:$0x18400] =	vst v63  }
0x3c: {  	v23 =	vbroadcast @!p0 v21, $0x9;
	s25 =	simm.s32 @!p0 $0x2  }
0x3d: {  	v25 =	vor.u32 @!p0 $0x1000, v20;
	v24 =	vbroadcast @!p0 v22, $0x9;
	_ =	swait.ge @!p0 [sflag:s25], $0x1000  }
0x3e: {  	v26 =	vor.u32 @!p0 v25, v23;
	[sflag:s25] =	ssyncset.done @!p0 $0x0  }
0x3f: {  	v25 =	vor.u32 @!p0 v25, v24;
	[sflag:s25] =	ssyncadd.s32 @!p0 $0xFFFFF000;
	s25 =	simm.s32 @!p0 $0xA  }
0x40: {  	_ =	swait.ge @!p0 [sflag:s25], $0x1000  }
0x41: {  	[sflag:s25] =	ssyncset.done @!p0 $0x0  }
0x42: {  	[sflag:s25] =	ssyncadd.s32 @!p0 $0xFFFFF000  }
0x43: {  	(v2sf) =	vpush v16, $0x1;
	v26 =	vld.idx.msk @!p0 [tilespmem:v26+s22+$0x0], $0xffff  }
0x44: {  	(v2sf) =	vpush v32, $0x1;
	v25 =	vld.idx.msk @!p0 [tilespmem:v25+s23+$0x0], $0xffff;
	_ =	sdelay $0x1  }
0x45: {  	v27 =	vor.u32 @!p0 $0x1800, v20  }
0x46: {  	v23 =	vor.u32 @!p0 v27, v23  }
0x47: {  	v24 =	vor.u32 @!p0 v27, v24  }
0x48: {  	v25 =	vmul.f32 @!p0 v25, v26;
	_ =	sdelay $0x1  }
0x49: {  	[tilespmem:s24+$0x10880] =	vst @!p0 v25  }
0x4a: {  	v23 =	vld.idx.msk @!p0 [tilespmem:v23+s22+$0x0], $0xffff  }
0x4b: {  	v24 =	vld.idx.msk @!p0 [tilespmem:v24+s23+$0x0], $0xffff;
	_ =	sdelay $0x4  }
0x4c: {  	v23 =	vmul.f32 @!p0 v24, v23;
	s25 =	spop (v2sf)  }
0x4d: {  	s26 =	spop (v2sf)  }
0x4e: {  	s28 =	simm.s32 $0x1400;
	[tilespmem:s24+$0x10890] =	vst @!p0 v23;
	s26 =	sadd.s32 s1, s26  }
0x4f: {  	[tilespmem:s28], [sflag:$0x2] =	stream.strided.gather [hbm4b:s26+s12], $0x1000, s11, s12, $0x38;
	[tilespmem:$0x18400] =	vst v63  }
0x50: {  	s25 =	sadd.s32 s3, s25;
	s28 =	simm.s32 $0x9400  }
0x51: {  	[tilespmem:s28], [sflag:$0xA] =	stream.strided.gather [hbm4b:s25+s12], $0x1000, s11, s12, $0x38;
	[tilespmem:$0x18400] =	vst v63  }
0x52: {  	v23 =	vbroadcast @!p0 v21, $0xA;
	s25 =	simm.s32 @!p0 $0x3  }
0x53: {  	v25 =	vor.u32 @!p0 $0x2000, v20;
	v24 =	vbroadcast @!p0 v22, $0xA;
	_ =	swait.ge @!p0 [sflag:s25], $0x1000  }
0x54: {  	v26 =	vor.u32 @!p0 v25, v23;
	[sflag:s25] =	ssyncset.done @!p0 $0x0  }
0x55: {  	v25 =	vor.u32 @!p0 v25, v24;
	[sflag:s25] =	ssyncadd.s32 @!p0 $0xFFFFF000;
	s25 =	simm.s32 @!p0 $0xB  }
0x56: {  	_ =	swait.ge @!p0 [sflag:s25], $0x1000  }
0x57: {  	[sflag:s25] =	ssyncset.done @!p0 $0x0  }
0x58: {  	[sflag:s25] =	ssyncadd.s32 @!p0 $0xFFFFF000  }
0x59: {  	(v2sf) =	vpush v16, $0x2;
	v26 =	vld.idx.msk @!p0 [tilespmem:v26+s22+$0x0], $0xffff  }
0x5a: {  	(v2sf) =	vpush v32, $0x2;
	v25 =	vld.idx.msk @!p0 [tilespmem:v25+s23+$0x0], $0xffff;
	_ =	sdelay $0x1  }
0x5b: {  	v27 =	vor.u32 @!p0 $0x2800, v20  }
0x5c: {  	v23 =	vor.u32 @!p0 v27, v23  }
0x5d: {  	v24 =	vor.u32 @!p0 v27, v24  }
0x5e: {  	v25 =	vmul.f32 @!p0 v25, v26;
	_ =	sdelay $0x1  }
0x5f: {  	[tilespmem:s24+$0x10900] =	vst @!p0 v25  }
0x60: {  	v23 =	vld.idx.msk @!p0 [tilespmem:v23+s22+$0x0], $0xffff  }
0x61: {  	v24 =	vld.idx.msk @!p0 [tilespmem:v24+s23+$0x0], $0xffff;
	_ =	sdelay $0x4  }
0x62: {  	v23 =	vmul.f32 @!p0 v24, v23;
	s25 =	spop (v2sf)  }
0x63: {  	s26 =	spop (v2sf)  }
0x64: {  	s29 =	simm.s32 $0x2400;
	[tilespmem:s24+$0x10910] =	vst @!p0 v23;
	s26 =	sadd.s32 s1, s26  }
0x65: {  	[tilespmem:s29], [sflag:$0x3] =	stream.strided.gather [hbm4b:s26+s12], $0x1000, s11, s12, $0x38;
	[tilespmem:$0x18400] =	vst v63  }
0x66: {  	s25 =	sadd.s32 s3, s25;
	s29 =	simm.s32 $0xA400  }
0x67: {  	[tilespmem:s29], [sflag:$0xB] =	stream.strided.gather [hbm4b:s25+s12], $0x1000, s11, s12, $0x38;
	[tilespmem:$0x18400] =	vst v63  }
0x68: {  	v23 =	vbroadcast @!p0 v21, $0xB;
	s25 =	simm.s32 @!p0 $0x4  }
0x69: {  	v25 =	vor.u32 @!p0 $0x3000, v20;
	v24 =	vbroadcast @!p0 v22, $0xB;
	_ =	swait.ge @!p0 [sflag:s25], $0x1000  }
0x6a: {  	v26 =	vor.u32 @!p0 v25, v23;
	[sflag:s25] =	ssyncset.done @!p0 $0x0  }
0x6b: {  	v25 =	vor.u32 @!p0 v25, v24;
	[sflag:s25] =	ssyncadd.s32 @!p0 $0xFFFFF000;
	s25 =	simm.s32 @!p0 $0xC  }
0x6c: {  	_ =	swait.ge @!p0 [sflag:s25], $0x1000  }
0x6d: {  	[sflag:s25] =	ssyncset.done @!p0 $0x0  }
0x6e: {  	[sflag:s25] =	ssyncadd.s32 @!p0 $0xFFFFF000  }
0x6f: {  	(v2sf) =	vpush v16, $0x3;
	v26 =	vld.idx.msk @!p0 [tilespmem:v26+s22+$0x0], $0xffff  }
0x70: {  	(v2sf) =	vpush v32, $0x3;
	v25 =	vld.idx.msk @!p0 [tilespmem:v25+s23+$0x0], $0xffff;
	_ =	sdelay $0x1  }
0x71: {  	v27 =	vor.u32 @!p0 $0x3800, v20  }
0x72: {  	v23 =	vor.u32 @!p0 v27, v23  }
0x73: {  	v24 =	vor.u32 @!p0 v27, v24  }
0x74: {  	v25 =	vmul.f32 @!p0 v25, v26;
	_ =	sdelay $0x1  }
0x75: {  	[tilespmem:s24+$0x10980] =	vst @!p0 v25  }
0x76: {  	v23 =	vld.idx.msk @!p0 [tilespmem:v23+s22+$0x0], $0xffff  }
0x77: {  	v24 =	vld.idx.msk @!p0 [tilespmem:v24+s23+$0x0], $0xffff;
	_ =	sdelay $0x4  }
0x78: {  	v23 =	vmul.f32 @!p0 v24, v23;
	s25 =	spop (v2sf)  }
0x79: {  	s26 =	spop (v2sf)  }
0x7a: {  	s30 =	simm.s32 $0x3400;
	[tilespmem:s24+$0x10990] =	vst @!p0 v23;
	s26 =	sadd.s32 s1, s26  }
0x7b: {  	[tilespmem:s30], [sflag:$0x4] =	stream.strided.gather [hbm4b:s26+s12], $0x1000, s11, s12, $0x38;
	[tilespmem:$0x18400] =	vst v63  }
0x7c: {  	s25 =	sadd.s32 s3, s25;
	s30 =	simm.s32 $0xB400  }
0x7d: {  	[tilespmem:s30], [sflag:$0xC] =	stream.strided.gather [hbm4b:s25+s12], $0x1000, s11, s12, $0x38;
	[tilespmem:$0x18400] =	vst v63  }
0x7e: {  	v23 =	vbroadcast @!p0 v21, $0xC;
	s25 =	simm.s32 @!p0 $0x5  }
0x7f: {  	v25 =	vor.u32 @!p0 $0x4000, v20;
	v24 =	vbroadcast @!p0 v22, $0xC;
	_ =	swait.ge @!p0 [sflag:s25], $0x1000  }
0x80: {  	v26 =	vor.u32 @!p0 v25, v23;
	[sflag:s25] =	ssyncset.done @!p0 $0x0  }
0x81: {  	v25 =	vor.u32 @!p0 v25, v24;
	[sflag:s25] =	ssyncadd.s32 @!p0 $0xFFFFF000;
	s25 =	simm.s32 @!p0 $0xD  }
0x82: {  	_ =	swait.ge @!p0 [sflag:s25], $0x1000  }
0x83: {  	[sflag:s25] =	ssyncset.done @!p0 $0x0  }
0x84: {  	[sflag:s25] =	ssyncadd.s32 @!p0 $0xFFFFF000  }
0x85: {  	(v2sf) =	vpush v16, $0x4;
	v26 =	vld.idx.msk @!p0 [tilespmem:v26+s22+$0x0], $0xffff  }
0x86: {  	(v2sf) =	vpush v32, $0x4;
	v25 =	vld.idx.msk @!p0 [tilespmem:v25+s23+$0x0], $0xffff;
	_ =	sdelay $0x1  }
0x87: {  	v27 =	vor.u32 @!p0 $0x4800, v20  }
0x88: {  	v23 =	vor.u32 @!p0 v27, v23  }
0x89: {  	v24 =	vor.u32 @!p0 v27, v24  }
0x8a: {  	v25 =	vmul.f32 @!p0 v25, v26;
	_ =	sdelay $0x1  }
0x8b: {  	[tilespmem:s24+$0x10A00] =	vst @!p0 v25  }
0x8c: {  	v23 =	vld.idx.msk @!p0 [tilespmem:v23+s22+$0x0], $0xffff  }
0x8d: {  	v24 =	vld.idx.msk @!p0 [tilespmem:v24+s23+$0x0], $0xffff;
	_ =	sdelay $0x4  }
0x8e: {  	v23 =	vmul.f32 @!p0 v24, v23;
	s25 =	spop (v2sf)  }
0x8f: {  	s26 =	spop (v2sf)  }
0x90: {  	s31 =	simm.s32 $0x4400;
	[tilespmem:s24+$0x10A10] =	vst @!p0 v23;
	s26 =	sadd.s32 s1, s26  }
0x91: {  	[tilespmem:s31], [sflag:$0x5] =	stream.strided.gather [hbm4b:s26+s12], $0x1000, s11, s12, $0x38;
	[tilespmem:$0x18400] =	vst v63  }
0x92: {  	s25 =	sadd.s32 s3, s25;
	s31 =	simm.s32 $0xC400  }
0x93: {  	[tilespmem:s31], [sflag:$0xD] =	stream.strided.gather [hbm4b:s25+s12], $0x1000, s11, s12, $0x38;
	[tilespmem:$0x18400] =	vst v63  }
0x94: {  	v23 =	vbroadcast @!p0 v21, $0xD;
	s25 =	simm.s32 @!p0 $0x6  }
0x95: {  	v25 =	vor.u32 @!p0 $0x5000, v20;
	v24 =	vbroadcast @!p0 v22, $0xD;
	_ =	swait.ge @!p0 [sflag:s25], $0x1000  }
0x96: {  	v26 =	vor.u32 @!p0 v25, v23;
	[sflag:s25] =	ssyncset.done @!p0 $0x0  }
0x97: {  	v25 =	vor.u32 @!p0 v25, v24;
	[sflag:s25] =	ssyncadd.s32 @!p0 $0xFFFFF000;
	s25 =	simm.s32 @!p0 $0xE  }
0x98: {  	_ =	swait.ge @!p0 [sflag:s25], $0x1000  }
0x99: {  	[sflag:s25] =	ssyncset.done @!p0 $0x0  }
0x9a: {  	[sflag:s25] =	ssyncadd.s32 @!p0 $0xFFFFF000  }
0x9b: {  	(v2sf) =	vpush v16, $0x5;
	v26 =	vld.idx.msk @!p0 [tilespmem:v26+s22+$0x0], $0xffff  }
0x9c: {  	(v2sf) =	vpush v32, $0x5;
	v25 =	vld.idx.msk @!p0 [tilespmem:v25+s23+$0x0], $0xffff;
	_ =	sdelay $0x1  }
0x9d: {  	v27 =	vor.u32 @!p0 $0x5800, v20  }
0x9e: {  	v23 =	vor.u32 @!p0 v27, v23  }
0x9f: {  	v24 =	vor.u32 @!p0 v27, v24  }
0xa0: {  	v25 =	vmul.f32 @!p0 v25, v26;
	_ =	sdelay $0x1  }
0xa1: {  	[tilespmem:s24+$0x10A80] =	vst @!p0 v25  }
0xa2: {  	v23 =	vld.idx.msk @!p0 [tilespmem:v23+s22+$0x0], $0xffff  }
0xa3: {  	v24 =	vld.idx.msk @!p0 [tilespmem:v24+s23+$0x0], $0xffff;
	_ =	sdelay $0x4  }
0xa4: {  	v23 =	vmul.f32 @!p0 v24, v23;
	s25 =	spop (v2sf)  }
0xa5: {  	s26 =	spop (v2sf)  }
0xa6: {  	s2 =	simm.s32 $0x5400;
	[tilespmem:s24+$0x10A90] =	vst @!p0 v23;
	s26 =	sadd.s32 s1, s26  }
0xa7: {  	[tilespmem:s2], [sflag:$0x6] =	stream.strided.gather [hbm4b:s26+s12], $0x1000, s11, s12, $0x38;
	[tilespmem:$0x18400] =	vst v63  }
0xa8: {  	s0 =	simm.s32 $0xD400;
	s25 =	sadd.s32 s3, s25  }
0xa9: {  	[tilespmem:s0], [sflag:$0xE] =	stream.strided.gather [hbm4b:s25+s12], $0x1000, s11, s12, $0x38;
	[tilespmem:$0x18400] =	vst v63  }
0xaa: {  	v23 =	vbroadcast @!p0 v21, $0xE;
	s25 =	simm.s32 @!p0 $0x7  }
0xab: {  	v25 =	vor.u32 @!p0 $0x6000, v20;
	v24 =	vbroadcast @!p0 v22, $0xE;
	_ =	swait.ge @!p0 [sflag:s25], $0x1000  }
0xac: {  	v26 =	vor.u32 @!p0 v25, v23;
	[sflag:s25] =	ssyncset.done @!p0 $0x0  }
0xad: {  	v25 =	vor.u32 @!p0 v25, v24;
	[sflag:s25] =	ssyncadd.s32 @!p0 $0xFFFFF000;
	s25 =	simm.s32 @!p0 $0xF  }
0xae: {  	_ =	swait.ge @!p0 [sflag:s25], $0x1000  }
0xaf: {  	[sflag:s25] =	ssyncset.done @!p0 $0x0  }
0xb0: {  	[sflag:s25] =	ssyncadd.s32 @!p0 $0xFFFFF000  }
0xb1: {  	(v2sf) =	vpush v16, $0x6;
	v26 =	vld.idx.msk @!p0 [tilespmem:v26+s22+$0x0], $0xffff  }
0xb2: {  	(v2sf) =	vpush v32, $0x6;
	v25 =	vld.idx.msk @!p0 [tilespmem:v25+s23+$0x0], $0xffff;
	_ =	sdelay $0x1  }
0xb3: {  	v27 =	vor.u32 @!p0 $0x6800, v20  }
0xb4: {  	v23 =	vor.u32 @!p0 v27, v23  }
0xb5: {  	v24 =	vor.u32 @!p0 v27, v24  }
0xb6: {  	v25 =	vmul.f32 @!p0 v25, v26;
	_ =	sdelay $0x1  }
0xb7: {  	[tilespmem:s24+$0x10B00] =	vst @!p0 v25  }
0xb8: {  	v23 =	vld.idx.msk @!p0 [tilespmem:v23+s22+$0x0], $0xffff  }
0xb9: {  	v24 =	vld.idx.msk @!p0 [tilespmem:v24+s23+$0x0], $0xffff;
	_ =	sdelay $0x4  }
0xba: {  	v23 =	vmul.f32 @!p0 v24, v23;
	s0 =	spop (v2sf)  }
0xbb: {  	s2 =	spop (v2sf)  }
0xbc: {  	s10 =	simm.s32 $0x6400;
	[tilespmem:s24+$0x10B10] =	vst @!p0 v23;
	s26 =	sadd.s32 s1, s2  }
0xbd: {  	[tilespmem:s10], [sflag:$0x7] =	stream.strided.gather [hbm4b:s26+s12], $0x1000, s11, s12, $0x38;
	[tilespmem:$0x18400] =	vst v63  }
0xbe: {  	s25 =	sadd.s32 s3, s0;
	s10 =	simm.s32 $0xE400  }
0xbf: {  	[tilespmem:s10], [sflag:$0xF] =	stream.strided.gather [hbm4b:s25+s12], $0x1000, s11, s12, $0x38;
	[tilespmem:$0x18400] =	vst v63  }
0xc0: {  	v21 =	vbroadcast @!p0 v21, $0xF;
	s25 =	simm.s32 @!p0 $0x8  }
0xc1: {  	v22 =	vbroadcast @!p0 v22, $0xF;
	v23 =	vor.u32 @!p0 $0x7000, v20;
	_ =	swait.ge @!p0 [sflag:s25], $0x1000  }
0xc2: {  	v24 =	vor.u32 @!p0 v23, v21;
	[sflag:s25] =	ssyncset.done @!p0 $0x0  }
0xc3: {  	v23 =	vor.u32 @!p0 v23, v22;
	[sflag:s25] =	ssyncadd.s32 @!p0 $0xFFFFF000;
	s25 =	simm.s32 @!p0 $0x10  }
0xc4: {  	_ =	swait.ge @!p0 [sflag:s25], $0x1000  }
0xc5: {  	[sflag:s25] =	ssyncset.done @!p0 $0x0  }
0xc6: {  	[sflag:s25] =	ssyncadd.s32 @!p0 $0xFFFFF000  }
0xc7: {  	(v2sf) =	vpush v16, $0x7;
	v24 =	vld.idx.msk @!p0 [tilespmem:v24+s22+$0x0], $0xffff  }
0xc8: {  	(v2sf) =	vpush v32, $0x7;
	v23 =	vld.idx.msk @!p0 [tilespmem:v23+s23+$0x0], $0xffff;
	_ =	sdelay $0x1  }
0xc9: {  	v20 =	vor.u32 @!p0 $0x7800, v20  }
0xca: {  	v21 =	vor.u32 @!p0 v20, v21  }
0xcb: {  	v20 =	vor.u32 @!p0 v20, v22  }
0xcc: {  	v22 =	vmul.f32 @!p0 v23, v24;
	_ =	sdelay $0x1  }
0xcd: {  	[tilespmem:s24+$0x10B80] =	vst @!p0 v22  }
0xce: {  	v21 =	vld.idx.msk @!p0 [tilespmem:v21+s22+$0x0], $0xffff  }
0xcf: {  	v20 =	vld.idx.msk @!p0 [tilespmem:v20+s23+$0x0], $0xffff;
	_ =	sdelay $0x4  }
0xd0: {  	v20 =	vmul.f32 @!p0 v20, v21;
	s0 =	spop (v2sf)  }
0xd1: {  	s2 =	spop (v2sf)  }
0xd2: {  	s25 =	simm.s32 $0x7400;
	[tilespmem:s24+$0x10B90] =	vst @!p0 v20;
	s23 =	sadd.s32 s1, s2  }
0xd3: {  	[tilespmem:s25], [sflag:$0x8] =	stream.strided.gather [hbm4b:s23+s12], $0x1000, s11, s12, $0x38;
	[tilespmem:$0x18400] =	vst v63  }
0xd4: {  	s5 =	simm.s32 $0xF400;
	s22 =	sadd.s32 s3, s0;
	p0 =	sne.s32 s20, $0x400  }
0xd5: {  	[tilespmem:s5], [sflag:$0x10] =	stream.strided.gather [hbm4b:s22+s12], $0x1000, s11, s12, $0x38;
	[tilespmem:$0x18400] =	vst v63  }
0xd6: {  	s23 =	simm.s32 @!p0 $0x0;
	s24 =	simm.s32 @!p0 $0x10400;
	s22 =	rddreg [dreg:$0x6]  }
0xd7: {  	[hbm4b:s22+s23] =	stream.linear.scatter @!p0 [tilespmem:s24], [sflag:$0x11], $0x8000, $0x38;
	[tilespmem:$0x18400] =	vst v63  }
0xd8: {  	s22 =	simm.s32 @!p0 $0x11  }
0xd9: {  	_ =	swait.ge @!p0 [sflag:s22], $0x8000  }
0xda: {  	v17 =	vand.u32 $0x7F, v17;
	[sflag:s22] =	ssyncset.done @!p0 $0x0  }
0xdb: {  	v33 =	vbroadcast v17, $0x0;
	v18 =	vand.u32 $0x7F, v18;
	s5 =	simm.s32 $0x1;
	[sflag:s22] =	ssyncadd.s32 @!p0 $0xFFFF8000  }
0xdc: {  	v34 =	vbroadcast v18, $0x0;
	_ =	swait.ge [sflag:s5], $0x1000  }
0xdd: {  	v35 =	vor.u32 v0, v33;
	[sflag:s5] =	ssyncset.done $0x0  }
0xde: {  	v36 =	vor.u32 v0, v34;
	[sflag:s5] =	ssyncadd.s32 $0xFFFFF000  }
0xdf: {  	_ =	swait.ge [sflag:s6], $0x1000  }
0xe0: {  	[sflag:s6] =	ssyncset.done $0x0  }
0xe1: {  	[sflag:s6] =	ssyncadd.s32 $0xFFFFF000  }
0xe2: {  	v22 =	vld.idx.msk [tilespmem:v35+s12+$0x0], $0xffff  }
0xe3: {  	v19 =	vadd.s32 s1, v32;
	v23 =	vld.idx.msk [tilespmem:v36+s13+$0x0], $0xffff  }
0xe4: {  	(v2sf) =	vpush v19, $0x8  }
0xe5: {  	v16 =	vadd.s32 s3, v16  }
0xe6: {  	v20 =	vor.u32 v1, v33;
	(v2sf) =	vpush v16, $0x8  }
0xe7: {  	v21 =	vor.u32 v1, v34  }
0xe8: {  	s0 =	sadd.s32 $0x10000, s18;
	v22 =	vmul.f32 v23, v22  }
0xe9: {  	s22 =	sand.u32 $0x7800, s0  }
0xea: {  	[tilespmem:s22+$0x10400] =	vst v22  }
0xeb: {  	v20 =	vld.idx.msk [tilespmem:v20+s12+$0x0], $0xffff  }
0xec: {  	v21 =	vld.idx.msk [tilespmem:v21+s13+$0x0], $0xffff;
	_ =	sdelay $0x4  }
0xed: {  	v20 =	vmul.f32 v21, v20;
	_ =	sdelay $0x1  }
0xee: {  	s2 =	spop (v2sf);
	[tilespmem:s22+$0x10410] =	vst v20  }
0xef: {  	[tilespmem:s12], [sflag:$0x1] =	stream.strided.gather [hbm4b:s2+s12], $0x1000, s11, s12, $0x38;
	[tilespmem:$0x18400] =	vst v63  }
0xf0: {  	s0 =	spop (v2sf)  }
0xf1: {  	v37 =	vbroadcast v17, $0x1;
	[tilespmem:s13], [sflag:$0x9] =	stream.strided.gather [hbm4b:s0+s12], $0x1000, s11, s12, $0x38;
	[tilespmem:$0x18400] =	vst v63  }
0xf2: {  	v38 =	vbroadcast v18, $0x1;
	_ =	swait.ge [sflag:s7], $0x1000  }
0xf3: {  	v39 =	vor.u32 v2, v37;
	[sflag:s7] =	ssyncset.done $0x0  }
0xf4: {  	v40 =	vor.u32 v2, v38;
	[sflag:s7] =	ssyncadd.s32 $0xFFFFF000  }
0xf5: {  	_ =	swait.ge [sflag:s8], $0x1000  }
0xf6: {  	[sflag:s8] =	ssyncset.done $0x0  }
0xf7: {  	[sflag:s8] =	ssyncadd.s32 $0xFFFFF000  }
0xf8: {  	v22 =	vld.idx.msk [tilespmem:v39+s12+$0x0], $0xffff  }
0xf9: {  	v23 =	vld.idx.msk [tilespmem:v40+s13+$0x0], $0xffff  }
0xfa: {  	(v2sf) =	vpush v19, $0x9;
	_ =	sdelay $0x1  }
0xfb: {  	v20 =	vor.u32 v3, v37;
	(v2sf) =	vpush v16, $0x9  }
0xfc: {  	v21 =	vor.u32 v3, v38  }
0xfd: {  	v22 =	vmul.f32 v23, v22;
	_ =	sdelay $0x1  }
0xfe: {  	[tilespmem:s22+$0x10480] =	vst v22  }
0xff: {  	v20 =	vld.idx.msk [tilespmem:v20+s12+$0x0], $0xffff  }
0x100: {  	v21 =	vld.idx.msk [tilespmem:v21+s13+$0x0], $0xffff;
	_ =	sdelay $0x4  }
0x101: {  	v20 =	vmul.f32 v21, v20;
	_ =	sdelay $0x1  }
0x102: {  	s24 =	simm.s32 $0x1400;
	s2 =	spop (v2sf);
	[tilespmem:s22+$0x10490] =	vst v20  }
0x103: {  	[tilespmem:s24], [sflag:$0x2] =	stream.strided.gather [hbm4b:s2+s12], $0x1000, s11, s12, $0x38;
	[tilespmem:$0x18400] =	vst v63  }
0x104: {  	s0 =	spop (v2sf)  }
0x105: {  	[tilespmem:s28], [sflag:$0xA] =	stream.strided.gather [hbm4b:s0+s12], $0x1000, s11, s12, $0x38;
	[tilespmem:$0x18400] =	vst v63  }
0x106: {  	v41 =	vbroadcast v17, $0x2;
	s28 =	simm.s32 $0x3  }
0x107: {  	v42 =	vbroadcast v18, $0x2;
	_ =	swait.ge [sflag:s28], $0x1000  }
0x108: {  	v43 =	vor.u32 v4, v41;
	[sflag:s28] =	ssyncset.done $0x0  }
0x109: {  	v44 =	vor.u32 v4, v42;
	[sflag:s28] =	ssyncadd.s32 $0xFFFFF000  }
0x10a: {  	_ =	swait.ge [sflag:s4], $0x1000  }
0x10b: {  	[sflag:s4] =	ssyncset.done $0x0  }
0x10c: {  	[sflag:s4] =	ssyncadd.s32 $0xFFFFF000  }
0x10d: {  	v22 =	vld.idx.msk [tilespmem:v43+s12+$0x0], $0xffff  }
0x10e: {  	v23 =	vld.idx.msk [tilespmem:v44+s13+$0x0], $0xffff  }
0x10f: {  	(v2sf) =	vpush v19, $0xA;
	_ =	sdelay $0x1  }
0x110: {  	v20 =	vor.u32 v5, v41;
	(v2sf) =	vpush v16, $0xA  }
0x111: {  	v21 =	vor.u32 v5, v42  }
0x112: {  	v22 =	vmul.f32 v23, v22;
	_ =	sdelay $0x1  }
0x113: {  	[tilespmem:s22+$0x10500] =	vst v22  }
0x114: {  	v20 =	vld.idx.msk [tilespmem:v20+s12+$0x0], $0xffff  }
0x115: {  	v21 =	vld.idx.msk [tilespmem:v21+s13+$0x0], $0xffff;
	_ =	sdelay $0x4  }
0x116: {  	v20 =	vmul.f32 v21, v20;
	_ =	sdelay $0x1  }
0x117: {  	s24 =	simm.s32 $0x2400;
	s2 =	spop (v2sf);
	[tilespmem:s22+$0x10510] =	vst v20  }
0x118: {  	[tilespmem:s24], [sflag:$0x3] =	stream.strided.gather [hbm4b:s2+s12], $0x1000, s11, s12, $0x38;
	[tilespmem:$0x18400] =	vst v63  }
0x119: {  	s0 =	spop (v2sf)  }
0x11a: {  	[tilespmem:s29], [sflag:$0xB] =	stream.strided.gather [hbm4b:s0+s12], $0x1000, s11, s12, $0x38;
	[tilespmem:$0x18400] =	vst v63  }
0x11b: {  	v45 =	vbroadcast v17, $0x3;
	s29 =	simm.s32 $0x4  }
0x11c: {  	v46 =	vbroadcast v18, $0x3;
	_ =	swait.ge [sflag:s29], $0x1000  }
0x11d: {  	v47 =	vor.u32 v6, v45;
	[sflag:s29] =	ssyncset.done $0x0  }
0x11e: {  	v48 =	vor.u32 v6, v46;
	[sflag:s29] =	ssyncadd.s32 $0xFFFFF000  }
0x11f: {  	_ =	swait.ge [sflag:s9], $0x1000  }
0x120: {  	[sflag:s9] =	ssyncset.done $0x0  }
0x121: {  	[sflag:s9] =	ssyncadd.s32 $0xFFFFF000  }
0x122: {  	v22 =	vld.idx.msk [tilespmem:v47+s12+$0x0], $0xffff  }
0x123: {  	v23 =	vld.idx.msk [tilespmem:v48+s13+$0x0], $0xffff  }
0x124: {  	(v2sf) =	vpush v19, $0xB;
	_ =	sdelay $0x1  }
0x125: {  	v20 =	vor.u32 v7, v45;
	(v2sf) =	vpush v16, $0xB  }
0x126: {  	v21 =	vor.u32 v7, v46  }
0x127: {  	v22 =	vmul.f32 v23, v22;
	_ =	sdelay $0x1  }
0x128: {  	[tilespmem:s22+$0x10580] =	vst v22  }
0x129: {  	v20 =	vld.idx.msk [tilespmem:v20+s12+$0x0], $0xffff  }
0x12a: {  	v21 =	vld.idx.msk [tilespmem:v21+s13+$0x0], $0xffff;
	_ =	sdelay $0x4  }
0x12b: {  	v20 =	vmul.f32 v21, v20;
	_ =	sdelay $0x1  }
0x12c: {  	s24 =	simm.s32 $0x3400;
	s2 =	spop (v2sf);
	[tilespmem:s22+$0x10590] =	vst v20  }
0x12d: {  	[tilespmem:s24], [sflag:$0x4] =	stream.strided.gather [hbm4b:s2+s12], $0x1000, s11, s12, $0x38;
	[tilespmem:$0x18400] =	vst v63  }
0x12e: {  	s0 =	spop (v2sf)  }
0x12f: {  	[tilespmem:s30], [sflag:$0xC] =	stream.strided.gather [hbm4b:s0+s12], $0x1000, s11, s12, $0x38;
	[tilespmem:$0x18400] =	vst v63  }
0x130: {  	v49 =	vbroadcast v17, $0x4;
	s30 =	simm.s32 $0x5  }
0x131: {  	v50 =	vbroadcast v18, $0x4;
	_ =	swait.ge [sflag:s30], $0x1000  }
0x132: {  	v51 =	vor.u32 v8, v49;
	[sflag:s30] =	ssyncset.done $0x0  }
0x133: {  	v52 =	vor.u32 v8, v50;
	[sflag:s30] =	ssyncadd.s32 $0xFFFFF000  }
0x134: {  	_ =	swait.ge [sflag:s14], $0x1000  }
0x135: {  	[sflag:s14] =	ssyncset.done $0x0  }
0x136: {  	[sflag:s14] =	ssyncadd.s32 $0xFFFFF000  }
0x137: {  	v22 =	vld.idx.msk [tilespmem:v51+s12+$0x0], $0xffff  }
0x138: {  	v23 =	vld.idx.msk [tilespmem:v52+s13+$0x0], $0xffff  }
0x139: {  	(v2sf) =	vpush v19, $0xC;
	_ =	sdelay $0x1  }
0x13a: {  	v20 =	vor.u32 v9, v49;
	(v2sf) =	vpush v16, $0xC  }
0x13b: {  	v21 =	vor.u32 v9, v50  }
0x13c: {  	v22 =	vmul.f32 v23, v22;
	_ =	sdelay $0x1  }
0x13d: {  	[tilespmem:s22+$0x10600] =	vst v22  }
0x13e: {  	v20 =	vld.idx.msk [tilespmem:v20+s12+$0x0], $0xffff  }
0x13f: {  	v21 =	vld.idx.msk [tilespmem:v21+s13+$0x0], $0xffff;
	_ =	sdelay $0x4  }
0x140: {  	v20 =	vmul.f32 v21, v20;
	_ =	sdelay $0x1  }
0x141: {  	s24 =	simm.s32 $0x4400;
	s2 =	spop (v2sf);
	[tilespmem:s22+$0x10610] =	vst v20  }
0x142: {  	[tilespmem:s24], [sflag:$0x5] =	stream.strided.gather [hbm4b:s2+s12], $0x1000, s11, s12, $0x38;
	[tilespmem:$0x18400] =	vst v63  }
0x143: {  	s0 =	spop (v2sf);
	s24 =	simm.s32 $0x6  }
0x144: {  	v53 =	vbroadcast v17, $0x5;
	[tilespmem:s31], [sflag:$0xD] =	stream.strided.gather [hbm4b:s0+s12], $0x1000, s11, s12, $0x38;
	[tilespmem:$0x18400] =	vst v63  }
0x145: {  	v54 =	vbroadcast v18, $0x5;
	_ =	swait.ge [sflag:s24], $0x1000  }
0x146: {  	v55 =	vor.u32 v10, v53;
	[sflag:s24] =	ssyncset.done $0x0  }
0x147: {  	v56 =	vor.u32 v10, v54;
	s31 =	simm.s32 $0xE;
	[sflag:s24] =	ssyncadd.s32 $0xFFFFF000  }
0x148: {  	_ =	swait.ge [sflag:s31], $0x1000  }
0x149: {  	[sflag:s31] =	ssyncset.done $0x0  }
0x14a: {  	[sflag:s31] =	ssyncadd.s32 $0xFFFFF000  }
0x14b: {  	v22 =	vld.idx.msk [tilespmem:v55+s12+$0x0], $0xffff  }
0x14c: {  	v23 =	vld.idx.msk [tilespmem:v56+s13+$0x0], $0xffff  }
0x14d: {  	(v2sf) =	vpush v19, $0xD;
	_ =	sdelay $0x1  }
0x14e: {  	v20 =	vor.u32 v11, v53;
	(v2sf) =	vpush v16, $0xD  }
0x14f: {  	v21 =	vor.u32 v11, v54  }
0x150: {  	v22 =	vmul.f32 v23, v22;
	_ =	sdelay $0x1  }
0x151: {  	[tilespmem:s22+$0x10680] =	vst v22  }
0x152: {  	v20 =	vld.idx.msk [tilespmem:v20+s12+$0x0], $0xffff  }
0x153: {  	v21 =	vld.idx.msk [tilespmem:v21+s13+$0x0], $0xffff;
	_ =	sdelay $0x4  }
0x154: {  	v20 =	vmul.f32 v21, v20;
	_ =	sdelay $0x1  }
0x155: {  	s2 =	simm.s32 $0x5400;
	s0 =	spop (v2sf);
	[tilespmem:s22+$0x10690] =	vst v20  }
0x156: {  	[tilespmem:s2], [sflag:$0x6] =	stream.strided.gather [hbm4b:s0+s12], $0x1000, s11, s12, $0x38;
	[tilespmem:$0x18400] =	vst v63  }
0x157: {  	s23 =	spop (v2sf);
	s2 =	simm.s32 $0x7;
	s0 =	simm.s32 $0xD400  }
0x158: {  	v57 =	vbroadcast v17, $0x6;
	[tilespmem:s0], [sflag:$0xE] =	stream.strided.gather [hbm4b:s23+s12], $0x1000, s11, s12, $0x38;
	[tilespmem:$0x18400] =	vst v63  }
0x159: {  	v58 =	vbroadcast v18, $0x6;
	_ =	swait.ge [sflag:s2], $0x1000  }
0x15a: {  	v59 =	vor.u32 v12, v57;
	[sflag:s2] =	ssyncset.done $0x0  }
0x15b: {  	v60 =	vor.u32 v12, v58;
	[sflag:s2] =	ssyncadd.s32 $0xFFFFF000  }
0x15c: {  	_ =	swait.ge [sflag:s15], $0x1000  }
0x15d: {  	[sflag:s15] =	ssyncset.done $0x0  }
0x15e: {  	[sflag:s15] =	ssyncadd.s32 $0xFFFFF000  }
0x15f: {  	v22 =	vld.idx.msk [tilespmem:v59+s12+$0x0], $0xffff  }
0x160: {  	v23 =	vld.idx.msk [tilespmem:v60+s13+$0x0], $0xffff  }
0x161: {  	(v2sf) =	vpush v19, $0xE;
	_ =	sdelay $0x1  }
0x162: {  	v20 =	vor.u32 v13, v57;
	(v2sf) =	vpush v16, $0xE  }
0x163: {  	v21 =	vor.u32 v13, v58  }
0x164: {  	v22 =	vmul.f32 v23, v22;
	_ =	sdelay $0x1  }
0x165: {  	[tilespmem:s22+$0x10700] =	vst v22  }
0x166: {  	v20 =	vld.idx.msk [tilespmem:v20+s12+$0x0], $0xffff  }
0x167: {  	v21 =	vld.idx.msk [tilespmem:v21+s13+$0x0], $0xffff;
	_ =	sdelay $0x4  }
0x168: {  	v20 =	vmul.f32 v21, v20;
	_ =	sdelay $0x1  }
0x169: {  	s26 =	simm.s32 $0x6400;
	s23 =	spop (v2sf);
	[tilespmem:s22+$0x10710] =	vst v20  }
0x16a: {  	[tilespmem:s26], [sflag:$0x7] =	stream.strided.gather [hbm4b:s23+s12], $0x1000, s11, s12, $0x38;
	[tilespmem:$0x18400] =	vst v63  }
0x16b: {  	s26 =	spop (v2sf)  }
0x16c: {  	v17 =	vbroadcast v17, $0x7;
	[tilespmem:s10], [sflag:$0xF] =	stream.strided.gather [hbm4b:s26+s12], $0x1000, s11, s12, $0x38;
	[tilespmem:$0x18400] =	vst v63  }
0x16d: {  	v18 =	vbroadcast v18, $0x7;
	_ =	swait.ge [sflag:s16], $0x1000  }
0x16e: {  	v61 =	vor.u32 v14, v17;
	[sflag:s16] =	ssyncset.done $0x0  }
0x16f: {  	v62 =	vor.u32 v14, v18;
	[sflag:s16] =	ssyncadd.s32 $0xFFFFF000  }
0x170: {  	_ =	swait.ge [sflag:s17], $0x1000  }
0x171: {  	[sflag:s17] =	ssyncset.done $0x0  }
0x172: {  	[sflag:s17] =	ssyncadd.s32 $0xFFFFF000  }
0x173: {  	v20 =	vld.idx.msk [tilespmem:v61+s12+$0x0], $0xffff  }
0x174: {  	v21 =	vld.idx.msk [tilespmem:v62+s13+$0x0], $0xffff  }
0x175: {  	(v2sf) =	vpush v19, $0xF;
	_ =	sdelay $0x1  }
0x176: {  	v17 =	vor.u32 v15, v17;
	(v2sf) =	vpush v16, $0xF  }
0x177: {  	v16 =	vor.u32 v15, v18  }
0x178: {  	v63 =	vmul.f32 v21, v20;
	_ =	sdelay $0x1  }
0x179: {  	[tilespmem:s22+$0x10780] =	vst v63  }
0x17a: {  	v17 =	vld.idx.msk [tilespmem:v17+s12+$0x0], $0xffff  }
0x17b: {  	v16 =	vld.idx.msk [tilespmem:v16+s13+$0x0], $0xffff;
	_ =	sdelay $0x3  }
0x17c: {  	s20 =	sadd.s32 $0x40, s20  }
0x17d: {  	p0 =	sne.s32 s20, $0x800;
	v16 =	vmul.f32 v16, v17  }
.Ltmp0:
0x17e: {  	_ = 	snop;
	(pc) =	sbr.rel @p0 .LBB2_2-.Ltmp0, $4  }
0x17f: {  	s21 =	sadd.s32 $0x1, s21;
	s19 =	sadd.s32 $0x800, s19;
	s23 =	spop (v2sf);
	[tilespmem:s22+$0x10790] =	vst v16  }
0x180: {  	[tilespmem:s25], [sflag:$0x8] =	stream.strided.gather [hbm4b:s23+s12], $0x1000, s11, s12, $0x38;
	[tilespmem:$0x18400] =	vst v63  }
0x181: {  	s18 =	sadd.s32 $0x800, s18;
	s0 =	simm.s32 $0xF400;
	s26 =	spop (v2sf)  }
0x182: {  	[tilespmem:s0], [sflag:$0x10] =	stream.strided.gather [hbm4b:s26+s12], $0x1000, s11, s12, $0x38;
	[tilespmem:$0x18400] =	vst v63  }
0x183: {  	v16 =	vld [tilespmem:$0x1F0]  }
0x184: {  	v18 =	vld [tilespmem:$0x3F0];
	_ =	sdelay $0x3  }
0x185: {  	v17 =	vand.u32 $0x7F, v16  }
0x186: {  	v16 =	vand.u32 $0x7F, v18;
	v37 =	vbroadcast v17, $0x8  }
0x187: {  	_ =	swait.ge [sflag:s5], $0x1000;
	v19 =	vbroadcast v16, $0x8  }
0x188: {  	[sflag:s5] =	ssyncset.done $0x0;
	v20 =	vor.u32 v0, v37  }
0x189: {  	[sflag:s5] =	ssyncadd.s32 $0xFFFFF000;
	v21 =	vor.u32 v0, v19  }
0x18a: {  	_ =	swait.ge [sflag:s6], $0x1000  }
0x18b: {  	[sflag:s6] =	ssyncset.done $0x0  }
0x18c: {  	[sflag:s6] =	ssyncadd.s32 $0xFFFFF000  }
0x18d: {  	v20 =	vld.idx.msk [tilespmem:v20+s12+$0x0], $0xffff  }
0x18e: {  	v21 =	vld.idx.msk [tilespmem:v21+s13+$0x0], $0xffff;
	_ =	sdelay $0x2  }
0x18f: {  	v18 =	vor.u32 v1, v37  }
0x190: {  	v19 =	vor.u32 v1, v19  }
0x191: {  	v20 =	vmul.f32 v21, v20;
	_ =	sdelay $0x1  }
0x192: {  	[tilespmem:$0x18000] =	vst v20  }
0x193: {  	v18 =	vld.idx.msk [tilespmem:v18+s12+$0x0], $0xffff  }
0x194: {  	v19 =	vld.idx.msk [tilespmem:v19+s13+$0x0], $0xffff;
	_ =	sdelay $0x4  }
0x195: {  	v18 =	vmul.f32 v19, v18;
	_ =	sdelay $0x1  }
0x196: {  	v38 =	vbroadcast v17, $0x9;
	[tilespmem:$0x18010] =	vst v18  }
0x197: {  	v39 =	vbroadcast v16, $0x9;
	_ =	swait.ge [sflag:s7], $0x1000  }
0x198: {  	v40 =	vor.u32 v2, v38;
	[sflag:s7] =	ssyncset.done $0x0  }
0x199: {  	v41 =	vor.u32 v2, v39;
	[sflag:s7] =	ssyncadd.s32 $0xFFFFF000  }
0x19a: {  	_ =	swait.ge [sflag:s8], $0x1000  }
0x19b: {  	[sflag:s8] =	ssyncset.done $0x0  }
0x19c: {  	[sflag:s8] =	ssyncadd.s32 $0xFFFFF000  }
0x19d: {  	v20 =	vld.idx.msk [tilespmem:v40+s12+$0x0], $0xffff  }
0x19e: {  	v21 =	vld.idx.msk [tilespmem:v41+s13+$0x0], $0xffff;
	_ =	sdelay $0x2  }
0x19f: {  	v18 =	vor.u32 v3, v38  }
0x1a0: {  	v19 =	vor.u32 v3, v39  }
0x1a1: {  	v20 =	vmul.f32 v21, v20;
	_ =	sdelay $0x1  }
0x1a2: {  	[tilespmem:$0x18080] =	vst v20  }
0x1a3: {  	v18 =	vld.idx.msk [tilespmem:v18+s12+$0x0], $0xffff  }
0x1a4: {  	v19 =	vld.idx.msk [tilespmem:v19+s13+$0x0], $0xffff;
	_ =	sdelay $0x4  }
0x1a5: {  	v18 =	vmul.f32 v19, v18;
	_ =	sdelay $0x1  }
0x1a6: {  	v42 =	vbroadcast v17, $0xA;
	[tilespmem:$0x18090] =	vst v18  }
0x1a7: {  	v43 =	vbroadcast v16, $0xA;
	_ =	swait.ge [sflag:s28], $0x1000  }
0x1a8: {  	v44 =	vor.u32 v4, v42;
	[sflag:s28] =	ssyncset.done $0x0  }
0x1a9: {  	v45 =	vor.u32 v4, v43;
	[sflag:s28] =	ssyncadd.s32 $0xFFFFF000  }
0x1aa: {  	_ =	swait.ge [sflag:s4], $0x1000  }
0x1ab: {  	[sflag:s4] =	ssyncset.done $0x0  }
0x1ac: {  	[sflag:s4] =	ssyncadd.s32 $0xFFFFF000  }
0x1ad: {  	v20 =	vld.idx.msk [tilespmem:v44+s12+$0x0], $0xffff  }
0x1ae: {  	v21 =	vld.idx.msk [tilespmem:v45+s13+$0x0], $0xffff;
	_ =	sdelay $0x2  }
0x1af: {  	v18 =	vor.u32 v5, v42  }
0x1b0: {  	v19 =	vor.u32 v5, v43  }
0x1b1: {  	v20 =	vmul.f32 v21, v20;
	_ =	sdelay $0x1  }
0x1b2: {  	[tilespmem:$0x18100] =	vst v20  }
0x1b3: {  	v18 =	vld.idx.msk [tilespmem:v18+s12+$0x0], $0xffff  }
0x1b4: {  	v19 =	vld.idx.msk [tilespmem:v19+s13+$0x0], $0xffff;
	_ =	sdelay $0x4  }
0x1b5: {  	v18 =	vmul.f32 v19, v18;
	_ =	sdelay $0x1  }
0x1b6: {  	v46 =	vbroadcast v17, $0xB;
	[tilespmem:$0x18110] =	vst v18  }
0x1b7: {  	v47 =	vbroadcast v16, $0xB;
	_ =	swait.ge [sflag:s29], $0x1000  }
0x1b8: {  	v48 =	vor.u32 v6, v46;
	[sflag:s29] =	ssyncset.done $0x0  }
0x1b9: {  	v49 =	vor.u32 v6, v47;
	[sflag:s29] =	ssyncadd.s32 $0xFFFFF000  }
0x1ba: {  	_ =	swait.ge [sflag:s9], $0x1000  }
0x1bb: {  	[sflag:s9] =	ssyncset.done $0x0  }
0x1bc: {  	[sflag:s9] =	ssyncadd.s32 $0xFFFFF000  }
0x1bd: {  	v20 =	vld.idx.msk [tilespmem:v48+s12+$0x0], $0xffff  }
0x1be: {  	v21 =	vld.idx.msk [tilespmem:v49+s13+$0x0], $0xffff;
	_ =	sdelay $0x2  }
0x1bf: {  	v18 =	vor.u32 v7, v46  }
0x1c0: {  	v19 =	vor.u32 v7, v47  }
0x1c1: {  	v20 =	vmul.f32 v21, v20;
	_ =	sdelay $0x1  }
0x1c2: {  	[tilespmem:$0x18180] =	vst v20  }
0x1c3: {  	v18 =	vld.idx.msk [tilespmem:v18+s12+$0x0], $0xffff  }
0x1c4: {  	v19 =	vld.idx.msk [tilespmem:v19+s13+$0x0], $0xffff;
	_ =	sdelay $0x4  }
0x1c5: {  	v18 =	vmul.f32 v19, v18;
	_ =	sdelay $0x1  }
0x1c6: {  	v50 =	vbroadcast v17, $0xC;
	[tilespmem:$0x18190] =	vst v18  }
0x1c7: {  	v51 =	vbroadcast v16, $0xC;
	_ =	swait.ge [sflag:s30], $0x1000  }
0x1c8: {  	v52 =	vor.u32 v8, v50;
	[sflag:s30] =	ssyncset.done $0x0  }
0x1c9: {  	v53 =	vor.u32 v8, v51;
	[sflag:s30] =	ssyncadd.s32 $0xFFFFF000  }
0x1ca: {  	_ =	swait.ge [sflag:s14], $0x1000  }
0x1cb: {  	[sflag:s14] =	ssyncset.done $0x0  }
0x1cc: {  	[sflag:s14] =	ssyncadd.s32 $0xFFFFF000  }
0x1cd: {  	v20 =	vld.idx.msk [tilespmem:v52+s12+$0x0], $0xffff  }
0x1ce: {  	v21 =	vld.idx.msk [tilespmem:v53+s13+$0x0], $0xffff;
	_ =	sdelay $0x2  }
0x1cf: {  	v18 =	vor.u32 v9, v50  }
0x1d0: {  	v19 =	vor.u32 v9, v51  }
0x1d1: {  	v20 =	vmul.f32 v21, v20;
	_ =	sdelay $0x1  }
0x1d2: {  	[tilespmem:$0x18200] =	vst v20  }
0x1d3: {  	v18 =	vld.idx.msk [tilespmem:v18+s12+$0x0], $0xffff  }
0x1d4: {  	v19 =	vld.idx.msk [tilespmem:v19+s13+$0x0], $0xffff;
	_ =	sdelay $0x4  }
0x1d5: {  	v18 =	vmul.f32 v19, v18;
	_ =	sdelay $0x1  }
0x1d6: {  	v54 =	vbroadcast v17, $0xD;
	[tilespmem:$0x18210] =	vst v18  }
0x1d7: {  	v55 =	vbroadcast v16, $0xD;
	_ =	swait.ge [sflag:s24], $0x1000  }
0x1d8: {  	v56 =	vor.u32 v10, v54;
	[sflag:s24] =	ssyncset.done $0x0  }
0x1d9: {  	v57 =	vor.u32 v10, v55;
	[sflag:s24] =	ssyncadd.s32 $0xFFFFF000  }
0x1da: {  	_ =	swait.ge [sflag:s31], $0x1000  }
0x1db: {  	[sflag:s31] =	ssyncset.done $0x0  }
0x1dc: {  	[sflag:s31] =	ssyncadd.s32 $0xFFFFF000  }
0x1dd: {  	v20 =	vld.idx.msk [tilespmem:v56+s12+$0x0], $0xffff  }
0x1de: {  	v21 =	vld.idx.msk [tilespmem:v57+s13+$0x0], $0xffff;
	_ =	sdelay $0x2  }
0x1df: {  	v18 =	vor.u32 v11, v54  }
0x1e0: {  	v19 =	vor.u32 v11, v55  }
0x1e1: {  	v20 =	vmul.f32 v21, v20;
	_ =	sdelay $0x1  }
0x1e2: {  	[tilespmem:$0x18280] =	vst v20  }
0x1e3: {  	v18 =	vld.idx.msk [tilespmem:v18+s12+$0x0], $0xffff  }
0x1e4: {  	v19 =	vld.idx.msk [tilespmem:v19+s13+$0x0], $0xffff;
	_ =	sdelay $0x4  }
0x1e5: {  	v18 =	vmul.f32 v19, v18;
	_ =	sdelay $0x1  }
0x1e6: {  	v58 =	vbroadcast v17, $0xE;
	[tilespmem:$0x18290] =	vst v18  }
0x1e7: {  	v59 =	vbroadcast v16, $0xE;
	_ =	swait.ge [sflag:s2], $0x1000  }
0x1e8: {  	v60 =	vor.u32 v12, v58;
	[sflag:s2] =	ssyncset.done $0x0  }
0x1e9: {  	v61 =	vor.u32 v12, v59;
	[sflag:s2] =	ssyncadd.s32 $0xFFFFF000  }
0x1ea: {  	_ =	swait.ge [sflag:s15], $0x1000  }
0x1eb: {  	[sflag:s15] =	ssyncset.done $0x0  }
0x1ec: {  	[sflag:s15] =	ssyncadd.s32 $0xFFFFF000  }
0x1ed: {  	v20 =	vld.idx.msk [tilespmem:v60+s12+$0x0], $0xffff  }
0x1ee: {  	v21 =	vld.idx.msk [tilespmem:v61+s13+$0x0], $0xffff;
	_ =	sdelay $0x2  }
0x1ef: {  	v18 =	vor.u32 v13, v58  }
0x1f0: {  	v19 =	vor.u32 v13, v59  }
0x1f1: {  	v20 =	vmul.f32 v21, v20;
	_ =	sdelay $0x1  }
0x1f2: {  	[tilespmem:$0x18300] =	vst v20  }
0x1f3: {  	v18 =	vld.idx.msk [tilespmem:v18+s12+$0x0], $0xffff  }
0x1f4: {  	v19 =	vld.idx.msk [tilespmem:v19+s13+$0x0], $0xffff;
	_ =	sdelay $0x4  }
0x1f5: {  	v18 =	vmul.f32 v19, v18;
	_ =	sdelay $0x1  }
0x1f6: {  	v17 =	vbroadcast v17, $0xF;
	[tilespmem:$0x18310] =	vst v18  }
0x1f7: {  	v16 =	vbroadcast v16, $0xF;
	_ =	swait.ge [sflag:s16], $0x1000  }
0x1f8: {  	v62 =	vor.u32 v14, v17;
	[sflag:s16] =	ssyncset.done $0x0  }
0x1f9: {  	v63 =	vor.u32 v14, v16;
	[sflag:s16] =	ssyncadd.s32 $0xFFFFF000  }
0x1fa: {  	_ =	swait.ge [sflag:s17], $0x1000  }
0x1fb: {  	[sflag:s17] =	ssyncset.done $0x0  }
0x1fc: {  	[sflag:s17] =	ssyncadd.s32 $0xFFFFF000  }
0x1fd: {  	v18 =	vld.idx.msk [tilespmem:v62+s12+$0x0], $0xffff  }
0x1fe: {  	v19 =	vld.idx.msk [tilespmem:v63+s13+$0x0], $0xffff;
	_ =	sdelay $0x2  }
0x1ff: {  	v17 =	vor.u32 v15, v17  }
0x200: {  	v16 =	vor.u32 v15, v16  }
0x201: {  	v18 =	vmul.f32 v19, v18;
	_ =	sdelay $0x1  }
0x202: {  	[tilespmem:$0x18380] =	vst v18  }
0x203: {  	v17 =	vld.idx.msk [tilespmem:v17+s12+$0x0], $0xffff  }
0x204: {  	v16 =	vld.idx.msk [tilespmem:v16+s13+$0x0], $0xffff;
	_ =	sdelay $0x4  }
0x205: {  	v16 =	vmul.f32 v16, v17  }
0x206: {  	s18 =	simm.s32 $0x0  }
0x207: {  	s0 =	simm.s32 $0x10400;
	s20 =	simm.s32 $0x11;
	s19 =	rddreg [dreg:$0x9];
	[tilespmem:$0x18390] =	vst v16  }
0x208: {  	[hbm4b:s19+s18] =	stream.linear.scatter [tilespmem:s0], [sflag:$0x11], $0x8000, $0x38;
	[tilespmem:$0x18400] =	vst v63  }
0x209: {  	_ =	swait.ge [sflag:s20], $0x8000  }
0x20a: {  	s30 =	rddreg [dreg:$0xb]  }
0x20b: {  	s31 =	rddreg [dreg:$0xa];
	s0 =	sadd.s32 $0x1, s30  }
0x20c: {  	p0 =	sne.s32 s0, s31  }
.Ltmp1:
0x20d: {  	_ = 	snop;
	(pc) =	sbr.rel @p0 .LBB2_1-.Ltmp1, $3  }
0x20e: {  	_ =	sdelay $0x1  }
0x20f: {  	[sflag:s20] =	ssyncset.done $0x0  }
0x210: {  	[sflag:s20] =	ssyncadd.s32 $0xFFFF8000  }
0x211: {  	_ =	sfence.sel $0x180000  }
0x212: {  	[bflag:$0x0] =	sbarrier.arrive $0xFFFF  }
0x213: {  	_ =	strace $0x90000047  }
0x214: {  	s0 =	stileid.u32;
	[bflag:$0x2] =	sbarrier.arrive $0xFFFF  }
0x215: {  	p0 =	sne.s32 s0, $0x0;
	s0 =	rddreg [dreg:$0x5]  }
0x216: {  	s0 =	sadd.s32 @!p0 $0x100000, s0  }
0x217: {  	[sflag:s0] =	ssyncadd.tile.s32 @!p0 $0x1;
	_ =	shalt  }
.Lfunc_end2:
_tile_overlayer_lowered:
.L_overlay_start_2:
0x218: {  	(tag) =	ssettag $0x2  }
0x219: {  	s0 =	rddreg [dreg:$0x0];
	s2 =	stileid.u32  }
0x21a: {  	s1 =	rddreg [dreg:$0x1];
	p0 =	sne.s32 s2, $0x0  }
0x21b: {  	s3 =	rddreg [dreg:$0x2];
	[bflag:$0x3] =	sbarrier.arrive $0xFFFF;
	s2 =	simm.s32 @!p0 $0x1C11  }
0x21c: {  	[timem:s3], [sflag:s2] =	dma.local @!p0 [hbm:s0], s1  }
0x21d: {  	s0 =	simm.s32 @!p0 $0x11  }
0x21e: {  	_ =	swait.ge @!p0 [sflag:s0], s1  }
0x21f: {  	s1 =	ssub.s32 @!p0 $0x0, s1;
	[sflag:s0] =	ssyncset.done @!p0 $0x0  }
0x220: {  	[sflag:s0] =	ssyncadd.s32 @!p0 s1  }
0x221: {  	[bflag:$0x3] =	sbarrier.arrive $0xFFFF  }
0x222: {  	_ =	shalt  }

</sc_bundles>
